<compile_context>
chip_gen: v7x
topology: tpu7x:2x2x1
jax: 0.10.2.dev20260603
libtpu: 0.0.44.dev20260713+nightly
codegen_flags: <defaults>
</compile_context>

<pallas_src>
import functools

import jax
import jax.numpy as jnp
from jax import lax
from jax.experimental import pallas as pl
from jax.experimental.pallas import tpu as pltpu
from jax.experimental.pallas import tpu_sc as plsc

_NC, _NS = 2, 16
_CBLK = 8


def _sc_body(m_hbm, p1_hbm, p2_hbm, m_v, strip_v, sem):
    h2 = 192
    h = 384
    rows_half = 48
    plane = h * h
    strip_elems = 2 * rows_half * h

    wid = lax.axis_index("s") * _NC + lax.axis_index("c")
    bi = wid // 8
    rem = wid % 8
    mask_id = rem // 4
    strip = rem % 4
    r0 = strip * rows_half

    pltpu.sync_copy(m_hbm.at[pl.ds(bi * (h2 * h2) + r0 * h2, rows_half * h2)],
                    m_v)

    lane = lax.iota(jnp.int32, 16)
    colb = lane >> 1
    par = lane & 1
    one = jnp.full((16,), 1.0, jnp.float32)
    zero = jnp.full((16,), 0.0, jnp.float32)
    moff = jnp.broadcast_to(mask_id, (16,)).astype(jnp.int32)

    nchunk = h // 16
    nblk = 4
    rows_blk = rows_half // nblk
    blk_elems = strip_elems // nblk
    base = bi * plane + strip * strip_elems

    def run_blk(p_hbm):
        handles = []
        for blk in range(nblk):

            @plsc.parallel_loop(blk * rows_blk * nchunk,
                                (blk + 1) * rows_blk * nchunk, unroll=8)
            def _expand(i):
                r = i // nchunk
                k = i % nchunk
                rbase = jnp.broadcast_to(r * h2, (16,)).astype(jnp.int32)
                p = plsc.load_gather(m_v, [rbase + colb + 8 * k])
                q = (p + moff) & 3
                pos = q ^ (q >> 1)
                strip_v[pl.ds(2 * r * h + 16 * k, 16)] = jnp.where(
                    pos == par, one, zero)
                strip_v[pl.ds((2 * r + 1) * h + 16 * k, 16)] = jnp.where(
                    pos == par + 2, one, zero)

            src = strip_v.at[pl.ds(blk * blk_elems, blk_elems)]
            handles.append(pltpu.async_copy(
                src, p_hbm.at[pl.ds(base + blk * blk_elems, blk_elems)], sem))
        for hdl in handles:
            hdl.wait()

    @pl.when(mask_id == 0)
    def _m0():
        run_blk(p1_hbm)

    @pl.when(mask_id == 1)
    def _m1():
        run_blk(p2_hbm)


def _tc_body(p1_ref, p2_ref, o1_ref, o2_ref):
    c, w, h = o1_ref.shape[1], o1_ref.shape[2], o1_ref.shape[3]
    o1_ref[0] = jnp.broadcast_to(p1_ref[0][None], (c, w, h))
    o2_ref[0] = jnp.broadcast_to(p2_ref[0][None], (c, w, h))


def kernel(input, initmask):
    b, c, w, h = input.shape
    w2, h2 = w // 2, h // 2
    m = initmask[:, 0].reshape(b * w2 * h2)
    plane_sds = jax.ShapeDtypeStruct((b * w * h,), jnp.float32)
    mesh = plsc.VectorSubcoreMesh(core_axis_name="c", subcore_axis_name="s")
    expand = functools.partial(
        pl.kernel,
        mesh=mesh,
        compiler_params=pltpu.CompilerParams(needs_layout_passes=False),
        out_type=[plane_sds, plane_sds],
        scratch_types=[
            pltpu.VMEM((w2 // 4 * h2,), jnp.int32),
            pltpu.VMEM((w // 4 * h,), jnp.float32),
            pltpu.SemaphoreType.DMA,
        ],
    )(_sc_body)
    p1, p2 = expand(m)
    p1 = p1.reshape(b, w, h)
    p2 = p2.reshape(b, w, h)

    out_sds = jax.ShapeDtypeStruct((b, c, w, h), input.dtype)
    o1, o2 = pl.pallas_call(
        _tc_body,
        grid=(b, c // _CBLK),
        in_specs=[
            pl.BlockSpec((1, w, h), lambda i, j: (i, 0, 0)),
            pl.BlockSpec((1, w, h), lambda i, j: (i, 0, 0)),
        ],
        out_specs=[
            pl.BlockSpec((1, _CBLK, w, h), lambda i, j: (i, j, 0, 0)),
            pl.BlockSpec((1, _CBLK, w, h), lambda i, j: (i, j, 0, 0)),
        ],
        out_shape=[out_sds, out_sds],
    )(p1, p2)
    return o1, o2

# --- scband reference (transcript-rebuilt; emitter-appended) ---
"""Pipeline reference for scband-masksampling-695784702485 (READ-ONLY COPY).

The authoritative reference and input builder live on the scoring server;
editing this copy changes nothing except your own understanding.
"""

import jax, jax.numpy as jnp
import numpy as np

# the four 2x2 mask patterns from the torch module
PATTERNS = jnp.array([[[1, 2], [0, 0]],
                      [[0, 1], [0, 2]],
                      [[0, 0], [2, 1]],
                      [[2, 0], [1, 0]]], dtype=jnp.int32)


def setup_inputs(seed: int = 0) -> dict:
    key = jax.random.key(seed)
    k1, k2 = jax.random.split(key)
    b, c, w, h = 4, 96, 384, 384
    inp = jax.random.normal(k1, (b, c, w, h), dtype=jnp.float32)
    # random per-2x2-block pattern selector (torch.randint(0, 4, (b,1,w//2,h//2)))
    initmask = jax.random.randint(k2, (b, 1, w // 2, h // 2), 0, 4, dtype=jnp.int32)
    return {"input": inp, "initmask": initmask}


def reference(input, initmask):
    b, c, w, h = input.shape
    assert w % 2 == 0 and h % 2 == 0
    w2, h2 = w // 2, h // 2
    # gather the 2x2 pattern for every block: [b, w2, h2, 2, 2]
    blocks = jnp.take(PATTERNS, initmask[:, 0], axis=0)
    # tile blocks back into full-resolution mask: [b, w, h]
    full = jnp.transpose(blocks, (0, 1, 3, 2, 4)).reshape(b, w, h)
    # repeat identically across all channels (torch repeats pattern per channel)
    full = jnp.broadcast_to(full[:, None, :, :], (b, c, w, h))
    one = jnp.asarray(1.0, dtype=input.dtype)
    zero = jnp.asarray(0.0, dtype=input.dtype)
    mask1 = jnp.where(full == 1, one, zero)
    mask2 = jnp.where(full == 2, one, zero)
    return (mask1, mask2)

if __name__ == "__main__":
    import jax
    _d = setup_inputs()
    print(jax.jit(kernel)(*tuple(_d.values())))

</pallas_src>

<mosaic_0001>
#map = affine_map<(d0, d1) -> (0)>
module attributes {stable_mosaic.version = 14 : i64} {
  func.func @_sc_body(%arg0: i32, %arg1: i32, %arg2: memref<147456xi32, #tpu.memory_space<hbm>>, %arg3: memref<589824xf32, #tpu.memory_space<hbm>>, %arg4: memref<589824xf32, #tpu.memory_space<hbm>>, %arg5: memref<9216xi32, #tpu.memory_space<vmem>>, %arg6: memref<36864xf32, #tpu.memory_space<vmem>>, %arg7: memref<!tpu.dma_semaphore, #tpu.memory_space<semaphore_mem>>) attributes {dimension_semantics = [#tpu.dimension_semantics<core_parallel>, #tpu.dimension_semantics<subcore_parallel>], iteration_bounds = array<i64: 2, 16>, scalar_prefetch = 0 : i64, scratch_operands = 3 : i64, tpu.core_type = #tpu.core_type<sc_vector_subcore>, window_params = [{transform_indices = #map}, {transform_indices = #map}, {transform_indices = #map}]} {
    %mul3A = arith.constant 2 : i32
    %mul3A_0 = arith.muli %arg1, %mul3A : i32
    %add3A = arith.addi %mul3A_0, %arg0 : i32
    %jit3A = arith.constant 8 : i32
    %div3A = arith.divsi %add3A, %jit3A : i32
    %sign3A = arith.constant 0 : i32
    %sign3A_1 = arith.cmpi sgt, %add3A, %sign3A : i32
    %sign3A_2 = arith.extui %sign3A_1 : i1 to i32
    %sign3A_3 = arith.constant 0 : i32
    %sign3A_4 = arith.cmpi slt, %add3A, %sign3A_3 : i32
    %sign3A_5 = arith.extui %sign3A_4 : i1 to i32
    %sign3A_6 = arith.subi %sign3A_2, %sign3A_5 : i32
    %sign3A_7 = arith.constant 0 : i32
    %sign3A_8 = arith.cmpi sgt, %jit3A, %sign3A_7 : i32
    %sign3A_9 = arith.extui %sign3A_8 : i1 to i32
    %sign3A_10 = arith.constant 0 : i32
    %sign3A_11 = arith.cmpi slt, %jit3A, %sign3A_10 : i32
    %sign3A_12 = arith.extui %sign3A_11 : i1 to i32
    %sign3A_13 = arith.subi %sign3A_9, %sign3A_12 : i32
    %ne3A = arith.cmpi ne, %sign3A_6, %sign3A_13 : i32
    %rem3A = arith.remsi %add3A, %jit3A : i32
    %ne3A_14 = arith.constant 0 : i32
    %ne3A_15 = arith.cmpi ne, %rem3A, %ne3A_14 : i32
    %and3A = arith.andi %ne3A, %ne3A_15 : i1
    %sub3A = arith.constant 1 : i32
    %sub3A_16 = arith.subi %div3A, %sub3A : i32
    %select_n3A = arith.select %and3A, %sub3A_16, %div3A : i32
    %jit3A_17 = arith.constant 8 : i32
    %eq3A = arith.constant 0 : i32
    %eq3A_18 = arith.cmpi eq, %jit3A_17, %eq3A : i32
    %jit3A_19 = arith.constant 1 : i32
    %select_n3A_20 = arith.select %eq3A_18, %jit3A_19, %jit3A_17 : i32
    %rem3A_21 = arith.remsi %add3A, %select_n3A_20 : i32
    %ne3A_22 = arith.constant 0 : i32
    %ne3A_23 = arith.cmpi ne, %rem3A_21, %ne3A_22 : i32
    %lt3A = arith.constant 0 : i32
    %lt3A_24 = arith.cmpi slt, %rem3A_21, %lt3A : i32
    %lt3A_25 = arith.constant 0 : i32
    %lt3A_26 = arith.cmpi slt, %select_n3A_20, %lt3A_25 : i32
    %ne3A_27 = arith.xori %lt3A_24, %lt3A_26 : i1
    %and3A_28 = arith.andi %ne3A_27, %ne3A_23 : i1
    %add3A_29 = arith.addi %rem3A_21, %select_n3A_20 : i32
    %select_n3A_30 = arith.select %and3A_28, %add3A_29, %rem3A_21 : i32
    %jit3A_31 = arith.constant 4 : i32
    %div3A_32 = arith.divsi %select_n3A_30, %jit3A_31 : i32
    %sign3A_33 = arith.constant 0 : i32
    %sign3A_34 = arith.cmpi sgt, %select_n3A_30, %sign3A_33 : i32
    %sign3A_35 = arith.extui %sign3A_34 : i1 to i32
    %sign3A_36 = arith.constant 0 : i32
    %sign3A_37 = arith.cmpi slt, %select_n3A_30, %sign3A_36 : i32
    %sign3A_38 = arith.extui %sign3A_37 : i1 to i32
    %sign3A_39 = arith.subi %sign3A_35, %sign3A_38 : i32
    %sign3A_40 = arith.constant 0 : i32
    %sign3A_41 = arith.cmpi sgt, %jit3A_31, %sign3A_40 : i32
    %sign3A_42 = arith.extui %sign3A_41 : i1 to i32
    %sign3A_43 = arith.constant 0 : i32
    %sign3A_44 = arith.cmpi slt, %jit3A_31, %sign3A_43 : i32
    %sign3A_45 = arith.extui %sign3A_44 : i1 to i32
    %sign3A_46 = arith.subi %sign3A_42, %sign3A_45 : i32
    %ne3A_47 = arith.cmpi ne, %sign3A_39, %sign3A_46 : i32
    %rem3A_48 = arith.remsi %select_n3A_30, %jit3A_31 : i32
    %ne3A_49 = arith.constant 0 : i32
    %ne3A_50 = arith.cmpi ne, %rem3A_48, %ne3A_49 : i32
    %and3A_51 = arith.andi %ne3A_47, %ne3A_50 : i1
    %sub3A_52 = arith.constant 1 : i32
    %sub3A_53 = arith.subi %div3A_32, %sub3A_52 : i32
    %select_n3A_54 = arith.select %and3A_51, %sub3A_53, %div3A_32 : i32
    %jit3A_55 = arith.constant 4 : i32
    %eq3A_56 = arith.constant 0 : i32
    %eq3A_57 = arith.cmpi eq, %jit3A_55, %eq3A_56 : i32
    %jit3A_58 = arith.constant 1 : i32
    %select_n3A_59 = arith.select %eq3A_57, %jit3A_58, %jit3A_55 : i32
    %rem3A_60 = arith.remsi %select_n3A_30, %select_n3A_59 : i32
    %ne3A_61 = arith.constant 0 : i32
    %ne3A_62 = arith.cmpi ne, %rem3A_60, %ne3A_61 : i32
    %lt3A_63 = arith.constant 0 : i32
    %lt3A_64 = arith.cmpi slt, %rem3A_60, %lt3A_63 : i32
    %lt3A_65 = arith.constant 0 : i32
    %lt3A_66 = arith.cmpi slt, %select_n3A_59, %lt3A_65 : i32
    %ne3A_67 = arith.xori %lt3A_64, %lt3A_66 : i1
    %and3A_68 = arith.andi %ne3A_67, %ne3A_62 : i1
    %add3A_69 = arith.addi %rem3A_60, %select_n3A_59 : i32
    %select_n3A_70 = arith.select %and3A_68, %add3A_69, %rem3A_60 : i32
    %mul3A_71 = arith.constant 48 : i32
    %mul3A_72 = arith.muli %select_n3A_70, %mul3A_71 : i32
    %mul3A_73 = arith.constant 36864 : i32
    %mul3A_74 = arith.muli %select_n3A, %mul3A_73 : i32
    %mul3A_75 = arith.constant 192 : i32
    %mul3A_76 = arith.muli %mul3A_72, %mul3A_75 : i32
    %add3A_77 = arith.addi %mul3A_74, %mul3A_76 : i32
    "tpu.region"() ({
      %run_scoped3A = tpu.sem_alloc : memref<!tpu.dma_semaphore, #tpu.memory_space<semaphore_mem>>
      %dma_start3A = tpu.memref_slice %arg2[%add3A_77] : memref<147456xi32, #tpu.memory_space<hbm>> -> memref<9216xi32, #tpu.memory_space<hbm>>
      %dma_start3A_100 = tpu.memref_slice %arg2[%add3A_77] : memref<147456xi32, #tpu.memory_space<hbm>> -> memref<9216xi32, #tpu.memory_space<hbm>>
      tpu.enqueue_dma source(%dma_start3A_100 : memref<9216xi32, #tpu.memory_space<hbm>>) target(%arg5 : memref<9216xi32, #tpu.memory_space<vmem>>) target_semaphore(%run_scoped3A : memref<!tpu.dma_semaphore, #tpu.memory_space<semaphore_mem>>)
      %dma_wait3A = tpu.memref_slice %arg2[%add3A_77] : memref<147456xi32, #tpu.memory_space<hbm>> -> memref<9216xi32, #tpu.memory_space<hbm>>
      %dma_wait3A_101 = tpu.memref_slice %arg2[%add3A_77] : memref<147456xi32, #tpu.memory_space<hbm>> -> memref<9216xi32, #tpu.memory_space<hbm>>
      tpu.wait_dma2 semaphore(%run_scoped3A : memref<!tpu.dma_semaphore, #tpu.memory_space<semaphore_mem>>) src(%dma_wait3A_101 : memref<9216xi32, #tpu.memory_space<hbm>>) dst(%arg5 : memref<9216xi32, #tpu.memory_space<vmem>>)
      tpu.yield
    }) : () -> ()
    %iota3A = tpu.iota {dimensions = array<i32: 0>} : vector<16xi32>
    %shift_right_arithmetic3A = arith.constant 1 : i32
    %shift_right_arithmetic3A_78 = vector.broadcast %shift_right_arithmetic3A : i32 to vector<16xi32>
    %shift_right_arithmetic3A_79 = arith.shrsi %iota3A, %shift_right_arithmetic3A_78 : vector<16xi32>
    %and3A_80 = arith.constant 1 : i32
    %and3A_81 = vector.broadcast %and3A_80 : i32 to vector<16xi32>
    %and3A_82 = arith.andi %iota3A, %and3A_81 : vector<16xi32>
    %broadcast_in_dim3A = arith.constant 1.000000e+00 : f32
    %broadcast_in_dim3A_83 = vector.broadcast %broadcast_in_dim3A : f32 to vector<16xf32>
    %broadcast_in_dim3A_84 = arith.constant 0.000000e+00 : f32
    %broadcast_in_dim3A_85 = vector.broadcast %broadcast_in_dim3A_84 : f32 to vector<16xf32>
    %broadcast_in_dim3A_86 = vector.broadcast %select_n3A_54 : i32 to vector<16xi32>
    %mul3A_87 = arith.constant 147456 : i32
    %mul3A_88 = arith.muli %select_n3A, %mul3A_87 : i32
    %mul3A_89 = arith.constant 36864 : i32
    %mul3A_90 = arith.muli %select_n3A_70, %mul3A_89 : i32
    %add3A_91 = arith.addi %mul3A_88, %mul3A_90 : i32
    %eq3A_92 = arith.constant 0 : i32
    %eq3A_93 = arith.cmpi eq, %select_n3A_54, %eq3A_92 : i32
    %convert_element_type3A = arith.extui %eq3A_93 : i1 to i32
    %cond3A = arith.constant 0 : i32
    %cond3A_94 = arith.cmpi ne, %convert_element_type3A, %cond3A : i32
    scf.if %cond3A_94 {
      %parallel_loop3A = arith.constant 0 : i32
      %parallel_loop3A_100 = arith.constant 288 : i32
      %parallel_loop3A_101 = arith.constant 1 : i32
      scf.for %parallel_loop3A_165 = %parallel_loop3A to %parallel_loop3A_100 step %parallel_loop3A_101  : i32 {
        %parallel_loop3A_166 = arith.constant 24 : i32
        %parallel_loop3A_167 = arith.divsi %parallel_loop3A_165, %parallel_loop3A_166 : i32
        %parallel_loop3A_168 = arith.constant 0 : i32
        %parallel_loop3A_169 = arith.cmpi sgt, %parallel_loop3A_165, %parallel_loop3A_168 : i32
        %parallel_loop3A_170 = arith.extui %parallel_loop3A_169 : i1 to i32
        %parallel_loop3A_171 = arith.constant 0 : i32
        %parallel_loop3A_172 = arith.cmpi slt, %parallel_loop3A_165, %parallel_loop3A_171 : i32
        %parallel_loop3A_173 = arith.extui %parallel_loop3A_172 : i1 to i32
        %parallel_loop3A_174 = arith.subi %parallel_loop3A_170, %parallel_loop3A_173 : i32
        %parallel_loop3A_175 = arith.constant 0 : i32
        %parallel_loop3A_176 = arith.cmpi sgt, %parallel_loop3A_166, %parallel_loop3A_175 : i32
        %parallel_loop3A_177 = arith.extui %parallel_loop3A_176 : i1 to i32
        %parallel_loop3A_178 = arith.constant 0 : i32
        %parallel_loop3A_179 = arith.cmpi slt, %parallel_loop3A_166, %parallel_loop3A_178 : i32
        %parallel_loop3A_180 = arith.extui %parallel_loop3A_179 : i1 to i32
        %parallel_loop3A_181 = arith.subi %parallel_loop3A_177, %parallel_loop3A_180 : i32
        %parallel_loop3A_182 = arith.cmpi ne, %parallel_loop3A_174, %parallel_loop3A_181 : i32
        %parallel_loop3A_183 = arith.remsi %parallel_loop3A_165, %parallel_loop3A_166 : i32
        %parallel_loop3A_184 = arith.constant 0 : i32
        %parallel_loop3A_185 = arith.cmpi ne, %parallel_loop3A_183, %parallel_loop3A_184 : i32
        %parallel_loop3A_186 = arith.andi %parallel_loop3A_182, %parallel_loop3A_185 : i1
        %parallel_loop3A_187 = arith.constant 1 : i32
        %parallel_loop3A_188 = arith.subi %parallel_loop3A_167, %parallel_loop3A_187 : i32
        %parallel_loop3A_189 = arith.select %parallel_loop3A_186, %parallel_loop3A_188, %parallel_loop3A_167 : i32
        %parallel_loop3A_190 = arith.constant 24 : i32
        %parallel_loop3A_191 = arith.constant 0 : i32
        %parallel_loop3A_192 = arith.cmpi eq, %parallel_loop3A_190, %parallel_loop3A_191 : i32
        %parallel_loop3A_193 = arith.constant 1 : i32
        %parallel_loop3A_194 = arith.select %parallel_loop3A_192, %parallel_loop3A_193, %parallel_loop3A_190 : i32
        %parallel_loop3A_195 = arith.remsi %parallel_loop3A_165, %parallel_loop3A_194 : i32
        %parallel_loop3A_196 = arith.constant 0 : i32
        %parallel_loop3A_197 = arith.cmpi ne, %parallel_loop3A_195, %parallel_loop3A_196 : i32
        %parallel_loop3A_198 = arith.constant 0 : i32
        %parallel_loop3A_199 = arith.cmpi slt, %parallel_loop3A_195, %parallel_loop3A_198 : i32
        %parallel_loop3A_200 = arith.constant 0 : i32
        %parallel_loop3A_201 = arith.cmpi slt, %parallel_loop3A_194, %parallel_loop3A_200 : i32
        %parallel_loop3A_202 = arith.xori %parallel_loop3A_199, %parallel_loop3A_201 : i1
        %parallel_loop3A_203 = arith.andi %parallel_loop3A_202, %parallel_loop3A_197 : i1
        %parallel_loop3A_204 = arith.addi %parallel_loop3A_195, %parallel_loop3A_194 : i32
        %parallel_loop3A_205 = arith.select %parallel_loop3A_203, %parallel_loop3A_204, %parallel_loop3A_195 : i32
        %parallel_loop3A_206 = arith.constant 192 : i32
        %parallel_loop3A_207 = arith.muli %parallel_loop3A_189, %parallel_loop3A_206 : i32
        %parallel_loop3A_208 = vector.broadcast %parallel_loop3A_207 : i32 to vector<16xi32>
        %parallel_loop3A_209 = arith.addi %parallel_loop3A_208, %shift_right_arithmetic3A_79 : vector<16xi32>
        %parallel_loop3A_210 = arith.constant 8 : i32
        %parallel_loop3A_211 = arith.muli %parallel_loop3A_210, %parallel_loop3A_205 : i32
        %parallel_loop3A_212 = vector.broadcast %parallel_loop3A_211 : i32 to vector<16xi32>
        %parallel_loop3A_213 = arith.addi %parallel_loop3A_209, %parallel_loop3A_212 : vector<16xi32>
        %parallel_loop3A_214 = tpu.vector_load_idx %arg5[%parallel_loop3A_213] : memref<9216xi32, #tpu.memory_space<vmem>>[vector<16xi32>], vector<16xi32>,
        %parallel_loop3A_215 = arith.addi %parallel_loop3A_214, %broadcast_in_dim3A_86 : vector<16xi32>
        %parallel_loop3A_216 = arith.constant 3 : i32
        %parallel_loop3A_217 = vector.broadcast %parallel_loop3A_216 : i32 to vector<16xi32>
        %parallel_loop3A_218 = arith.andi %parallel_loop3A_215, %parallel_loop3A_217 : vector<16xi32>
        %parallel_loop3A_219 = arith.constant 1 : i32
        %parallel_loop3A_220 = vector.broadcast %parallel_loop3A_219 : i32 to vector<16xi32>
        %parallel_loop3A_221 = arith.shrsi %parallel_loop3A_218, %parallel_loop3A_220 : vector<16xi32>
        %parallel_loop3A_222 = arith.xori %parallel_loop3A_218, %parallel_loop3A_221 : vector<16xi32>
        %parallel_loop3A_223 = arith.cmpi eq, %parallel_loop3A_222, %and3A_82 : vector<16xi32>
        %parallel_loop3A_224 = arith.select %parallel_loop3A_223, %broadcast_in_dim3A_83, %broadcast_in_dim3A_85 : vector<16xi1>, vector<16xf32>
        %parallel_loop3A_225 = arith.constant 2 : i32
        %parallel_loop3A_226 = arith.muli %parallel_loop3A_225, %parallel_loop3A_189 : i32
        %parallel_loop3A_227 = arith.constant 384 : i32
        %parallel_loop3A_228 = arith.muli %parallel_loop3A_226, %parallel_loop3A_227 : i32
        %parallel_loop3A_229 = arith.constant 16 : i32
        %parallel_loop3A_230 = arith.muli %parallel_loop3A_229, %parallel_loop3A_205 : i32
        %parallel_loop3A_231 = arith.addi %parallel_loop3A_228, %parallel_loop3A_230 : i32
        %parallel_loop3A_232 = arith.index_cast %parallel_loop3A_231 : i32 to index
        %parallel_loop3A_233 = tpu.vector_load %arg6[%parallel_loop3A_232] {strides = array<i32>} : memref<36864xf32, #tpu.memory_space<vmem>>, vector<16xf32>,
        tpu.vector_store %arg6[%parallel_loop3A_232], %parallel_loop3A_224 {strides = array<i32>} : memref<36864xf32, #tpu.memory_space<vmem>>, vector<16xf32>,
        %parallel_loop3A_234 = arith.constant 2 : i32
        %parallel_loop3A_235 = vector.broadcast %parallel_loop3A_234 : i32 to vector<16xi32>
        %parallel_loop3A_236 = arith.addi %and3A_82, %parallel_loop3A_235 : vector<16xi32>
        %parallel_loop3A_237 = arith.cmpi eq, %parallel_loop3A_222, %parallel_loop3A_236 : vector<16xi32>
        %parallel_loop3A_238 = arith.select %parallel_loop3A_237, %broadcast_in_dim3A_83, %broadcast_in_dim3A_85 : vector<16xi1>, vector<16xf32>
        %parallel_loop3A_239 = arith.constant 2 : i32
        %parallel_loop3A_240 = arith.muli %parallel_loop3A_239, %parallel_loop3A_189 : i32
        %parallel_loop3A_241 = arith.constant 1 : i32
        %parallel_loop3A_242 = arith.addi %parallel_loop3A_240, %parallel_loop3A_241 : i32
        %parallel_loop3A_243 = arith.constant 384 : i32
        %parallel_loop3A_244 = arith.muli %parallel_loop3A_242, %parallel_loop3A_243 : i32
        %parallel_loop3A_245 = arith.constant 16 : i32
        %parallel_loop3A_246 = arith.muli %parallel_loop3A_245, %parallel_loop3A_205 : i32
        %parallel_loop3A_247 = arith.addi %parallel_loop3A_244, %parallel_loop3A_246 : i32
        %parallel_loop3A_248 = arith.index_cast %parallel_loop3A_247 : i32 to index
        %parallel_loop3A_249 = tpu.vector_load %arg6[%parallel_loop3A_248] {strides = array<i32>} : memref<36864xf32, #tpu.memory_space<vmem>>, vector<16xf32>,
        tpu.vector_store %arg6[%parallel_loop3A_248], %parallel_loop3A_238 {strides = array<i32>} : memref<36864xf32, #tpu.memory_space<vmem>>, vector<16xf32>,
      } {sc.loop_unroll_factor = 8 : i64, sc.parallel_access}
      %add3A_102 = arith.constant 0 : i32
      %add3A_103 = arith.addi %add3A_91, %add3A_102 : i32
      %dma_start3A = arith.constant 0 : i32
      %dma_start3A_104 = tpu.memref_slice %arg6[%dma_start3A] : memref<36864xf32, #tpu.memory_space<vmem>> -> memref<9216xf32, #tpu.memory_space<vmem>>
      %dma_start3A_105 = tpu.memref_slice %arg3[%add3A_103] : memref<589824xf32, #tpu.memory_space<hbm>> -> memref<9216xf32, #tpu.memory_space<hbm>>
      %dma_start3A_106 = tpu.memref_slice %arg3[%add3A_103] : memref<589824xf32, #tpu.memory_space<hbm>> -> memref<9216xf32, #tpu.memory_space<hbm>>
      %dma_start3A_107 = arith.constant 0 : i32
      %dma_start3A_108 = tpu.memref_slice %arg6[%dma_start3A_107] : memref<36864xf32, #tpu.memory_space<vmem>> -> memref<9216xf32, #tpu.memory_space<vmem>>
      tpu.enqueue_dma source(%dma_start3A_108 : memref<9216xf32, #tpu.memory_space<vmem>>) target(%dma_start3A_106 : memref<9216xf32, #tpu.memory_space<hbm>>) target_semaphore(%arg7 : memref<!tpu.dma_semaphore, #tpu.memory_space<semaphore_mem>>)
      %parallel_loop3A_109 = arith.constant 288 : i32
      %parallel_loop3A_110 = arith.constant 576 : i32
      %parallel_loop3A_111 = arith.constant 1 : i32
      scf.for %parallel_loop3A_165 = %parallel_loop3A_109 to %parallel_loop3A_110 step %parallel_loop3A_111  : i32 {
        %parallel_loop3A_166 = arith.constant 24 : i32
        %parallel_loop3A_167 = arith.divsi %parallel_loop3A_165, %parallel_loop3A_166 : i32
        %parallel_loop3A_168 = arith.constant 0 : i32
        %parallel_loop3A_169 = arith.cmpi sgt, %parallel_loop3A_165, %parallel_loop3A_168 : i32
        %parallel_loop3A_170 = arith.extui %parallel_loop3A_169 : i1 to i32
        %parallel_loop3A_171 = arith.constant 0 : i32
        %parallel_loop3A_172 = arith.cmpi slt, %parallel_loop3A_165, %parallel_loop3A_171 : i32
        %parallel_loop3A_173 = arith.extui %parallel_loop3A_172 : i1 to i32
        %parallel_loop3A_174 = arith.subi %parallel_loop3A_170, %parallel_loop3A_173 : i32
        %parallel_loop3A_175 = arith.constant 0 : i32
        %parallel_loop3A_176 = arith.cmpi sgt, %parallel_loop3A_166, %parallel_loop3A_175 : i32
        %parallel_loop3A_177 = arith.extui %parallel_loop3A_176 : i1 to i32
        %parallel_loop3A_178 = arith.constant 0 : i32
        %parallel_loop3A_179 = arith.cmpi slt, %parallel_loop3A_166, %parallel_loop3A_178 : i32
        %parallel_loop3A_180 = arith.extui %parallel_loop3A_179 : i1 to i32
        %parallel_loop3A_181 = arith.subi %parallel_loop3A_177, %parallel_loop3A_180 : i32
        %parallel_loop3A_182 = arith.cmpi ne, %parallel_loop3A_174, %parallel_loop3A_181 : i32
        %parallel_loop3A_183 = arith.remsi %parallel_loop3A_165, %parallel_loop3A_166 : i32
        %parallel_loop3A_184 = arith.constant 0 : i32
        %parallel_loop3A_185 = arith.cmpi ne, %parallel_loop3A_183, %parallel_loop3A_184 : i32
        %parallel_loop3A_186 = arith.andi %parallel_loop3A_182, %parallel_loop3A_185 : i1
        %parallel_loop3A_187 = arith.constant 1 : i32
        %parallel_loop3A_188 = arith.subi %parallel_loop3A_167, %parallel_loop3A_187 : i32
        %parallel_loop3A_189 = arith.select %parallel_loop3A_186, %parallel_loop3A_188, %parallel_loop3A_167 : i32
        %parallel_loop3A_190 = arith.constant 24 : i32
        %parallel_loop3A_191 = arith.constant 0 : i32
        %parallel_loop3A_192 = arith.cmpi eq, %parallel_loop3A_190, %parallel_loop3A_191 : i32
        %parallel_loop3A_193 = arith.constant 1 : i32
        %parallel_loop3A_194 = arith.select %parallel_loop3A_192, %parallel_loop3A_193, %parallel_loop3A_190 : i32
        %parallel_loop3A_195 = arith.remsi %parallel_loop3A_165, %parallel_loop3A_194 : i32
        %parallel_loop3A_196 = arith.constant 0 : i32
        %parallel_loop3A_197 = arith.cmpi ne, %parallel_loop3A_195, %parallel_loop3A_196 : i32
        %parallel_loop3A_198 = arith.constant 0 : i32
        %parallel_loop3A_199 = arith.cmpi slt, %parallel_loop3A_195, %parallel_loop3A_198 : i32
        %parallel_loop3A_200 = arith.constant 0 : i32
        %parallel_loop3A_201 = arith.cmpi slt, %parallel_loop3A_194, %parallel_loop3A_200 : i32
        %parallel_loop3A_202 = arith.xori %parallel_loop3A_199, %parallel_loop3A_201 : i1
        %parallel_loop3A_203 = arith.andi %parallel_loop3A_202, %parallel_loop3A_197 : i1
        %parallel_loop3A_204 = arith.addi %parallel_loop3A_195, %parallel_loop3A_194 : i32
        %parallel_loop3A_205 = arith.select %parallel_loop3A_203, %parallel_loop3A_204, %parallel_loop3A_195 : i32
        %parallel_loop3A_206 = arith.constant 192 : i32
        %parallel_loop3A_207 = arith.muli %parallel_loop3A_189, %parallel_loop3A_206 : i32
        %parallel_loop3A_208 = vector.broadcast %parallel_loop3A_207 : i32 to vector<16xi32>
        %parallel_loop3A_209 = arith.addi %parallel_loop3A_208, %shift_right_arithmetic3A_79 : vector<16xi32>
        %parallel_loop3A_210 = arith.constant 8 : i32
        %parallel_loop3A_211 = arith.muli %parallel_loop3A_210, %parallel_loop3A_205 : i32
        %parallel_loop3A_212 = vector.broadcast %parallel_loop3A_211 : i32 to vector<16xi32>
        %parallel_loop3A_213 = arith.addi %parallel_loop3A_209, %parallel_loop3A_212 : vector<16xi32>
        %parallel_loop3A_214 = tpu.vector_load_idx %arg5[%parallel_loop3A_213] : memref<9216xi32, #tpu.memory_space<vmem>>[vector<16xi32>], vector<16xi32>,
        %parallel_loop3A_215 = arith.addi %parallel_loop3A_214, %broadcast_in_dim3A_86 : vector<16xi32>
        %parallel_loop3A_216 = arith.constant 3 : i32
        %parallel_loop3A_217 = vector.broadcast %parallel_loop3A_216 : i32 to vector<16xi32>
        %parallel_loop3A_218 = arith.andi %parallel_loop3A_215, %parallel_loop3A_217 : vector<16xi32>
        %parallel_loop3A_219 = arith.constant 1 : i32
        %parallel_loop3A_220 = vector.broadcast %parallel_loop3A_219 : i32 to vector<16xi32>
        %parallel_loop3A_221 = arith.shrsi %parallel_loop3A_218, %parallel_loop3A_220 : vector<16xi32>
        %parallel_loop3A_222 = arith.xori %parallel_loop3A_218, %parallel_loop3A_221 : vector<16xi32>
        %parallel_loop3A_223 = arith.cmpi eq, %parallel_loop3A_222, %and3A_82 : vector<16xi32>
        %parallel_loop3A_224 = arith.select %parallel_loop3A_223, %broadcast_in_dim3A_83, %broadcast_in_dim3A_85 : vector<16xi1>, vector<16xf32>
        %parallel_loop3A_225 = arith.constant 2 : i32
        %parallel_loop3A_226 = arith.muli %parallel_loop3A_225, %parallel_loop3A_189 : i32
        %parallel_loop3A_227 = arith.constant 384 : i32
        %parallel_loop3A_228 = arith.muli %parallel_loop3A_226, %parallel_loop3A_227 : i32
        %parallel_loop3A_229 = arith.constant 16 : i32
        %parallel_loop3A_230 = arith.muli %parallel_loop3A_229, %parallel_loop3A_205 : i32
        %parallel_loop3A_231 = arith.addi %parallel_loop3A_228, %parallel_loop3A_230 : i32
        %parallel_loop3A_232 = arith.index_cast %parallel_loop3A_231 : i32 to index
        %parallel_loop3A_233 = tpu.vector_load %arg6[%parallel_loop3A_232] {strides = array<i32>} : memref<36864xf32, #tpu.memory_space<vmem>>, vector<16xf32>,
        tpu.vector_store %arg6[%parallel_loop3A_232], %parallel_loop3A_224 {strides = array<i32>} : memref<36864xf32, #tpu.memory_space<vmem>>, vector<16xf32>,
        %parallel_loop3A_234 = arith.constant 2 : i32
        %parallel_loop3A_235 = vector.broadcast %parallel_loop3A_234 : i32 to vector<16xi32>
        %parallel_loop3A_236 = arith.addi %and3A_82, %parallel_loop3A_235 : vector<16xi32>
        %parallel_loop3A_237 = arith.cmpi eq, %parallel_loop3A_222, %parallel_loop3A_236 : vector<16xi32>
        %parallel_loop3A_238 = arith.select %parallel_loop3A_237, %broadcast_in_dim3A_83, %broadcast_in_dim3A_85 : vector<16xi1>, vector<16xf32>
        %parallel_loop3A_239 = arith.constant 2 : i32
        %parallel_loop3A_240 = arith.muli %parallel_loop3A_239, %parallel_loop3A_189 : i32
        %parallel_loop3A_241 = arith.constant 1 : i32
        %parallel_loop3A_242 = arith.addi %parallel_loop3A_240, %parallel_loop3A_241 : i32
        %parallel_loop3A_243 = arith.constant 384 : i32
        %parallel_loop3A_244 = arith.muli %parallel_loop3A_242, %parallel_loop3A_243 : i32
        %parallel_loop3A_245 = arith.constant 16 : i32
        %parallel_loop3A_246 = arith.muli %parallel_loop3A_245, %parallel_loop3A_205 : i32
        %parallel_loop3A_247 = arith.addi %parallel_loop3A_244, %parallel_loop3A_246 : i32
        %parallel_loop3A_248 = arith.index_cast %parallel_loop3A_247 : i32 to index
        %parallel_loop3A_249 = tpu.vector_load %arg6[%parallel_loop3A_248] {strides = array<i32>} : memref<36864xf32, #tpu.memory_space<vmem>>, vector<16xf32>,
        tpu.vector_store %arg6[%parallel_loop3A_248], %parallel_loop3A_238 {strides = array<i32>} : memref<36864xf32, #tpu.memory_space<vmem>>, vector<16xf32>,
      } {sc.loop_unroll_factor = 8 : i64, sc.parallel_access}
      %add3A_112 = arith.constant 9216 : i32
      %add3A_113 = arith.addi %add3A_91, %add3A_112 : i32
      %dma_start3A_114 = arith.constant 9216 : i32
      %dma_start3A_115 = tpu.memref_slice %arg6[%dma_start3A_114] : memref<36864xf32, #tpu.memory_space<vmem>> -> memref<9216xf32, #tpu.memory_space<vmem>>
      %dma_start3A_116 = tpu.memref_slice %arg3[%add3A_113] : memref<589824xf32, #tpu.memory_space<hbm>> -> memref<9216xf32, #tpu.memory_space<hbm>>
      %dma_start3A_117 = tpu.memref_slice %arg3[%add3A_113] : memref<589824xf32, #tpu.memory_space<hbm>> -> memref<9216xf32, #tpu.memory_space<hbm>>
      %dma_start3A_118 = arith.constant 9216 : i32
      %dma_start3A_119 = tpu.memref_slice %arg6[%dma_start3A_118] : memref<36864xf32, #tpu.memory_space<vmem>> -> memref<9216xf32, #tpu.memory_space<vmem>>
      tpu.enqueue_dma source(%dma_start3A_119 : memref<9216xf32, #tpu.memory_space<vmem>>) target(%dma_start3A_117 : memref<9216xf32, #tpu.memory_space<hbm>>) target_semaphore(%arg7 : memref<!tpu.dma_semaphore, #tpu.memory_space<semaphore_mem>>)
      %parallel_loop3A_120 = arith.constant 576 : i32
      %parallel_loop3A_121 = arith.constant 864 : i32
      %parallel_loop3A_122 = arith.constant 1 : i32
      scf.for %parallel_loop3A_165 = %parallel_loop3A_120 to %parallel_loop3A_121 step %parallel_loop3A_122  : i32 {
        %parallel_loop3A_166 = arith.constant 24 : i32
        %parallel_loop3A_167 = arith.divsi %parallel_loop3A_165, %parallel_loop3A_166 : i32
        %parallel_loop3A_168 = arith.constant 0 : i32
        %parallel_loop3A_169 = arith.cmpi sgt, %parallel_loop3A_165, %parallel_loop3A_168 : i32
        %parallel_loop3A_170 = arith.extui %parallel_loop3A_169 : i1 to i32
        %parallel_loop3A_171 = arith.constant 0 : i32
        %parallel_loop3A_172 = arith.cmpi slt, %parallel_loop3A_165, %parallel_loop3A_171 : i32
        %parallel_loop3A_173 = arith.extui %parallel_loop3A_172 : i1 to i32
        %parallel_loop3A_174 = arith.subi %parallel_loop3A_170, %parallel_loop3A_173 : i32
        %parallel_loop3A_175 = arith.constant 0 : i32
        %parallel_loop3A_176 = arith.cmpi sgt, %parallel_loop3A_166, %parallel_loop3A_175 : i32
        %parallel_loop3A_177 = arith.extui %parallel_loop3A_176 : i1 to i32
        %parallel_loop3A_178 = arith.constant 0 : i32
        %parallel_loop3A_179 = arith.cmpi slt, %parallel_loop3A_166, %parallel_loop3A_178 : i32
        %parallel_loop3A_180 = arith.extui %parallel_loop3A_179 : i1 to i32
        %parallel_loop3A_181 = arith.subi %parallel_loop3A_177, %parallel_loop3A_180 : i32
        %parallel_loop3A_182 = arith.cmpi ne, %parallel_loop3A_174, %parallel_loop3A_181 : i32
        %parallel_loop3A_183 = arith.remsi %parallel_loop3A_165, %parallel_loop3A_166 : i32
        %parallel_loop3A_184 = arith.constant 0 : i32
        %parallel_loop3A_185 = arith.cmpi ne, %parallel_loop3A_183, %parallel_loop3A_184 : i32
        %parallel_loop3A_186 = arith.andi %parallel_loop3A_182, %parallel_loop3A_185 : i1
        %parallel_loop3A_187 = arith.constant 1 : i32
        %parallel_loop3A_188 = arith.subi %parallel_loop3A_167, %parallel_loop3A_187 : i32
        %parallel_loop3A_189 = arith.select %parallel_loop3A_186, %parallel_loop3A_188, %parallel_loop3A_167 : i32
        %parallel_loop3A_190 = arith.constant 24 : i32
        %parallel_loop3A_191 = arith.constant 0 : i32
        %parallel_loop3A_192 = arith.cmpi eq, %parallel_loop3A_190, %parallel_loop3A_191 : i32
        %parallel_loop3A_193 = arith.constant 1 : i32
        %parallel_loop3A_194 = arith.select %parallel_loop3A_192, %parallel_loop3A_193, %parallel_loop3A_190 : i32
        %parallel_loop3A_195 = arith.remsi %parallel_loop3A_165, %parallel_loop3A_194 : i32
        %parallel_loop3A_196 = arith.constant 0 : i32
        %parallel_loop3A_197 = arith.cmpi ne, %parallel_loop3A_195, %parallel_loop3A_196 : i32
        %parallel_loop3A_198 = arith.constant 0 : i32
        %parallel_loop3A_199 = arith.cmpi slt, %parallel_loop3A_195, %parallel_loop3A_198 : i32
        %parallel_loop3A_200 = arith.constant 0 : i32
        %parallel_loop3A_201 = arith.cmpi slt, %parallel_loop3A_194, %parallel_loop3A_200 : i32
        %parallel_loop3A_202 = arith.xori %parallel_loop3A_199, %parallel_loop3A_201 : i1
        %parallel_loop3A_203 = arith.andi %parallel_loop3A_202, %parallel_loop3A_197 : i1
        %parallel_loop3A_204 = arith.addi %parallel_loop3A_195, %parallel_loop3A_194 : i32
        %parallel_loop3A_205 = arith.select %parallel_loop3A_203, %parallel_loop3A_204, %parallel_loop3A_195 : i32
        %parallel_loop3A_206 = arith.constant 192 : i32
        %parallel_loop3A_207 = arith.muli %parallel_loop3A_189, %parallel_loop3A_206 : i32
        %parallel_loop3A_208 = vector.broadcast %parallel_loop3A_207 : i32 to vector<16xi32>
        %parallel_loop3A_209 = arith.addi %parallel_loop3A_208, %shift_right_arithmetic3A_79 : vector<16xi32>
        %parallel_loop3A_210 = arith.constant 8 : i32
        %parallel_loop3A_211 = arith.muli %parallel_loop3A_210, %parallel_loop3A_205 : i32
        %parallel_loop3A_212 = vector.broadcast %parallel_loop3A_211 : i32 to vector<16xi32>
        %parallel_loop3A_213 = arith.addi %parallel_loop3A_209, %parallel_loop3A_212 : vector<16xi32>
        %parallel_loop3A_214 = tpu.vector_load_idx %arg5[%parallel_loop3A_213] : memref<9216xi32, #tpu.memory_space<vmem>>[vector<16xi32>], vector<16xi32>,
        %parallel_loop3A_215 = arith.addi %parallel_loop3A_214, %broadcast_in_dim3A_86 : vector<16xi32>
        %parallel_loop3A_216 = arith.constant 3 : i32
        %parallel_loop3A_217 = vector.broadcast %parallel_loop3A_216 : i32 to vector<16xi32>
        %parallel_loop3A_218 = arith.andi %parallel_loop3A_215, %parallel_loop3A_217 : vector<16xi32>
        %parallel_loop3A_219 = arith.constant 1 : i32
        %parallel_loop3A_220 = vector.broadcast %parallel_loop3A_219 : i32 to vector<16xi32>
        %parallel_loop3A_221 = arith.shrsi %parallel_loop3A_218, %parallel_loop3A_220 : vector<16xi32>
        %parallel_loop3A_222 = arith.xori %parallel_loop3A_218, %parallel_loop3A_221 : vector<16xi32>
        %parallel_loop3A_223 = arith.cmpi eq, %parallel_loop3A_222, %and3A_82 : vector<16xi32>
        %parallel_loop3A_224 = arith.select %parallel_loop3A_223, %broadcast_in_dim3A_83, %broadcast_in_dim3A_85 : vector<16xi1>, vector<16xf32>
        %parallel_loop3A_225 = arith.constant 2 : i32
        %parallel_loop3A_226 = arith.muli %parallel_loop3A_225, %parallel_loop3A_189 : i32
        %parallel_loop3A_227 = arith.constant 384 : i32
        %parallel_loop3A_228 = arith.muli %parallel_loop3A_226, %parallel_loop3A_227 : i32
        %parallel_loop3A_229 = arith.constant 16 : i32
        %parallel_loop3A_230 = arith.muli %parallel_loop3A_229, %parallel_loop3A_205 : i32
        %parallel_loop3A_231 = arith.addi %parallel_loop3A_228, %parallel_loop3A_230 : i32
        %parallel_loop3A_232 = arith.index_cast %parallel_loop3A_231 : i32 to index
        %parallel_loop3A_233 = tpu.vector_load %arg6[%parallel_loop3A_232] {strides = array<i32>} : memref<36864xf32, #tpu.memory_space<vmem>>, vector<16xf32>,
        tpu.vector_store %arg6[%parallel_loop3A_232], %parallel_loop3A_224 {strides = array<i32>} : memref<36864xf32, #tpu.memory_space<vmem>>, vector<16xf32>,
        %parallel_loop3A_234 = arith.constant 2 : i32
        %parallel_loop3A_235 = vector.broadcast %parallel_loop3A_234 : i32 to vector<16xi32>
        %parallel_loop3A_236 = arith.addi %and3A_82, %parallel_loop3A_235 : vector<16xi32>
        %parallel_loop3A_237 = arith.cmpi eq, %parallel_loop3A_222, %parallel_loop3A_236 : vector<16xi32>
        %parallel_loop3A_238 = arith.select %parallel_loop3A_237, %broadcast_in_dim3A_83, %broadcast_in_dim3A_85 : vector<16xi1>, vector<16xf32>
        %parallel_loop3A_239 = arith.constant 2 : i32
        %parallel_loop3A_240 = arith.muli %parallel_loop3A_239, %parallel_loop3A_189 : i32
        %parallel_loop3A_241 = arith.constant 1 : i32
        %parallel_loop3A_242 = arith.addi %parallel_loop3A_240, %parallel_loop3A_241 : i32
        %parallel_loop3A_243 = arith.constant 384 : i32
        %parallel_loop3A_244 = arith.muli %parallel_loop3A_242, %parallel_loop3A_243 : i32
        %parallel_loop3A_245 = arith.constant 16 : i32
        %parallel_loop3A_246 = arith.muli %parallel_loop3A_245, %parallel_loop3A_205 : i32
        %parallel_loop3A_247 = arith.addi %parallel_loop3A_244, %parallel_loop3A_246 : i32
        %parallel_loop3A_248 = arith.index_cast %parallel_loop3A_247 : i32 to index
        %parallel_loop3A_249 = tpu.vector_load %arg6[%parallel_loop3A_248] {strides = array<i32>} : memref<36864xf32, #tpu.memory_space<vmem>>, vector<16xf32>,
        tpu.vector_store %arg6[%parallel_loop3A_248], %parallel_loop3A_238 {strides = array<i32>} : memref<36864xf32, #tpu.memory_space<vmem>>, vector<16xf32>,
      } {sc.loop_unroll_factor = 8 : i64, sc.parallel_access}
      %add3A_123 = arith.constant 18432 : i32
      %add3A_124 = arith.addi %add3A_91, %add3A_123 : i32
      %dma_start3A_125 = arith.constant 18432 : i32
      %dma_start3A_126 = tpu.memref_slice %arg6[%dma_start3A_125] : memref<36864xf32, #tpu.memory_space<vmem>> -> memref<9216xf32, #tpu.memory_space<vmem>>
      %dma_start3A_127 = tpu.memref_slice %arg3[%add3A_124] : memref<589824xf32, #tpu.memory_space<hbm>> -> memref<9216xf32, #tpu.memory_space<hbm>>
      %dma_start3A_128 = tpu.memref_slice %arg3[%add3A_124] : memref<589824xf32, #tpu.memory_space<hbm>> -> memref<9216xf32, #tpu.memory_space<hbm>>
      %dma_start3A_129 = arith.constant 18432 : i32
      %dma_start3A_130 = tpu.memref_slice %arg6[%dma_start3A_129] : memref<36864xf32, #tpu.memory_space<vmem>> -> memref<9216xf32, #tpu.memory_space<vmem>>
      tpu.enqueue_dma source(%dma_start3A_130 : memref<9216xf32, #tpu.memory_space<vmem>>) target(%dma_start3A_128 : memref<9216xf32, #tpu.memory_space<hbm>>) target_semaphore(%arg7 : memref<!tpu.dma_semaphore, #tpu.memory_space<semaphore_mem>>)
      %parallel_loop3A_131 = arith.constant 864 : i32
      %parallel_loop3A_132 = arith.constant 1152 : i32
      %parallel_loop3A_133 = arith.constant 1 : i32
      scf.for %parallel_loop3A_165 = %parallel_loop3A_131 to %parallel_loop3A_132 step %parallel_loop3A_133  : i32 {
        %parallel_loop3A_166 = arith.constant 24 : i32
        %parallel_loop3A_167 = arith.divsi %parallel_loop3A_165, %parallel_loop3A_166 : i32
        %parallel_loop3A_168 = arith.constant 0 : i32
        %parallel_loop3A_169 = arith.cmpi sgt, %parallel_loop3A_165, %parallel_loop3A_168 : i32
        %parallel_loop3A_170 = arith.extui %parallel_loop3A_169 : i1 to i32
        %parallel_loop3A_171 = arith.constant 0 : i32
        %parallel_loop3A_172 = arith.cmpi slt, %parallel_loop3A_165, %parallel_loop3A_171 : i32
        %parallel_loop3A_173 = arith.extui %parallel_loop3A_172 : i1 to i32
        %parallel_loop3A_174 = arith.subi %parallel_loop3A_170, %parallel_loop3A_173 : i32
        %parallel_loop3A_175 = arith.constant 0 : i32
        %parallel_loop3A_176 = arith.cmpi sgt, %parallel_loop3A_166, %parallel_loop3A_175 : i32
        %parallel_loop3A_177 = arith.extui %parallel_loop3A_176 : i1 to i32
        %parallel_loop3A_178 = arith.constant 0 : i32
        %parallel_loop3A_179 = arith.cmpi slt, %parallel_loop3A_166, %parallel_loop3A_178 : i32
        %parallel_loop3A_180 = arith.extui %parallel_loop3A_179 : i1 to i32
        %parallel_loop3A_181 = arith.subi %parallel_loop3A_177, %parallel_loop3A_180 : i32
        %parallel_loop3A_182 = arith.cmpi ne, %parallel_loop3A_174, %parallel_loop3A_181 : i32
        %parallel_loop3A_183 = arith.remsi %parallel_loop3A_165, %parallel_loop3A_166 : i32
        %parallel_loop3A_184 = arith.constant 0 : i32
        %parallel_loop3A_185 = arith.cmpi ne, %parallel_loop3A_183, %parallel_loop3A_184 : i32
        %parallel_loop3A_186 = arith.andi %parallel_loop3A_182, %parallel_loop3A_185 : i1
        %parallel_loop3A_187 = arith.constant 1 : i32
        %parallel_loop3A_188 = arith.subi %parallel_loop3A_167, %parallel_loop3A_187 : i32
        %parallel_loop3A_189 = arith.select %parallel_loop3A_186, %parallel_loop3A_188, %parallel_loop3A_167 : i32
        %parallel_loop3A_190 = arith.constant 24 : i32
        %parallel_loop3A_191 = arith.constant 0 : i32
        %parallel_loop3A_192 = arith.cmpi eq, %parallel_loop3A_190, %parallel_loop3A_191 : i32
        %parallel_loop3A_193 = arith.constant 1 : i32
        %parallel_loop3A_194 = arith.select %parallel_loop3A_192, %parallel_loop3A_193, %parallel_loop3A_190 : i32
        %parallel_loop3A_195 = arith.remsi %parallel_loop3A_165, %parallel_loop3A_194 : i32
        %parallel_loop3A_196 = arith.constant 0 : i32
        %parallel_loop3A_197 = arith.cmpi ne, %parallel_loop3A_195, %parallel_loop3A_196 : i32
        %parallel_loop3A_198 = arith.constant 0 : i32
        %parallel_loop3A_199 = arith.cmpi slt, %parallel_loop3A_195, %parallel_loop3A_198 : i32
        %parallel_loop3A_200 = arith.constant 0 : i32
        %parallel_loop3A_201 = arith.cmpi slt, %parallel_loop3A_194, %parallel_loop3A_200 : i32
        %parallel_loop3A_202 = arith.xori %parallel_loop3A_199, %parallel_loop3A_201 : i1
        %parallel_loop3A_203 = arith.andi %parallel_loop3A_202, %parallel_loop3A_197 : i1
        %parallel_loop3A_204 = arith.addi %parallel_loop3A_195, %parallel_loop3A_194 : i32
        %parallel_loop3A_205 = arith.select %parallel_loop3A_203, %parallel_loop3A_204, %parallel_loop3A_195 : i32
        %parallel_loop3A_206 = arith.constant 192 : i32
        %parallel_loop3A_207 = arith.muli %parallel_loop3A_189, %parallel_loop3A_206 : i32
        %parallel_loop3A_208 = vector.broadcast %parallel_loop3A_207 : i32 to vector<16xi32>
        %parallel_loop3A_209 = arith.addi %parallel_loop3A_208, %shift_right_arithmetic3A_79 : vector<16xi32>
        %parallel_loop3A_210 = arith.constant 8 : i32
        %parallel_loop3A_211 = arith.muli %parallel_loop3A_210, %parallel_loop3A_205 : i32
        %parallel_loop3A_212 = vector.broadcast %parallel_loop3A_211 : i32 to vector<16xi32>
        %parallel_loop3A_213 = arith.addi %parallel_loop3A_209, %parallel_loop3A_212 : vector<16xi32>
        %parallel_loop3A_214 = tpu.vector_load_idx %arg5[%parallel_loop3A_213] : memref<9216xi32, #tpu.memory_space<vmem>>[vector<16xi32>], vector<16xi32>,
        %parallel_loop3A_215 = arith.addi %parallel_loop3A_214, %broadcast_in_dim3A_86 : vector<16xi32>
        %parallel_loop3A_216 = arith.constant 3 : i32
        %parallel_loop3A_217 = vector.broadcast %parallel_loop3A_216 : i32 to vector<16xi32>
        %parallel_loop3A_218 = arith.andi %parallel_loop3A_215, %parallel_loop3A_217 : vector<16xi32>
        %parallel_loop3A_219 = arith.constant 1 : i32
        %parallel_loop3A_220 = vector.broadcast %parallel_loop3A_219 : i32 to vector<16xi32>
        %parallel_loop3A_221 = arith.shrsi %parallel_loop3A_218, %parallel_loop3A_220 : vector<16xi32>
        %parallel_loop3A_222 = arith.xori %parallel_loop3A_218, %parallel_loop3A_221 : vector<16xi32>
        %parallel_loop3A_223 = arith.cmpi eq, %parallel_loop3A_222, %and3A_82 : vector<16xi32>
        %parallel_loop3A_224 = arith.select %parallel_loop3A_223, %broadcast_in_dim3A_83, %broadcast_in_dim3A_85 : vector<16xi1>, vector<16xf32>
        %parallel_loop3A_225 = arith.constant 2 : i32
        %parallel_loop3A_226 = arith.muli %parallel_loop3A_225, %parallel_loop3A_189 : i32
        %parallel_loop3A_227 = arith.constant 384 : i32
        %parallel_loop3A_228 = arith.muli %parallel_loop3A_226, %parallel_loop3A_227 : i32
        %parallel_loop3A_229 = arith.constant 16 : i32
        %parallel_loop3A_230 = arith.muli %parallel_loop3A_229, %parallel_loop3A_205 : i32
        %parallel_loop3A_231 = arith.addi %parallel_loop3A_228, %parallel_loop3A_230 : i32
        %parallel_loop3A_232 = arith.index_cast %parallel_loop3A_231 : i32 to index
        %parallel_loop3A_233 = tpu.vector_load %arg6[%parallel_loop3A_232] {strides = array<i32>} : memref<36864xf32, #tpu.memory_space<vmem>>, vector<16xf32>,
        tpu.vector_store %arg6[%parallel_loop3A_232], %parallel_loop3A_224 {strides = array<i32>} : memref<36864xf32, #tpu.memory_space<vmem>>, vector<16xf32>,
        %parallel_loop3A_234 = arith.constant 2 : i32
        %parallel_loop3A_235 = vector.broadcast %parallel_loop3A_234 : i32 to vector<16xi32>
        %parallel_loop3A_236 = arith.addi %and3A_82, %parallel_loop3A_235 : vector<16xi32>
        %parallel_loop3A_237 = arith.cmpi eq, %parallel_loop3A_222, %parallel_loop3A_236 : vector<16xi32>
        %parallel_loop3A_238 = arith.select %parallel_loop3A_237, %broadcast_in_dim3A_83, %broadcast_in_dim3A_85 : vector<16xi1>, vector<16xf32>
        %parallel_loop3A_239 = arith.constant 2 : i32
        %parallel_loop3A_240 = arith.muli %parallel_loop3A_239, %parallel_loop3A_189 : i32
        %parallel_loop3A_241 = arith.constant 1 : i32
        %parallel_loop3A_242 = arith.addi %parallel_loop3A_240, %parallel_loop3A_241 : i32
        %parallel_loop3A_243 = arith.constant 384 : i32
        %parallel_loop3A_244 = arith.muli %parallel_loop3A_242, %parallel_loop3A_243 : i32
        %parallel_loop3A_245 = arith.constant 16 : i32
        %parallel_loop3A_246 = arith.muli %parallel_loop3A_245, %parallel_loop3A_205 : i32
        %parallel_loop3A_247 = arith.addi %parallel_loop3A_244, %parallel_loop3A_246 : i32
        %parallel_loop3A_248 = arith.index_cast %parallel_loop3A_247 : i32 to index
        %parallel_loop3A_249 = tpu.vector_load %arg6[%parallel_loop3A_248] {strides = array<i32>} : memref<36864xf32, #tpu.memory_space<vmem>>, vector<16xf32>,
        tpu.vector_store %arg6[%parallel_loop3A_248], %parallel_loop3A_238 {strides = array<i32>} : memref<36864xf32, #tpu.memory_space<vmem>>, vector<16xf32>,
      } {sc.loop_unroll_factor = 8 : i64, sc.parallel_access}
      %add3A_134 = arith.constant 27648 : i32
      %add3A_135 = arith.addi %add3A_91, %add3A_134 : i32
      %dma_start3A_136 = arith.constant 27648 : i32
      %dma_start3A_137 = tpu.memref_slice %arg6[%dma_start3A_136] : memref<36864xf32, #tpu.memory_space<vmem>> -> memref<9216xf32, #tpu.memory_space<vmem>>
      %dma_start3A_138 = tpu.memref_slice %arg3[%add3A_135] : memref<589824xf32, #tpu.memory_space<hbm>> -> memref<9216xf32, #tpu.memory_space<hbm>>
      %dma_start3A_139 = tpu.memref_slice %arg3[%add3A_135] : memref<589824xf32, #tpu.memory_space<hbm>> -> memref<9216xf32, #tpu.memory_space<hbm>>
      %dma_start3A_140 = arith.constant 27648 : i32
      %dma_start3A_141 = tpu.memref_slice %arg6[%dma_start3A_140] : memref<36864xf32, #tpu.memory_space<vmem>> -> memref<9216xf32, #tpu.memory_space<vmem>>
      tpu.enqueue_dma source(%dma_start3A_141 : memref<9216xf32, #tpu.memory_space<vmem>>) target(%dma_start3A_139 : memref<9216xf32, #tpu.memory_space<hbm>>) target_semaphore(%arg7 : memref<!tpu.dma_semaphore, #tpu.memory_space<semaphore_mem>>)
      %dma_wait3A = arith.constant 0 : i32
      %dma_wait3A_142 = tpu.memref_slice %arg6[%dma_wait3A] : memref<36864xf32, #tpu.memory_space<vmem>> -> memref<9216xf32, #tpu.memory_space<vmem>>
      %dma_wait3A_143 = tpu.memref_slice %arg3[%add3A_103] : memref<589824xf32, #tpu.memory_space<hbm>> -> memref<9216xf32, #tpu.memory_space<hbm>>
      %dma_wait3A_144 = tpu.memref_slice %arg3[%add3A_103] : memref<589824xf32, #tpu.memory_space<hbm>> -> memref<9216xf32, #tpu.memory_space<hbm>>
      %dma_wait3A_145 = arith.constant 0 : i32
      %dma_wait3A_146 = tpu.memref_slice %arg6[%dma_wait3A_145] : memref<36864xf32, #tpu.memory_space<vmem>> -> memref<9216xf32, #tpu.memory_space<vmem>>
      tpu.wait_dma2 semaphore(%arg7 : memref<!tpu.dma_semaphore, #tpu.memory_space<semaphore_mem>>) src(%dma_wait3A_146 : memref<9216xf32, #tpu.memory_space<vmem>>) dst(%dma_wait3A_144 : memref<9216xf32, #tpu.memory_space<hbm>>)
      %dma_wait3A_147 = arith.constant 9216 : i32
      %dma_wait3A_148 = tpu.memref_slice %arg6[%dma_wait3A_147] : memref<36864xf32, #tpu.memory_space<vmem>> -> memref<9216xf32, #tpu.memory_space<vmem>>
      %dma_wait3A_149 = tpu.memref_slice %arg3[%add3A_113] : memref<589824xf32, #tpu.memory_space<hbm>> -> memref<9216xf32, #tpu.memory_space<hbm>>
      %dma_wait3A_150 = tpu.memref_slice %arg3[%add3A_113] : memref<589824xf32, #tpu.memory_space<hbm>> -> memref<9216xf32, #tpu.memory_space<hbm>>
      %dma_wait3A_151 = arith.constant 9216 : i32
      %dma_wait3A_152 = tpu.memref_slice %arg6[%dma_wait3A_151] : memref<36864xf32, #tpu.memory_space<vmem>> -> memref<9216xf32, #tpu.memory_space<vmem>>
      tpu.wait_dma2 semaphore(%arg7 : memref<!tpu.dma_semaphore, #tpu.memory_space<semaphore_mem>>) src(%dma_wait3A_152 : memref<9216xf32, #tpu.memory_space<vmem>>) dst(%dma_wait3A_150 : memref<9216xf32, #tpu.memory_space<hbm>>)
      %dma_wait3A_153 = arith.constant 18432 : i32
      %dma_wait3A_154 = tpu.memref_slice %arg6[%dma_wait3A_153] : memref<36864xf32, #tpu.memory_space<vmem>> -> memref<9216xf32, #tpu.memory_space<vmem>>
      %dma_wait3A_155 = tpu.memref_slice %arg3[%add3A_124] : memref<589824xf32, #tpu.memory_space<hbm>> -> memref<9216xf32, #tpu.memory_space<hbm>>
      %dma_wait3A_156 = tpu.memref_slice %arg3[%add3A_124] : memref<589824xf32, #tpu.memory_space<hbm>> -> memref<9216xf32, #tpu.memory_space<hbm>>
      %dma_wait3A_157 = arith.constant 18432 : i32
      %dma_wait3A_158 = tpu.memref_slice %arg6[%dma_wait3A_157] : memref<36864xf32, #tpu.memory_space<vmem>> -> memref<9216xf32, #tpu.memory_space<vmem>>
      tpu.wait_dma2 semaphore(%arg7 : memref<!tpu.dma_semaphore, #tpu.memory_space<semaphore_mem>>) src(%dma_wait3A_158 : memref<9216xf32, #tpu.memory_space<vmem>>) dst(%dma_wait3A_156 : memref<9216xf32, #tpu.memory_space<hbm>>)
      %dma_wait3A_159 = arith.constant 27648 : i32
      %dma_wait3A_160 = tpu.memref_slice %arg6[%dma_wait3A_159] : memref<36864xf32, #tpu.memory_space<vmem>> -> memref<9216xf32, #tpu.memory_space<vmem>>
      %dma_wait3A_161 = tpu.memref_slice %arg3[%add3A_135] : memref<589824xf32, #tpu.memory_space<hbm>> -> memref<9216xf32, #tpu.memory_space<hbm>>
      %dma_wait3A_162 = tpu.memref_slice %arg3[%add3A_135] : memref<589824xf32, #tpu.memory_space<hbm>> -> memref<9216xf32, #tpu.memory_space<hbm>>
      %dma_wait3A_163 = arith.constant 27648 : i32
      %dma_wait3A_164 = tpu.memref_slice %arg6[%dma_wait3A_163] : memref<36864xf32, #tpu.memory_space<vmem>> -> memref<9216xf32, #tpu.memory_space<vmem>>
      tpu.wait_dma2 semaphore(%arg7 : memref<!tpu.dma_semaphore, #tpu.memory_space<semaphore_mem>>) src(%dma_wait3A_164 : memref<9216xf32, #tpu.memory_space<vmem>>) dst(%dma_wait3A_162 : memref<9216xf32, #tpu.memory_space<hbm>>)
    } else {
    }
    %eq3A_95 = arith.constant 1 : i32
    %eq3A_96 = arith.cmpi eq, %select_n3A_54, %eq3A_95 : i32
    %convert_element_type3A_97 = arith.extui %eq3A_96 : i1 to i32
    %cond3A_98 = arith.constant 0 : i32
    %cond3A_99 = arith.cmpi ne, %convert_element_type3A_97, %cond3A_98 : i32
    scf.if %cond3A_99 {
      %parallel_loop3A = arith.constant 0 : i32
      %parallel_loop3A_100 = arith.constant 288 : i32
      %parallel_loop3A_101 = arith.constant 1 : i32
      scf.for %parallel_loop3A_165 = %parallel_loop3A to %parallel_loop3A_100 step %parallel_loop3A_101  : i32 {
        %parallel_loop3A_166 = arith.constant 24 : i32
        %parallel_loop3A_167 = arith.divsi %parallel_loop3A_165, %parallel_loop3A_166 : i32
        %parallel_loop3A_168 = arith.constant 0 : i32
        %parallel_loop3A_169 = arith.cmpi sgt, %parallel_loop3A_165, %parallel_loop3A_168 : i32
        %parallel_loop3A_170 = arith.extui %parallel_loop3A_169 : i1 to i32
        %parallel_loop3A_171 = arith.constant 0 : i32
        %parallel_loop3A_172 = arith.cmpi slt, %parallel_loop3A_165, %parallel_loop3A_171 : i32
        %parallel_loop3A_173 = arith.extui %parallel_loop3A_172 : i1 to i32
        %parallel_loop3A_174 = arith.subi %parallel_loop3A_170, %parallel_loop3A_173 : i32
        %parallel_loop3A_175 = arith.constant 0 : i32
        %parallel_loop3A_176 = arith.cmpi sgt, %parallel_loop3A_166, %parallel_loop3A_175 : i32
        %parallel_loop3A_177 = arith.extui %parallel_loop3A_176 : i1 to i32
        %parallel_loop3A_178 = arith.constant 0 : i32
        %parallel_loop3A_179 = arith.cmpi slt, %parallel_loop3A_166, %parallel_loop3A_178 : i32
        %parallel_loop3A_180 = arith.extui %parallel_loop3A_179 : i1 to i32
        %parallel_loop3A_181 = arith.subi %parallel_loop3A_177, %parallel_loop3A_180 : i32
        %parallel_loop3A_182 = arith.cmpi ne, %parallel_loop3A_174, %parallel_loop3A_181 : i32
        %parallel_loop3A_183 = arith.remsi %parallel_loop3A_165, %parallel_loop3A_166 : i32
        %parallel_loop3A_184 = arith.constant 0 : i32
        %parallel_loop3A_185 = arith.cmpi ne, %parallel_loop3A_183, %parallel_loop3A_184 : i32
        %parallel_loop3A_186 = arith.andi %parallel_loop3A_182, %parallel_loop3A_185 : i1
        %parallel_loop3A_187 = arith.constant 1 : i32
        %parallel_loop3A_188 = arith.subi %parallel_loop3A_167, %parallel_loop3A_187 : i32
        %parallel_loop3A_189 = arith.select %parallel_loop3A_186, %parallel_loop3A_188, %parallel_loop3A_167 : i32
        %parallel_loop3A_190 = arith.constant 24 : i32
        %parallel_loop3A_191 = arith.constant 0 : i32
        %parallel_loop3A_192 = arith.cmpi eq, %parallel_loop3A_190, %parallel_loop3A_191 : i32
        %parallel_loop3A_193 = arith.constant 1 : i32
        %parallel_loop3A_194 = arith.select %parallel_loop3A_192, %parallel_loop3A_193, %parallel_loop3A_190 : i32
        %parallel_loop3A_195 = arith.remsi %parallel_loop3A_165, %parallel_loop3A_194 : i32
        %parallel_loop3A_196 = arith.constant 0 : i32
        %parallel_loop3A_197 = arith.cmpi ne, %parallel_loop3A_195, %parallel_loop3A_196 : i32
        %parallel_loop3A_198 = arith.constant 0 : i32
        %parallel_loop3A_199 = arith.cmpi slt, %parallel_loop3A_195, %parallel_loop3A_198 : i32
        %parallel_loop3A_200 = arith.constant 0 : i32
        %parallel_loop3A_201 = arith.cmpi slt, %parallel_loop3A_194, %parallel_loop3A_200 : i32
        %parallel_loop3A_202 = arith.xori %parallel_loop3A_199, %parallel_loop3A_201 : i1
        %parallel_loop3A_203 = arith.andi %parallel_loop3A_202, %parallel_loop3A_197 : i1
        %parallel_loop3A_204 = arith.addi %parallel_loop3A_195, %parallel_loop3A_194 : i32
        %parallel_loop3A_205 = arith.select %parallel_loop3A_203, %parallel_loop3A_204, %parallel_loop3A_195 : i32
        %parallel_loop3A_206 = arith.constant 192 : i32
        %parallel_loop3A_207 = arith.muli %parallel_loop3A_189, %parallel_loop3A_206 : i32
        %parallel_loop3A_208 = vector.broadcast %parallel_loop3A_207 : i32 to vector<16xi32>
        %parallel_loop3A_209 = arith.addi %parallel_loop3A_208, %shift_right_arithmetic3A_79 : vector<16xi32>
        %parallel_loop3A_210 = arith.constant 8 : i32
        %parallel_loop3A_211 = arith.muli %parallel_loop3A_210, %parallel_loop3A_205 : i32
        %parallel_loop3A_212 = vector.broadcast %parallel_loop3A_211 : i32 to vector<16xi32>
        %parallel_loop3A_213 = arith.addi %parallel_loop3A_209, %parallel_loop3A_212 : vector<16xi32>
        %parallel_loop3A_214 = tpu.vector_load_idx %arg5[%parallel_loop3A_213] : memref<9216xi32, #tpu.memory_space<vmem>>[vector<16xi32>], vector<16xi32>,
        %parallel_loop3A_215 = arith.addi %parallel_loop3A_214, %broadcast_in_dim3A_86 : vector<16xi32>
        %parallel_loop3A_216 = arith.constant 3 : i32
        %parallel_loop3A_217 = vector.broadcast %parallel_loop3A_216 : i32 to vector<16xi32>
        %parallel_loop3A_218 = arith.andi %parallel_loop3A_215, %parallel_loop3A_217 : vector<16xi32>
        %parallel_loop3A_219 = arith.constant 1 : i32
        %parallel_loop3A_220 = vector.broadcast %parallel_loop3A_219 : i32 to vector<16xi32>
        %parallel_loop3A_221 = arith.shrsi %parallel_loop3A_218, %parallel_loop3A_220 : vector<16xi32>
        %parallel_loop3A_222 = arith.xori %parallel_loop3A_218, %parallel_loop3A_221 : vector<16xi32>
        %parallel_loop3A_223 = arith.cmpi eq, %parallel_loop3A_222, %and3A_82 : vector<16xi32>
        %parallel_loop3A_224 = arith.select %parallel_loop3A_223, %broadcast_in_dim3A_83, %broadcast_in_dim3A_85 : vector<16xi1>, vector<16xf32>
        %parallel_loop3A_225 = arith.constant 2 : i32
        %parallel_loop3A_226 = arith.muli %parallel_loop3A_225, %parallel_loop3A_189 : i32
        %parallel_loop3A_227 = arith.constant 384 : i32
        %parallel_loop3A_228 = arith.muli %parallel_loop3A_226, %parallel_loop3A_227 : i32
        %parallel_loop3A_229 = arith.constant 16 : i32
        %parallel_loop3A_230 = arith.muli %parallel_loop3A_229, %parallel_loop3A_205 : i32
        %parallel_loop3A_231 = arith.addi %parallel_loop3A_228, %parallel_loop3A_230 : i32
        %parallel_loop3A_232 = arith.index_cast %parallel_loop3A_231 : i32 to index
        %parallel_loop3A_233 = tpu.vector_load %arg6[%parallel_loop3A_232] {strides = array<i32>} : memref<36864xf32, #tpu.memory_space<vmem>>, vector<16xf32>,
        tpu.vector_store %arg6[%parallel_loop3A_232], %parallel_loop3A_224 {strides = array<i32>} : memref<36864xf32, #tpu.memory_space<vmem>>, vector<16xf32>,
        %parallel_loop3A_234 = arith.constant 2 : i32
        %parallel_loop3A_235 = vector.broadcast %parallel_loop3A_234 : i32 to vector<16xi32>
        %parallel_loop3A_236 = arith.addi %and3A_82, %parallel_loop3A_235 : vector<16xi32>
        %parallel_loop3A_237 = arith.cmpi eq, %parallel_loop3A_222, %parallel_loop3A_236 : vector<16xi32>
        %parallel_loop3A_238 = arith.select %parallel_loop3A_237, %broadcast_in_dim3A_83, %broadcast_in_dim3A_85 : vector<16xi1>, vector<16xf32>
        %parallel_loop3A_239 = arith.constant 2 : i32
        %parallel_loop3A_240 = arith.muli %parallel_loop3A_239, %parallel_loop3A_189 : i32
        %parallel_loop3A_241 = arith.constant 1 : i32
        %parallel_loop3A_242 = arith.addi %parallel_loop3A_240, %parallel_loop3A_241 : i32
        %parallel_loop3A_243 = arith.constant 384 : i32
        %parallel_loop3A_244 = arith.muli %parallel_loop3A_242, %parallel_loop3A_243 : i32
        %parallel_loop3A_245 = arith.constant 16 : i32
        %parallel_loop3A_246 = arith.muli %parallel_loop3A_245, %parallel_loop3A_205 : i32
        %parallel_loop3A_247 = arith.addi %parallel_loop3A_244, %parallel_loop3A_246 : i32
        %parallel_loop3A_248 = arith.index_cast %parallel_loop3A_247 : i32 to index
        %parallel_loop3A_249 = tpu.vector_load %arg6[%parallel_loop3A_248] {strides = array<i32>} : memref<36864xf32, #tpu.memory_space<vmem>>, vector<16xf32>,
        tpu.vector_store %arg6[%parallel_loop3A_248], %parallel_loop3A_238 {strides = array<i32>} : memref<36864xf32, #tpu.memory_space<vmem>>, vector<16xf32>,
      } {sc.loop_unroll_factor = 8 : i64, sc.parallel_access}
      %add3A_102 = arith.constant 0 : i32
      %add3A_103 = arith.addi %add3A_91, %add3A_102 : i32
      %dma_start3A = arith.constant 0 : i32
      %dma_start3A_104 = tpu.memref_slice %arg6[%dma_start3A] : memref<36864xf32, #tpu.memory_space<vmem>> -> memref<9216xf32, #tpu.memory_space<vmem>>
      %dma_start3A_105 = tpu.memref_slice %arg4[%add3A_103] : memref<589824xf32, #tpu.memory_space<hbm>> -> memref<9216xf32, #tpu.memory_space<hbm>>
      %dma_start3A_106 = tpu.memref_slice %arg4[%add3A_103] : memref<589824xf32, #tpu.memory_space<hbm>> -> memref<9216xf32, #tpu.memory_space<hbm>>
      %dma_start3A_107 = arith.constant 0 : i32
      %dma_start3A_108 = tpu.memref_slice %arg6[%dma_start3A_107] : memref<36864xf32, #tpu.memory_space<vmem>> -> memref<9216xf32, #tpu.memory_space<vmem>>
      tpu.enqueue_dma source(%dma_start3A_108 : memref<9216xf32, #tpu.memory_space<vmem>>) target(%dma_start3A_106 : memref<9216xf32, #tpu.memory_space<hbm>>) target_semaphore(%arg7 : memref<!tpu.dma_semaphore, #tpu.memory_space<semaphore_mem>>)
      %parallel_loop3A_109 = arith.constant 288 : i32
      %parallel_loop3A_110 = arith.constant 576 : i32
      %parallel_loop3A_111 = arith.constant 1 : i32
      scf.for %parallel_loop3A_165 = %parallel_loop3A_109 to %parallel_loop3A_110 step %parallel_loop3A_111  : i32 {
        %parallel_loop3A_166 = arith.constant 24 : i32
        %parallel_loop3A_167 = arith.divsi %parallel_loop3A_165, %parallel_loop3A_166 : i32
        %parallel_loop3A_168 = arith.constant 0 : i32
        %parallel_loop3A_169 = arith.cmpi sgt, %parallel_loop3A_165, %parallel_loop3A_168 : i32
        %parallel_loop3A_170 = arith.extui %parallel_loop3A_169 : i1 to i32
        %parallel_loop3A_171 = arith.constant 0 : i32
        %parallel_loop3A_172 = arith.cmpi slt, %parallel_loop3A_165, %parallel_loop3A_171 : i32
        %parallel_loop3A_173 = arith.extui %parallel_loop3A_172 : i1 to i32
        %parallel_loop3A_174 = arith.subi %parallel_loop3A_170, %parallel_loop3A_173 : i32
        %parallel_loop3A_175 = arith.constant 0 : i32
        %parallel_loop3A_176 = arith.cmpi sgt, %parallel_loop3A_166, %parallel_loop3A_175 : i32
        %parallel_loop3A_177 = arith.extui %parallel_loop3A_176 : i1 to i32
        %parallel_loop3A_178 = arith.constant 0 : i32
        %parallel_loop3A_179 = arith.cmpi slt, %parallel_loop3A_166, %parallel_loop3A_178 : i32
        %parallel_loop3A_180 = arith.extui %parallel_loop3A_179 : i1 to i32
        %parallel_loop3A_181 = arith.subi %parallel_loop3A_177, %parallel_loop3A_180 : i32
        %parallel_loop3A_182 = arith.cmpi ne, %parallel_loop3A_174, %parallel_loop3A_181 : i32
        %parallel_loop3A_183 = arith.remsi %parallel_loop3A_165, %parallel_loop3A_166 : i32
        %parallel_loop3A_184 = arith.constant 0 : i32
        %parallel_loop3A_185 = arith.cmpi ne, %parallel_loop3A_183, %parallel_loop3A_184 : i32
        %parallel_loop3A_186 = arith.andi %parallel_loop3A_182, %parallel_loop3A_185 : i1
        %parallel_loop3A_187 = arith.constant 1 : i32
        %parallel_loop3A_188 = arith.subi %parallel_loop3A_167, %parallel_loop3A_187 : i32
        %parallel_loop3A_189 = arith.select %parallel_loop3A_186, %parallel_loop3A_188, %parallel_loop3A_167 : i32
        %parallel_loop3A_190 = arith.constant 24 : i32
        %parallel_loop3A_191 = arith.constant 0 : i32
        %parallel_loop3A_192 = arith.cmpi eq, %parallel_loop3A_190, %parallel_loop3A_191 : i32
        %parallel_loop3A_193 = arith.constant 1 : i32
        %parallel_loop3A_194 = arith.select %parallel_loop3A_192, %parallel_loop3A_193, %parallel_loop3A_190 : i32
        %parallel_loop3A_195 = arith.remsi %parallel_loop3A_165, %parallel_loop3A_194 : i32
        %parallel_loop3A_196 = arith.constant 0 : i32
        %parallel_loop3A_197 = arith.cmpi ne, %parallel_loop3A_195, %parallel_loop3A_196 : i32
        %parallel_loop3A_198 = arith.constant 0 : i32
        %parallel_loop3A_199 = arith.cmpi slt, %parallel_loop3A_195, %parallel_loop3A_198 : i32
        %parallel_loop3A_200 = arith.constant 0 : i32
        %parallel_loop3A_201 = arith.cmpi slt, %parallel_loop3A_194, %parallel_loop3A_200 : i32
        %parallel_loop3A_202 = arith.xori %parallel_loop3A_199, %parallel_loop3A_201 : i1
        %parallel_loop3A_203 = arith.andi %parallel_loop3A_202, %parallel_loop3A_197 : i1
        %parallel_loop3A_204 = arith.addi %parallel_loop3A_195, %parallel_loop3A_194 : i32
        %parallel_loop3A_205 = arith.select %parallel_loop3A_203, %parallel_loop3A_204, %parallel_loop3A_195 : i32
        %parallel_loop3A_206 = arith.constant 192 : i32
        %parallel_loop3A_207 = arith.muli %parallel_loop3A_189, %parallel_loop3A_206 : i32
        %parallel_loop3A_208 = vector.broadcast %parallel_loop3A_207 : i32 to vector<16xi32>
        %parallel_loop3A_209 = arith.addi %parallel_loop3A_208, %shift_right_arithmetic3A_79 : vector<16xi32>
        %parallel_loop3A_210 = arith.constant 8 : i32
        %parallel_loop3A_211 = arith.muli %parallel_loop3A_210, %parallel_loop3A_205 : i32
        %parallel_loop3A_212 = vector.broadcast %parallel_loop3A_211 : i32 to vector<16xi32>
        %parallel_loop3A_213 = arith.addi %parallel_loop3A_209, %parallel_loop3A_212 : vector<16xi32>
        %parallel_loop3A_214 = tpu.vector_load_idx %arg5[%parallel_loop3A_213] : memref<9216xi32, #tpu.memory_space<vmem>>[vector<16xi32>], vector<16xi32>,
        %parallel_loop3A_215 = arith.addi %parallel_loop3A_214, %broadcast_in_dim3A_86 : vector<16xi32>
        %parallel_loop3A_216 = arith.constant 3 : i32
        %parallel_loop3A_217 = vector.broadcast %parallel_loop3A_216 : i32 to vector<16xi32>
        %parallel_loop3A_218 = arith.andi %parallel_loop3A_215, %parallel_loop3A_217 : vector<16xi32>
        %parallel_loop3A_219 = arith.constant 1 : i32
        %parallel_loop3A_220 = vector.broadcast %parallel_loop3A_219 : i32 to vector<16xi32>
        %parallel_loop3A_221 = arith.shrsi %parallel_loop3A_218, %parallel_loop3A_220 : vector<16xi32>
        %parallel_loop3A_222 = arith.xori %parallel_loop3A_218, %parallel_loop3A_221 : vector<16xi32>
        %parallel_loop3A_223 = arith.cmpi eq, %parallel_loop3A_222, %and3A_82 : vector<16xi32>
        %parallel_loop3A_224 = arith.select %parallel_loop3A_223, %broadcast_in_dim3A_83, %broadcast_in_dim3A_85 : vector<16xi1>, vector<16xf32>
        %parallel_loop3A_225 = arith.constant 2 : i32
        %parallel_loop3A_226 = arith.muli %parallel_loop3A_225, %parallel_loop3A_189 : i32
        %parallel_loop3A_227 = arith.constant 384 : i32
        %parallel_loop3A_228 = arith.muli %parallel_loop3A_226, %parallel_loop3A_227 : i32
        %parallel_loop3A_229 = arith.constant 16 : i32
        %parallel_loop3A_230 = arith.muli %parallel_loop3A_229, %parallel_loop3A_205 : i32
        %parallel_loop3A_231 = arith.addi %parallel_loop3A_228, %parallel_loop3A_230 : i32
        %parallel_loop3A_232 = arith.index_cast %parallel_loop3A_231 : i32 to index
        %parallel_loop3A_233 = tpu.vector_load %arg6[%parallel_loop3A_232] {strides = array<i32>} : memref<36864xf32, #tpu.memory_space<vmem>>, vector<16xf32>,
        tpu.vector_store %arg6[%parallel_loop3A_232], %parallel_loop3A_224 {strides = array<i32>} : memref<36864xf32, #tpu.memory_space<vmem>>, vector<16xf32>,
        %parallel_loop3A_234 = arith.constant 2 : i32
        %parallel_loop3A_235 = vector.broadcast %parallel_loop3A_234 : i32 to vector<16xi32>
        %parallel_loop3A_236 = arith.addi %and3A_82, %parallel_loop3A_235 : vector<16xi32>
        %parallel_loop3A_237 = arith.cmpi eq, %parallel_loop3A_222, %parallel_loop3A_236 : vector<16xi32>
        %parallel_loop3A_238 = arith.select %parallel_loop3A_237, %broadcast_in_dim3A_83, %broadcast_in_dim3A_85 : vector<16xi1>, vector<16xf32>
        %parallel_loop3A_239 = arith.constant 2 : i32
        %parallel_loop3A_240 = arith.muli %parallel_loop3A_239, %parallel_loop3A_189 : i32
        %parallel_loop3A_241 = arith.constant 1 : i32
        %parallel_loop3A_242 = arith.addi %parallel_loop3A_240, %parallel_loop3A_241 : i32
        %parallel_loop3A_243 = arith.constant 384 : i32
        %parallel_loop3A_244 = arith.muli %parallel_loop3A_242, %parallel_loop3A_243 : i32
        %parallel_loop3A_245 = arith.constant 16 : i32
        %parallel_loop3A_246 = arith.muli %parallel_loop3A_245, %parallel_loop3A_205 : i32
        %parallel_loop3A_247 = arith.addi %parallel_loop3A_244, %parallel_loop3A_246 : i32
        %parallel_loop3A_248 = arith.index_cast %parallel_loop3A_247 : i32 to index
        %parallel_loop3A_249 = tpu.vector_load %arg6[%parallel_loop3A_248] {strides = array<i32>} : memref<36864xf32, #tpu.memory_space<vmem>>, vector<16xf32>,
        tpu.vector_store %arg6[%parallel_loop3A_248], %parallel_loop3A_238 {strides = array<i32>} : memref<36864xf32, #tpu.memory_space<vmem>>, vector<16xf32>,
      } {sc.loop_unroll_factor = 8 : i64, sc.parallel_access}
      %add3A_112 = arith.constant 9216 : i32
      %add3A_113 = arith.addi %add3A_91, %add3A_112 : i32
      %dma_start3A_114 = arith.constant 9216 : i32
      %dma_start3A_115 = tpu.memref_slice %arg6[%dma_start3A_114] : memref<36864xf32, #tpu.memory_space<vmem>> -> memref<9216xf32, #tpu.memory_space<vmem>>
      %dma_start3A_116 = tpu.memref_slice %arg4[%add3A_113] : memref<589824xf32, #tpu.memory_space<hbm>> -> memref<9216xf32, #tpu.memory_space<hbm>>
      %dma_start3A_117 = tpu.memref_slice %arg4[%add3A_113] : memref<589824xf32, #tpu.memory_space<hbm>> -> memref<9216xf32, #tpu.memory_space<hbm>>
      %dma_start3A_118 = arith.constant 9216 : i32
      %dma_start3A_119 = tpu.memref_slice %arg6[%dma_start3A_118] : memref<36864xf32, #tpu.memory_space<vmem>> -> memref<9216xf32, #tpu.memory_space<vmem>>
      tpu.enqueue_dma source(%dma_start3A_119 : memref<9216xf32, #tpu.memory_space<vmem>>) target(%dma_start3A_117 : memref<9216xf32, #tpu.memory_space<hbm>>) target_semaphore(%arg7 : memref<!tpu.dma_semaphore, #tpu.memory_space<semaphore_mem>>)
      %parallel_loop3A_120 = arith.constant 576 : i32
      %parallel_loop3A_121 = arith.constant 864 : i32
      %parallel_loop3A_122 = arith.constant 1 : i32
      scf.for %parallel_loop3A_165 = %parallel_loop3A_120 to %parallel_loop3A_121 step %parallel_loop3A_122  : i32 {
        %parallel_loop3A_166 = arith.constant 24 : i32
        %parallel_loop3A_167 = arith.divsi %parallel_loop3A_165, %parallel_loop3A_166 : i32
        %parallel_loop3A_168 = arith.constant 0 : i32
        %parallel_loop3A_169 = arith.cmpi sgt, %parallel_loop3A_165, %parallel_loop3A_168 : i32
        %parallel_loop3A_170 = arith.extui %parallel_loop3A_169 : i1 to i32
        %parallel_loop3A_171 = arith.constant 0 : i32
        %parallel_loop3A_172 = arith.cmpi slt, %parallel_loop3A_165, %parallel_loop3A_171 : i32
        %parallel_loop3A_173 = arith.extui %parallel_loop3A_172 : i1 to i32
        %parallel_loop3A_174 = arith.subi %parallel_loop3A_170, %parallel_loop3A_173 : i32
        %parallel_loop3A_175 = arith.constant 0 : i32
        %parallel_loop3A_176 = arith.cmpi sgt, %parallel_loop3A_166, %parallel_loop3A_175 : i32
        %parallel_loop3A_177 = arith.extui %parallel_loop3A_176 : i1 to i32
        %parallel_loop3A_178 = arith.constant 0 : i32
        %parallel_loop3A_179 = arith.cmpi slt, %parallel_loop3A_166, %parallel_loop3A_178 : i32
        %parallel_loop3A_180 = arith.extui %parallel_loop3A_179 : i1 to i32
        %parallel_loop3A_181 = arith.subi %parallel_loop3A_177, %parallel_loop3A_180 : i32
        %parallel_loop3A_182 = arith.cmpi ne, %parallel_loop3A_174, %parallel_loop3A_181 : i32
        %parallel_loop3A_183 = arith.remsi %parallel_loop3A_165, %parallel_loop3A_166 : i32
        %parallel_loop3A_184 = arith.constant 0 : i32
        %parallel_loop3A_185 = arith.cmpi ne, %parallel_loop3A_183, %parallel_loop3A_184 : i32
        %parallel_loop3A_186 = arith.andi %parallel_loop3A_182, %parallel_loop3A_185 : i1
        %parallel_loop3A_187 = arith.constant 1 : i32
        %parallel_loop3A_188 = arith.subi %parallel_loop3A_167, %parallel_loop3A_187 : i32
        %parallel_loop3A_189 = arith.select %parallel_loop3A_186, %parallel_loop3A_188, %parallel_loop3A_167 : i32
        %parallel_loop3A_190 = arith.constant 24 : i32
        %parallel_loop3A_191 = arith.constant 0 : i32
        %parallel_loop3A_192 = arith.cmpi eq, %parallel_loop3A_190, %parallel_loop3A_191 : i32
        %parallel_loop3A_193 = arith.constant 1 : i32
        %parallel_loop3A_194 = arith.select %parallel_loop3A_192, %parallel_loop3A_193, %parallel_loop3A_190 : i32
        %parallel_loop3A_195 = arith.remsi %parallel_loop3A_165, %parallel_loop3A_194 : i32
        %parallel_loop3A_196 = arith.constant 0 : i32
        %parallel_loop3A_197 = arith.cmpi ne, %parallel_loop3A_195, %parallel_loop3A_196 : i32
        %parallel_loop3A_198 = arith.constant 0 : i32
        %parallel_loop3A_199 = arith.cmpi slt, %parallel_loop3A_195, %parallel_loop3A_198 : i32
        %parallel_loop3A_200 = arith.constant 0 : i32
        %parallel_loop3A_201 = arith.cmpi slt, %parallel_loop3A_194, %parallel_loop3A_200 : i32
        %parallel_loop3A_202 = arith.xori %parallel_loop3A_199, %parallel_loop3A_201 : i1
        %parallel_loop3A_203 = arith.andi %parallel_loop3A_202, %parallel_loop3A_197 : i1
        %parallel_loop3A_204 = arith.addi %parallel_loop3A_195, %parallel_loop3A_194 : i32
        %parallel_loop3A_205 = arith.select %parallel_loop3A_203, %parallel_loop3A_204, %parallel_loop3A_195 : i32
        %parallel_loop3A_206 = arith.constant 192 : i32
        %parallel_loop3A_207 = arith.muli %parallel_loop3A_189, %parallel_loop3A_206 : i32
        %parallel_loop3A_208 = vector.broadcast %parallel_loop3A_207 : i32 to vector<16xi32>
        %parallel_loop3A_209 = arith.addi %parallel_loop3A_208, %shift_right_arithmetic3A_79 : vector<16xi32>
        %parallel_loop3A_210 = arith.constant 8 : i32
        %parallel_loop3A_211 = arith.muli %parallel_loop3A_210, %parallel_loop3A_205 : i32
        %parallel_loop3A_212 = vector.broadcast %parallel_loop3A_211 : i32 to vector<16xi32>
        %parallel_loop3A_213 = arith.addi %parallel_loop3A_209, %parallel_loop3A_212 : vector<16xi32>
        %parallel_loop3A_214 = tpu.vector_load_idx %arg5[%parallel_loop3A_213] : memref<9216xi32, #tpu.memory_space<vmem>>[vector<16xi32>], vector<16xi32>,
        %parallel_loop3A_215 = arith.addi %parallel_loop3A_214, %broadcast_in_dim3A_86 : vector<16xi32>
        %parallel_loop3A_216 = arith.constant 3 : i32
        %parallel_loop3A_217 = vector.broadcast %parallel_loop3A_216 : i32 to vector<16xi32>
        %parallel_loop3A_218 = arith.andi %parallel_loop3A_215, %parallel_loop3A_217 : vector<16xi32>
        %parallel_loop3A_219 = arith.constant 1 : i32
        %parallel_loop3A_220 = vector.broadcast %parallel_loop3A_219 : i32 to vector<16xi32>
        %parallel_loop3A_221 = arith.shrsi %parallel_loop3A_218, %parallel_loop3A_220 : vector<16xi32>
        %parallel_loop3A_222 = arith.xori %parallel_loop3A_218, %parallel_loop3A_221 : vector<16xi32>
        %parallel_loop3A_223 = arith.cmpi eq, %parallel_loop3A_222, %and3A_82 : vector<16xi32>
        %parallel_loop3A_224 = arith.select %parallel_loop3A_223, %broadcast_in_dim3A_83, %broadcast_in_dim3A_85 : vector<16xi1>, vector<16xf32>
        %parallel_loop3A_225 = arith.constant 2 : i32
        %parallel_loop3A_226 = arith.muli %parallel_loop3A_225, %parallel_loop3A_189 : i32
        %parallel_loop3A_227 = arith.constant 384 : i32
        %parallel_loop3A_228 = arith.muli %parallel_loop3A_226, %parallel_loop3A_227 : i32
        %parallel_loop3A_229 = arith.constant 16 : i32
        %parallel_loop3A_230 = arith.muli %parallel_loop3A_229, %parallel_loop3A_205 : i32
        %parallel_loop3A_231 = arith.addi %parallel_loop3A_228, %parallel_loop3A_230 : i32
        %parallel_loop3A_232 = arith.index_cast %parallel_loop3A_231 : i32 to index
        %parallel_loop3A_233 = tpu.vector_load %arg6[%parallel_loop3A_232] {strides = array<i32>} : memref<36864xf32, #tpu.memory_space<vmem>>, vector<16xf32>,
        tpu.vector_store %arg6[%parallel_loop3A_232], %parallel_loop3A_224 {strides = array<i32>} : memref<36864xf32, #tpu.memory_space<vmem>>, vector<16xf32>,
        %parallel_loop3A_234 = arith.constant 2 : i32
        %parallel_loop3A_235 = vector.broadcast %parallel_loop3A_234 : i32 to vector<16xi32>
        %parallel_loop3A_236 = arith.addi %and3A_82, %parallel_loop3A_235 : vector<16xi32>
        %parallel_loop3A_237 = arith.cmpi eq, %parallel_loop3A_222, %parallel_loop3A_236 : vector<16xi32>
        %parallel_loop3A_238 = arith.select %parallel_loop3A_237, %broadcast_in_dim3A_83, %broadcast_in_dim3A_85 : vector<16xi1>, vector<16xf32>
        %parallel_loop3A_239 = arith.constant 2 : i32
        %parallel_loop3A_240 = arith.muli %parallel_loop3A_239, %parallel_loop3A_189 : i32
        %parallel_loop3A_241 = arith.constant 1 : i32
        %parallel_loop3A_242 = arith.addi %parallel_loop3A_240, %parallel_loop3A_241 : i32
        %parallel_loop3A_243 = arith.constant 384 : i32
        %parallel_loop3A_244 = arith.muli %parallel_loop3A_242, %parallel_loop3A_243 : i32
        %parallel_loop3A_245 = arith.constant 16 : i32
        %parallel_loop3A_246 = arith.muli %parallel_loop3A_245, %parallel_loop3A_205 : i32
        %parallel_loop3A_247 = arith.addi %parallel_loop3A_244, %parallel_loop3A_246 : i32
        %parallel_loop3A_248 = arith.index_cast %parallel_loop3A_247 : i32 to index
        %parallel_loop3A_249 = tpu.vector_load %arg6[%parallel_loop3A_248] {strides = array<i32>} : memref<36864xf32, #tpu.memory_space<vmem>>, vector<16xf32>,
        tpu.vector_store %arg6[%parallel_loop3A_248], %parallel_loop3A_238 {strides = array<i32>} : memref<36864xf32, #tpu.memory_space<vmem>>, vector<16xf32>,
      } {sc.loop_unroll_factor = 8 : i64, sc.parallel_access}
      %add3A_123 = arith.constant 18432 : i32
      %add3A_124 = arith.addi %add3A_91, %add3A_123 : i32
      %dma_start3A_125 = arith.constant 18432 : i32
      %dma_start3A_126 = tpu.memref_slice %arg6[%dma_start3A_125] : memref<36864xf32, #tpu.memory_space<vmem>> -> memref<9216xf32, #tpu.memory_space<vmem>>
      %dma_start3A_127 = tpu.memref_slice %arg4[%add3A_124] : memref<589824xf32, #tpu.memory_space<hbm>> -> memref<9216xf32, #tpu.memory_space<hbm>>
      %dma_start3A_128 = tpu.memref_slice %arg4[%add3A_124] : memref<589824xf32, #tpu.memory_space<hbm>> -> memref<9216xf32, #tpu.memory_space<hbm>>
      %dma_start3A_129 = arith.constant 18432 : i32
      %dma_start3A_130 = tpu.memref_slice %arg6[%dma_start3A_129] : memref<36864xf32, #tpu.memory_space<vmem>> -> memref<9216xf32, #tpu.memory_space<vmem>>
      tpu.enqueue_dma source(%dma_start3A_130 : memref<9216xf32, #tpu.memory_space<vmem>>) target(%dma_start3A_128 : memref<9216xf32, #tpu.memory_space<hbm>>) target_semaphore(%arg7 : memref<!tpu.dma_semaphore, #tpu.memory_space<semaphore_mem>>)
      %parallel_loop3A_131 = arith.constant 864 : i32
      %parallel_loop3A_132 = arith.constant 1152 : i32
      %parallel_loop3A_133 = arith.constant 1 : i32
      scf.for %parallel_loop3A_165 = %parallel_loop3A_131 to %parallel_loop3A_132 step %parallel_loop3A_133  : i32 {
        %parallel_loop3A_166 = arith.constant 24 : i32
        %parallel_loop3A_167 = arith.divsi %parallel_loop3A_165, %parallel_loop3A_166 : i32
        %parallel_loop3A_168 = arith.constant 0 : i32
        %parallel_loop3A_169 = arith.cmpi sgt, %parallel_loop3A_165, %parallel_loop3A_168 : i32
        %parallel_loop3A_170 = arith.extui %parallel_loop3A_169 : i1 to i32
        %parallel_loop3A_171 = arith.constant 0 : i32
        %parallel_loop3A_172 = arith.cmpi slt, %parallel_loop3A_165, %parallel_loop3A_171 : i32
        %parallel_loop3A_173 = arith.extui %parallel_loop3A_172 : i1 to i32
        %parallel_loop3A_174 = arith.subi %parallel_loop3A_170, %parallel_loop3A_173 : i32
        %parallel_loop3A_175 = arith.constant 0 : i32
        %parallel_loop3A_176 = arith.cmpi sgt, %parallel_loop3A_166, %parallel_loop3A_175 : i32
        %parallel_loop3A_177 = arith.extui %parallel_loop3A_176 : i1 to i32
        %parallel_loop3A_178 = arith.constant 0 : i32
        %parallel_loop3A_179 = arith.cmpi slt, %parallel_loop3A_166, %parallel_loop3A_178 : i32
        %parallel_loop3A_180 = arith.extui %parallel_loop3A_179 : i1 to i32
        %parallel_loop3A_181 = arith.subi %parallel_loop3A_177, %parallel_loop3A_180 : i32
        %parallel_loop3A_182 = arith.cmpi ne, %parallel_loop3A_174, %parallel_loop3A_181 : i32
        %parallel_loop3A_183 = arith.remsi %parallel_loop3A_165, %parallel_loop3A_166 : i32
        %parallel_loop3A_184 = arith.constant 0 : i32
        %parallel_loop3A_185 = arith.cmpi ne, %parallel_loop3A_183, %parallel_loop3A_184 : i32
        %parallel_loop3A_186 = arith.andi %parallel_loop3A_182, %parallel_loop3A_185 : i1
        %parallel_loop3A_187 = arith.constant 1 : i32
        %parallel_loop3A_188 = arith.subi %parallel_loop3A_167, %parallel_loop3A_187 : i32
        %parallel_loop3A_189 = arith.select %parallel_loop3A_186, %parallel_loop3A_188, %parallel_loop3A_167 : i32
        %parallel_loop3A_190 = arith.constant 24 : i32
        %parallel_loop3A_191 = arith.constant 0 : i32
        %parallel_loop3A_192 = arith.cmpi eq, %parallel_loop3A_190, %parallel_loop3A_191 : i32
        %parallel_loop3A_193 = arith.constant 1 : i32
        %parallel_loop3A_194 = arith.select %parallel_loop3A_192, %parallel_loop3A_193, %parallel_loop3A_190 : i32
        %parallel_loop3A_195 = arith.remsi %parallel_loop3A_165, %parallel_loop3A_194 : i32
        %parallel_loop3A_196 = arith.constant 0 : i32
        %parallel_loop3A_197 = arith.cmpi ne, %parallel_loop3A_195, %parallel_loop3A_196 : i32
        %parallel_loop3A_198 = arith.constant 0 : i32
        %parallel_loop3A_199 = arith.cmpi slt, %parallel_loop3A_195, %parallel_loop3A_198 : i32
        %parallel_loop3A_200 = arith.constant 0 : i32
        %parallel_loop3A_201 = arith.cmpi slt, %parallel_loop3A_194, %parallel_loop3A_200 : i32
        %parallel_loop3A_202 = arith.xori %parallel_loop3A_199, %parallel_loop3A_201 : i1
        %parallel_loop3A_203 = arith.andi %parallel_loop3A_202, %parallel_loop3A_197 : i1
        %parallel_loop3A_204 = arith.addi %parallel_loop3A_195, %parallel_loop3A_194 : i32
        %parallel_loop3A_205 = arith.select %parallel_loop3A_203, %parallel_loop3A_204, %parallel_loop3A_195 : i32
        %parallel_loop3A_206 = arith.constant 192 : i32
        %parallel_loop3A_207 = arith.muli %parallel_loop3A_189, %parallel_loop3A_206 : i32
        %parallel_loop3A_208 = vector.broadcast %parallel_loop3A_207 : i32 to vector<16xi32>
        %parallel_loop3A_209 = arith.addi %parallel_loop3A_208, %shift_right_arithmetic3A_79 : vector<16xi32>
        %parallel_loop3A_210 = arith.constant 8 : i32
        %parallel_loop3A_211 = arith.muli %parallel_loop3A_210, %parallel_loop3A_205 : i32
        %parallel_loop3A_212 = vector.broadcast %parallel_loop3A_211 : i32 to vector<16xi32>
        %parallel_loop3A_213 = arith.addi %parallel_loop3A_209, %parallel_loop3A_212 : vector<16xi32>
        %parallel_loop3A_214 = tpu.vector_load_idx %arg5[%parallel_loop3A_213] : memref<9216xi32, #tpu.memory_space<vmem>>[vector<16xi32>], vector<16xi32>,
        %parallel_loop3A_215 = arith.addi %parallel_loop3A_214, %broadcast_in_dim3A_86 : vector<16xi32>
        %parallel_loop3A_216 = arith.constant 3 : i32
        %parallel_loop3A_217 = vector.broadcast %parallel_loop3A_216 : i32 to vector<16xi32>
        %parallel_loop3A_218 = arith.andi %parallel_loop3A_215, %parallel_loop3A_217 : vector<16xi32>
        %parallel_loop3A_219 = arith.constant 1 : i32
        %parallel_loop3A_220 = vector.broadcast %parallel_loop3A_219 : i32 to vector<16xi32>
        %parallel_loop3A_221 = arith.shrsi %parallel_loop3A_218, %parallel_loop3A_220 : vector<16xi32>
        %parallel_loop3A_222 = arith.xori %parallel_loop3A_218, %parallel_loop3A_221 : vector<16xi32>
        %parallel_loop3A_223 = arith.cmpi eq, %parallel_loop3A_222, %and3A_82 : vector<16xi32>
        %parallel_loop3A_224 = arith.select %parallel_loop3A_223, %broadcast_in_dim3A_83, %broadcast_in_dim3A_85 : vector<16xi1>, vector<16xf32>
        %parallel_loop3A_225 = arith.constant 2 : i32
        %parallel_loop3A_226 = arith.muli %parallel_loop3A_225, %parallel_loop3A_189 : i32
        %parallel_loop3A_227 = arith.constant 384 : i32
        %parallel_loop3A_228 = arith.muli %parallel_loop3A_226, %parallel_loop3A_227 : i32
        %parallel_loop3A_229 = arith.constant 16 : i32
        %parallel_loop3A_230 = arith.muli %parallel_loop3A_229, %parallel_loop3A_205 : i32
        %parallel_loop3A_231 = arith.addi %parallel_loop3A_228, %parallel_loop3A_230 : i32
        %parallel_loop3A_232 = arith.index_cast %parallel_loop3A_231 : i32 to index
        %parallel_loop3A_233 = tpu.vector_load %arg6[%parallel_loop3A_232] {strides = array<i32>} : memref<36864xf32, #tpu.memory_space<vmem>>, vector<16xf32>,
        tpu.vector_store %arg6[%parallel_loop3A_232], %parallel_loop3A_224 {strides = array<i32>} : memref<36864xf32, #tpu.memory_space<vmem>>, vector<16xf32>,
        %parallel_loop3A_234 = arith.constant 2 : i32
        %parallel_loop3A_235 = vector.broadcast %parallel_loop3A_234 : i32 to vector<16xi32>
        %parallel_loop3A_236 = arith.addi %and3A_82, %parallel_loop3A_235 : vector<16xi32>
        %parallel_loop3A_237 = arith.cmpi eq, %parallel_loop3A_222, %parallel_loop3A_236 : vector<16xi32>
        %parallel_loop3A_238 = arith.select %parallel_loop3A_237, %broadcast_in_dim3A_83, %broadcast_in_dim3A_85 : vector<16xi1>, vector<16xf32>
        %parallel_loop3A_239 = arith.constant 2 : i32
        %parallel_loop3A_240 = arith.muli %parallel_loop3A_239, %parallel_loop3A_189 : i32
        %parallel_loop3A_241 = arith.constant 1 : i32
        %parallel_loop3A_242 = arith.addi %parallel_loop3A_240, %parallel_loop3A_241 : i32
        %parallel_loop3A_243 = arith.constant 384 : i32
        %parallel_loop3A_244 = arith.muli %parallel_loop3A_242, %parallel_loop3A_243 : i32
        %parallel_loop3A_245 = arith.constant 16 : i32
        %parallel_loop3A_246 = arith.muli %parallel_loop3A_245, %parallel_loop3A_205 : i32
        %parallel_loop3A_247 = arith.addi %parallel_loop3A_244, %parallel_loop3A_246 : i32
        %parallel_loop3A_248 = arith.index_cast %parallel_loop3A_247 : i32 to index
        %parallel_loop3A_249 = tpu.vector_load %arg6[%parallel_loop3A_248] {strides = array<i32>} : memref<36864xf32, #tpu.memory_space<vmem>>, vector<16xf32>,
        tpu.vector_store %arg6[%parallel_loop3A_248], %parallel_loop3A_238 {strides = array<i32>} : memref<36864xf32, #tpu.memory_space<vmem>>, vector<16xf32>,
      } {sc.loop_unroll_factor = 8 : i64, sc.parallel_access}
      %add3A_134 = arith.constant 27648 : i32
      %add3A_135 = arith.addi %add3A_91, %add3A_134 : i32
      %dma_start3A_136 = arith.constant 27648 : i32
      %dma_start3A_137 = tpu.memref_slice %arg6[%dma_start3A_136] : memref<36864xf32, #tpu.memory_space<vmem>> -> memref<9216xf32, #tpu.memory_space<vmem>>
      %dma_start3A_138 = tpu.memref_slice %arg4[%add3A_135] : memref<589824xf32, #tpu.memory_space<hbm>> -> memref<9216xf32, #tpu.memory_space<hbm>>
      %dma_start3A_139 = tpu.memref_slice %arg4[%add3A_135] : memref<589824xf32, #tpu.memory_space<hbm>> -> memref<9216xf32, #tpu.memory_space<hbm>>
      %dma_start3A_140 = arith.constant 27648 : i32
      %dma_start3A_141 = tpu.memref_slice %arg6[%dma_start3A_140] : memref<36864xf32, #tpu.memory_space<vmem>> -> memref<9216xf32, #tpu.memory_space<vmem>>
      tpu.enqueue_dma source(%dma_start3A_141 : memref<9216xf32, #tpu.memory_space<vmem>>) target(%dma_start3A_139 : memref<9216xf32, #tpu.memory_space<hbm>>) target_semaphore(%arg7 : memref<!tpu.dma_semaphore, #tpu.memory_space<semaphore_mem>>)
      %dma_wait3A = arith.constant 0 : i32
      %dma_wait3A_142 = tpu.memref_slice %arg6[%dma_wait3A] : memref<36864xf32, #tpu.memory_space<vmem>> -> memref<9216xf32, #tpu.memory_space<vmem>>
      %dma_wait3A_143 = tpu.memref_slice %arg4[%add3A_103] : memref<589824xf32, #tpu.memory_space<hbm>> -> memref<9216xf32, #tpu.memory_space<hbm>>
      %dma_wait3A_144 = tpu.memref_slice %arg4[%add3A_103] : memref<589824xf32, #tpu.memory_space<hbm>> -> memref<9216xf32, #tpu.memory_space<hbm>>
      %dma_wait3A_145 = arith.constant 0 : i32
      %dma_wait3A_146 = tpu.memref_slice %arg6[%dma_wait3A_145] : memref<36864xf32, #tpu.memory_space<vmem>> -> memref<9216xf32, #tpu.memory_space<vmem>>
      tpu.wait_dma2 semaphore(%arg7 : memref<!tpu.dma_semaphore, #tpu.memory_space<semaphore_mem>>) src(%dma_wait3A_146 : memref<9216xf32, #tpu.memory_space<vmem>>) dst(%dma_wait3A_144 : memref<9216xf32, #tpu.memory_space<hbm>>)
      %dma_wait3A_147 = arith.constant 9216 : i32
      %dma_wait3A_148 = tpu.memref_slice %arg6[%dma_wait3A_147] : memref<36864xf32, #tpu.memory_space<vmem>> -> memref<9216xf32, #tpu.memory_space<vmem>>
      %dma_wait3A_149 = tpu.memref_slice %arg4[%add3A_113] : memref<589824xf32, #tpu.memory_space<hbm>> -> memref<9216xf32, #tpu.memory_space<hbm>>
      %dma_wait3A_150 = tpu.memref_slice %arg4[%add3A_113] : memref<589824xf32, #tpu.memory_space<hbm>> -> memref<9216xf32, #tpu.memory_space<hbm>>
      %dma_wait3A_151 = arith.constant 9216 : i32
      %dma_wait3A_152 = tpu.memref_slice %arg6[%dma_wait3A_151] : memref<36864xf32, #tpu.memory_space<vmem>> -> memref<9216xf32, #tpu.memory_space<vmem>>
      tpu.wait_dma2 semaphore(%arg7 : memref<!tpu.dma_semaphore, #tpu.memory_space<semaphore_mem>>) src(%dma_wait3A_152 : memref<9216xf32, #tpu.memory_space<vmem>>) dst(%dma_wait3A_150 : memref<9216xf32, #tpu.memory_space<hbm>>)
      %dma_wait3A_153 = arith.constant 18432 : i32
      %dma_wait3A_154 = tpu.memref_slice %arg6[%dma_wait3A_153] : memref<36864xf32, #tpu.memory_space<vmem>> -> memref<9216xf32, #tpu.memory_space<vmem>>
      %dma_wait3A_155 = tpu.memref_slice %arg4[%add3A_124] : memref<589824xf32, #tpu.memory_space<hbm>> -> memref<9216xf32, #tpu.memory_space<hbm>>
      %dma_wait3A_156 = tpu.memref_slice %arg4[%add3A_124] : memref<589824xf32, #tpu.memory_space<hbm>> -> memref<9216xf32, #tpu.memory_space<hbm>>
      %dma_wait3A_157 = arith.constant 18432 : i32
      %dma_wait3A_158 = tpu.memref_slice %arg6[%dma_wait3A_157] : memref<36864xf32, #tpu.memory_space<vmem>> -> memref<9216xf32, #tpu.memory_space<vmem>>
      tpu.wait_dma2 semaphore(%arg7 : memref<!tpu.dma_semaphore, #tpu.memory_space<semaphore_mem>>) src(%dma_wait3A_158 : memref<9216xf32, #tpu.memory_space<vmem>>) dst(%dma_wait3A_156 : memref<9216xf32, #tpu.memory_space<hbm>>)
      %dma_wait3A_159 = arith.constant 27648 : i32
      %dma_wait3A_160 = tpu.memref_slice %arg6[%dma_wait3A_159] : memref<36864xf32, #tpu.memory_space<vmem>> -> memref<9216xf32, #tpu.memory_space<vmem>>
      %dma_wait3A_161 = tpu.memref_slice %arg4[%add3A_135] : memref<589824xf32, #tpu.memory_space<hbm>> -> memref<9216xf32, #tpu.memory_space<hbm>>
      %dma_wait3A_162 = tpu.memref_slice %arg4[%add3A_135] : memref<589824xf32, #tpu.memory_space<hbm>> -> memref<9216xf32, #tpu.memory_space<hbm>>
      %dma_wait3A_163 = arith.constant 27648 : i32
      %dma_wait3A_164 = tpu.memref_slice %arg6[%dma_wait3A_163] : memref<36864xf32, #tpu.memory_space<vmem>> -> memref<9216xf32, #tpu.memory_space<vmem>>
      tpu.wait_dma2 semaphore(%arg7 : memref<!tpu.dma_semaphore, #tpu.memory_space<semaphore_mem>>) src(%dma_wait3A_164 : memref<9216xf32, #tpu.memory_space<vmem>>) dst(%dma_wait3A_162 : memref<9216xf32, #tpu.memory_space<hbm>>)
    } else {
    }
    return
  }
}

module attributes {stable_mosaic.version = 14 : i64} {
  func.func @_tc_body(%arg0: i32, %arg1: i32, %arg2: memref<1x384x384xf32, #tpu.memory_space<vmem>>, %arg3: memref<1x384x384xf32, #tpu.memory_space<vmem>>, %arg4: memref<1x8x384x384xf32, #tpu.memory_space<vmem>>, %arg5: memref<1x8x384x384xf32, #tpu.memory_space<vmem>>) attributes {dimension_semantics = [#tpu.dimension_semantics<arbitrary>, #tpu.dimension_semantics<arbitrary>], iteration_bounds = array<i64: 4, 12>, scalar_prefetch = 0 : i64, scratch_operands = 0 : i64, tpu.core_type = #tpu.core_type<tc>, window_params = [{transform_indices = @transform_0, window_bounds = array<i64: 1, 384, 384>}, {transform_indices = @transform_1, window_bounds = array<i64: 1, 384, 384>}, {transform_indices = @transform_2, window_bounds = array<i64: 1, 8, 384, 384>}, {transform_indices = @transform_3, window_bounds = array<i64: 1, 8, 384, 384>}]} {
    %get3A = arith.constant 0 : index
    %get3A_0 = arith.constant 0 : index
    %get3A_1 = arith.constant 0 : index
    %get3A_2 = vector.load %arg2[%get3A, %get3A_0, %get3A_1] : memref<1x384x384xf32, #tpu.memory_space<vmem>>, vector<1x384x384xf32>
    %get3A_3 = vector.shape_cast %get3A_2 : vector<1x384x384xf32> to vector<384x384xf32>
    %broadcast_in_dim3A = vector.shape_cast %get3A_3 : vector<384x384xf32> to vector<1x384x384xf32>
    %broadcast_in_dim3A_4 = vector.shape_cast %broadcast_in_dim3A : vector<1x384x384xf32> to vector<1x384x384xf32>
    %broadcast_in_dim3A_5 = vector.broadcast %broadcast_in_dim3A_4 : vector<1x384x384xf32> to vector<8x384x384xf32>
    %swap3A = arith.constant 0 : index
    %swap3A_6 = arith.constant 0 : index
    %swap3A_7 = arith.constant 0 : index
    %swap3A_8 = arith.constant 0 : index
    %swap3A_9 = vector.load %arg4[%swap3A, %swap3A_6, %swap3A_7, %swap3A_8] : memref<1x8x384x384xf32, #tpu.memory_space<vmem>>, vector<1x8x384x384xf32>
    %swap3A_10 = vector.shape_cast %swap3A_9 : vector<1x8x384x384xf32> to vector<8x384x384xf32>
    %swap3A_11 = vector.shape_cast %broadcast_in_dim3A_5 : vector<8x384x384xf32> to vector<1x8x384x384xf32>
    tpu.vector_store %arg4[%swap3A, %swap3A_6, %swap3A_7, %swap3A_8], %swap3A_11 {strides = array<i32>} : memref<1x8x384x384xf32, #tpu.memory_space<vmem>>, vector<1x8x384x384xf32>,
    %get3A_12 = arith.constant 0 : index
    %get3A_13 = arith.constant 0 : index
    %get3A_14 = arith.constant 0 : index
    %get3A_15 = vector.load %arg3[%get3A_12, %get3A_13, %get3A_14] : memref<1x384x384xf32, #tpu.memory_space<vmem>>, vector<1x384x384xf32>
    %get3A_16 = vector.shape_cast %get3A_15 : vector<1x384x384xf32> to vector<384x384xf32>
    %broadcast_in_dim3A_17 = vector.shape_cast %get3A_16 : vector<384x384xf32> to vector<1x384x384xf32>
    %broadcast_in_dim3A_18 = vector.shape_cast %broadcast_in_dim3A_17 : vector<1x384x384xf32> to vector<1x384x384xf32>
    %broadcast_in_dim3A_19 = vector.broadcast %broadcast_in_dim3A_18 : vector<1x384x384xf32> to vector<8x384x384xf32>
    %swap3A_20 = arith.constant 0 : index
    %swap3A_21 = arith.constant 0 : index
    %swap3A_22 = arith.constant 0 : index
    %swap3A_23 = arith.constant 0 : index
    %swap3A_24 = vector.load %arg5[%swap3A_20, %swap3A_21, %swap3A_22, %swap3A_23] : memref<1x8x384x384xf32, #tpu.memory_space<vmem>>, vector<1x8x384x384xf32>
    %swap3A_25 = vector.shape_cast %swap3A_24 : vector<1x8x384x384xf32> to vector<8x384x384xf32>
    %swap3A_26 = vector.shape_cast %broadcast_in_dim3A_19 : vector<8x384x384xf32> to vector<1x8x384x384xf32>
    tpu.vector_store %arg5[%swap3A_20, %swap3A_21, %swap3A_22, %swap3A_23], %swap3A_26 {strides = array<i32>} : memref<1x8x384x384xf32, #tpu.memory_space<vmem>>, vector<1x8x384x384xf32>,
    return
  }
  func.func @transform_0(%arg0: i32, %arg1: i32) -> (i32, i32, i32) {
    %c0_i32 = arith.constant 0 : i32
    %c0_i32_0 = arith.constant 0 : i32
    %c0_i32_1 = arith.constant 0 : i32
    return %arg0, %c0_i32, %c0_i32_0 : i32, i32, i32
  }
  func.func @transform_1(%arg0: i32, %arg1: i32) -> (i32, i32, i32) {
    %c0_i32 = arith.constant 0 : i32
    %c0_i32_0 = arith.constant 0 : i32
    %c0_i32_1 = arith.constant 0 : i32
    return %arg0, %c0_i32, %c0_i32_0 : i32, i32, i32
  }
  func.func @transform_2(%arg0: i32, %arg1: i32) -> (i32, i32, i32, i32) {
    %c0_i32 = arith.constant 0 : i32
    %c0_i32_0 = arith.constant 0 : i32
    %c0_i32_1 = arith.constant 0 : i32
    return %arg0, %arg1, %c0_i32, %c0_i32_0 : i32, i32, i32, i32
  }
  func.func @transform_3(%arg0: i32, %arg1: i32) -> (i32, i32, i32, i32) {
    %c0_i32 = arith.constant 0 : i32
    %c0_i32_0 = arith.constant 0 : i32
    %c0_i32_1 = arith.constant 0 : i32
    return %arg0, %arg1, %c0_i32, %c0_i32_0 : i32, i32, i32, i32
  }
}

</mosaic_0001>

<sc_bundles>
// kernel: kernel.4.cloned.1.call-start
scs
__scs_entry_jumppad:
0x0: {  	(pc) =	sbr.rel $0x88, $3  }
0x1: {  	(tag) =	ssettag $0x0;
	lr =	simm.s32 $0x1  }
0x2: {  	[smem:$0x3FA0] =	sst lr;
	_ =	strace $0xD0000000  }
0x3: {  	_ = 	snop  }
0x4: {  	_ = 	snop  }
0x5: {  	_ = 	snop  }
0x6: {  	_ = 	snop  }
0x7: {  	_ = 	snop  }
__scs_overlays_trampoline_lowered:
0x8: {  	[smem:$0x3FAF] =	sst s0  }
0x9: {  	[smem:$0x3FB0] =	sst s1  }
0xa: {  	[smem:$0x3FB1] =	sst s2  }
0xb: {  	[smem:$0x3FB2] =	sst s3  }
0xc: {  	[smem:$0x3FB3] =	sst s4  }
0xd: {  	[smem:$0x3FB4] =	sst s5  }
0xe: {  	[smem:$0x3FB5] =	sst s6  }
0xf: {  	[smem:$0x3FB6] =	sst s7  }
0x10: {  	[smem:$0x3FB7] =	sst s8  }
0x11: {  	[smem:$0x3FB8] =	sst s9;
	s0 =	simm.s32 @!p0 $0x0  }
0x12: {  	s1 =	sld [smem:$0x3F9E];
	s0 =	simm.s32 @p0 $0x1  }
0x13: {  	[smem:$0x3FB9] =	sst s0;
	s0 =	simm.s32 @!p1 $0x0  }
0x14: {  	s2 =	sld [smem:$0x3F9D];
	s0 =	simm.s32 @p1 $0x1  }
0x15: {  	[smem:$0x3FBA] =	sst s0;
	s0 =	simm.s32 @!p2 $0x0  }
0x16: {  	s3 =	sld [smem:$0x3FDB];
	s0 =	simm.s32 @p2 $0x1  }
0x17: {  	s4 =	simm.s32 $0x1BF5;
	[smem:$0x3FBC] =	sst s0  }
0x18: {  	s0 =	sld [smem:$0x3F9F];
	_ =	swait.ge [sflag:s4], $0x0  }
0x19: {  	s7 =	sld [smem:$0x3FA0]  }
0x1a: {  	s8 =	sadd.s32 $0xFFFFE003, lr  }
0x1b: {  	s9 =	sadd.s32 $0xFFFFFEF7, lr;
	s5 =	simm.s32 $0xFFFFFFFF;
	p2 =	slt.u32 s8, $0xFFFFF086  }
0x1c: {  	p1 =	slt.u32 s9, $0xF7A;
	s5 =	simm.s32 @!p2 $0x0  }
0x1d: {  	s5 =	simm.s32 @p1 $0x1;
	p0 =	seq.s32 s7, s2  }
0x1e: {  	s7 =	smul.u32 @!p0 $0xF7A, s2;
	p2 =	seq.s32 @!p0 s5, $0x0  }
0x1f: {  	s9 =	smul.u32 $0xF7A, s1;
	s8 =	simm.s32 @!p0 $0x1BF5;
	p2 =	por !p2, p0  }
0x20: {  	[sflag:s8] =	ssyncset.s32 @!p0 $0xFFFFF086;
	s6 =	sadd.s32 @!p0 s3, s7;
	s7 =	simm.s32 @!p0 $0x108  }
0x21: {  	s3 =	sadd.s32 s3, s9;
	s6 =	sadd.s32 @!p0 $0x88, s6;
	s7 =	simm.s32 @p2 $0x1082  }
0x22: {  	[simem:s7], [sflag:s8] =	dma.local @!p0 [hbm:s6], $0xF7A  }
0x23: {  	s9 =	sor.u32 $0xD0000000, s2;
	s6 =	simm.s32 $0x108;
	_ =	swait.ge @!p0 [sflag:s8], $0x0  }
0x24: {  	s3 =	sadd.s32 $0x88, s3;
	s6 =	simm.s32 @!p1 $0x1082;
	[sflag:s4] =	ssyncset.s32 $0xFFFFF086  }
0x25: {  	[simem:s6], [sflag:s4] =	dma.local [hbm:s3], $0xF7A  }
0x26: {  	[smem:$0x3FA0] =	sst s1;
	(tag) =	ssettag s2;
	_ =	strace s9  }
0x27: {  	s1 =	sld [smem:$0x3FB0]  }
0x28: {  	s2 =	sld [smem:$0x3FB1]  }
0x29: {  	s4 =	sld [smem:$0x3FB3]  }
0x2a: {  	p0 =	seq.s32 s5, $0x0;
	s5 =	sld [smem:$0x3FB4]  }
0x2b: {  	s6 =	sld [smem:$0x3FB5]  }
0x2c: {  	s7 =	sld [smem:$0x3FB6]  }
0x2d: {  	s3 =	simm.s32 $0x108;
	s8 =	sld [smem:$0x3FB7]  }
0x2e: {  	s3 =	simm.s32 @!p0 $0x1082;
	s9 =	sld [smem:$0x3FB8]  }
0x2f: {  	lr =	sadd.s32 s0, s3;
	s0 =	sld [smem:$0x3FAF]  }
0x30: {  	s3 =	sld [smem:$0x3FB2]  }
0x31: {  	[smem:$0x3FBB] =	sst s10  }
0x32: {  	s10 =	sld [smem:$0x3FB9];
	_ =	sdelay $0x3  }
0x33: {  	p0 =	seq.s32 s10, $0x1;
	s10 =	sld [smem:$0x3FBB];
	_ =	sdelay $0x3  }
0x34: {  	[smem:$0x3FBB] =	sst s10  }
0x35: {  	s10 =	sld [smem:$0x3FBA];
	_ =	sdelay $0x3  }
0x36: {  	p1 =	seq.s32 s10, $0x1;
	s10 =	sld [smem:$0x3FBB];
	_ =	sdelay $0x3  }
0x37: {  	[smem:$0x3FBB] =	sst s10  }
0x38: {  	s10 =	sld [smem:$0x3FBC]  }
0x39: {  	_ = 	snop;
	(pc) =	sbr.ind lr, $3  }
0x3a: {  	_ = 	snop  }
0x3b: {  	_ = 	snop  }
0x3c: {  	p2 =	seq.s32 s10, $0x1;
	s10 =	sld [smem:$0x3FBB]  }
0x3d: {  	_ =	shalt  }
0x3e: {  	_ =	shalt  }
0x3f: {  	_ =	shalt  }
0x40: {  	_ =	shalt  }
0x41: {  	_ =	shalt  }
0x42: {  	_ =	shalt  }
0x43: {  	_ =	shalt  }
0x44: {  	_ =	shalt  }
0x45: {  	_ =	shalt  }
0x46: {  	_ =	shalt  }
0x47: {  	_ =	shalt  }
0x48: {  	_ =	shalt  }
0x49: {  	_ =	shalt  }
0x4a: {  	_ =	shalt  }
0x4b: {  	_ =	shalt  }
0x4c: {  	_ =	shalt  }
0x4d: {  	_ =	shalt  }
0x4e: {  	_ =	shalt  }
0x4f: {  	_ =	shalt  }
0x50: {  	_ =	shalt  }
0x51: {  	_ =	shalt  }
0x52: {  	_ =	shalt  }
0x53: {  	_ =	shalt  }
0x54: {  	_ =	shalt  }
0x55: {  	_ =	shalt  }
0x56: {  	_ =	shalt  }
0x57: {  	_ =	shalt  }
0x58: {  	_ =	shalt  }
0x59: {  	_ =	shalt  }
0x5a: {  	_ =	shalt  }
0x5b: {  	_ =	shalt  }
0x5c: {  	_ =	shalt  }
0x5d: {  	_ =	shalt  }
0x5e: {  	_ =	shalt  }
0x5f: {  	_ =	shalt  }
0x60: {  	_ =	shalt  }
0x61: {  	_ =	shalt  }
0x62: {  	_ =	shalt  }
0x63: {  	_ =	shalt  }
0x64: {  	_ =	shalt  }
0x65: {  	_ =	shalt  }
0x66: {  	_ =	shalt  }
0x67: {  	_ =	shalt  }
0x68: {  	_ =	shalt  }
0x69: {  	_ =	shalt  }
0x6a: {  	_ =	shalt  }
0x6b: {  	_ =	shalt  }
0x6c: {  	_ =	shalt  }
0x6d: {  	_ =	shalt  }
0x6e: {  	_ =	shalt  }
0x6f: {  	_ =	shalt  }
0x70: {  	_ =	shalt  }
0x71: {  	_ =	shalt  }
0x72: {  	_ =	shalt  }
0x73: {  	_ =	shalt  }
0x74: {  	_ =	shalt  }
0x75: {  	_ =	shalt  }
0x76: {  	_ =	shalt  }
0x77: {  	_ =	shalt  }
0x78: {  	_ =	shalt  }
0x79: {  	_ =	shalt  }
0x7a: {  	_ =	shalt  }
0x7b: {  	_ =	shalt  }
0x7c: {  	_ =	shalt  }
0x7d: {  	_ =	shalt  }
0x7e: {  	_ =	shalt  }
0x7f: {  	_ =	shalt  }
0x80: {  	_ =	shalt  }
0x81: {  	_ =	shalt  }
0x82: {  	_ =	shalt  }
0x83: {  	_ =	shalt  }
0x84: {  	_ =	shalt  }
0x85: {  	_ =	shalt  }
0x86: {  	_ =	shalt  }
0x87: {  	_ =	shalt  }
.Lfunc_end0:
.L_simem_size_0:
called_computation_lowered:
.L_overlay_start_0:
0x88: {  	s2 =	sld [smem:$0x3FD9]  }
0x89: {  	s3 =	sld [smem:$0x3FFE];
	_ =	sdelay $0x1  }
0x8a: {  	s1 =	srdreg.scid  }
0x8b: {  	s0 =	sand.u32 $0x1, s1  }
0x8c: {  	s14 =	sshll.u32 s0, $0xA;
	s2 =	sadd.s32 s3, s2  }
0x8d: {  	s2 =	sadd.s32 s2, s14  }
0x8e: {  	[smem:$0x3FC7] =	sst s2  }
0x8f: {  	_ = 	snop  }
0x90: {  	s2 =	sld [smem:$0x3FD0];
	_ =	sdelay $0x2  }
0x91: {  	s15 =	simm.s32 $0xA;
	s4 =	simm.s32 $0x10  }
0x92: {  	[smem:s4], [sflag:s15] =	dma.local [hbm:s2], $0x1  }
0x93: {  	_ =	swait.eq [sflag:s15], $0x1  }
0x94: {  	[sflag:s15] =	ssyncset.done $0x0  }
0x95: {  	s16 =	sld [smem:$0x10];
	[sflag:s15] =	ssyncadd.s32 $0xFFFFFFFF  }
0x96: {  	s17 =	sld [smem:$0x11];
	(tm) =	ssettm $0x1  }
0x97: {  	s18 =	sld [smem:$0x3FFB];
	_ =	sdelay $0x3  }
0x98: {  	_ =	strace s18  }
0x99: {  	s4 =	sld [smem:$0x3FFC];
	_ =	sdelay $0x3  }
0x9a: {  	_ =	strace s4  }
0x9b: {  	s4 =	sld [smem:$0x3FFD];
	_ =	sdelay $0x3  }
0x9c: {  	_ =	strace s4  }
0x9d: {  	_ =	strace $0x8FFFFFFF  }
0x9e: {  	s19 =	sld [smem:$0x3FDB];
	_ =	sdelay $0x1  }
0x9f: {  	s5 =	simm.s32 $_scs_section_size  }
0xa0: {  	s6 =	simm.s32 $_size__tile_overlayer_lowered;
	s7 =	simm.s32 $_tile_overlayer_lowered  }
0xa1: {  	s22 =	simm.s32 $0x1BFF;
	s21 =	sshll.u32 s7, $0x1;
	s4 =	sadd.s32 s5, s19  }
0xa2: {  	s8 =	simm.s32 $0x0;
	s20 =	sshll.u32 s6, $0x1;
	s6 =	sadd.s32 s21, s4  }
0xa3: {  	[timem:s8], [sflag:s22] =	dma.local [hbm:s6], s20  }
0xa4: {  	_ =	swait.ge [sflag:s22], s20  }
0xa5: {  	s5 =	ssub.s32 $0x0, s20;
	[sflag:s22] =	ssyncset.done $0x0  }
0xa6: {  	[sflag:s22] =	ssyncadd.s32 s5;
	_ =	sdelay $0x1  }
0xa7: {  	s23 =	simm.s32 $0x1B8B  }
0xa8: {  	_ =	swait.ge [sflag:s23], $0x1  }
0xa9: {  	[sflag:s23] =	ssyncset.done $0x0  }
0xaa: {  	s25 =	simm.s32 $0x1B8E;
	s24 =	sld [smem:$0x3FFE];
	[sflag:s23] =	ssyncadd.s32 $0xFFFFFFFF  }
0xab: {  	s26 =	simm.s32 $execute0_lowered;
	[smem:$0x3FD2] =	sst s25  }
0xac: {  	s6 =	sshll.u32 s26, $0x1;
	_ =	strace $0x80000046;
	[dreg:$0x1] =	wrdreg $0xFFFFFFFF  }
0xad: {  	s28 =	simm.s32 $_size_execute0_lowered;
	s4 =	sadd.s32 s4, s6;
	[dreg:$0x0] =	wrdreg $0x0  }
0xae: {  	s6 =	sshll.u32 s28, $0x1;
	[dreg:$0x2] =	wrdreg s4  }
0xaf: {  	[dreg:$0x3] =	wrdreg s6  }
0xb0: {  	[dreg:$0x4] =	wrdreg $0xC0  }
0xb1: {  	_ =	task [dreg:s8], $0x5FFFF  }
0xb2: {  	[dreg:$0x1] =	wrdreg $0xFFFFFFFF  }
0xb3: {  	[dreg:$0x0] =	wrdreg $0x60  }
0xb4: {  	[dreg:$0x2] =	wrdreg s24  }
0xb5: {  	[dreg:$0x3] =	wrdreg s17  }
0xb6: {  	[dreg:$0x4] =	wrdreg s16  }
0xb7: {  	[dreg:$0x5] =	wrdreg $0x9  }
0xb8: {  	_ =	task.clear_ibuf [dreg:s8], $0x6FFFF;
	_ =	strace $0x90000046  }
0xb9: {  	s29 =	simm.s32 $0x9;
	_ =	strace $0x80000048  }
0xba: {  	_ =	swait.ge [sflag:s29], $0x1  }
0xbb: {  	[sflag:s29] =	ssyncadd.s32 $0xFFFFFFFF  }
0xbc: {  	_ =	strace $0x90000048  }
0xbd: {  	_ =	sfence  }
0xbe: {  	s30 =	sld [smem:$0x0];
	_ =	sdelay $0x2  }
0xbf: {  	s31 =	sshll.u32 s1, $0xD;
	s1 =	sshrl.u32 s1, $0x2  }
0xc0: {  	s3 =	sand.u32 $0x4000, s31;
	s1 =	sadd.s32 s1, s30  }
0xc1: {  	s0 =	sor.u32 s3, s0;
	s1 =	sshll.u32 s1, $0x11  }
0xc2: {  	s0 =	sor.u32 s1, s0  }
0xc3: {  	s0 =	sadd.s32 $0x8F2B, s0  }
0xc4: {  	[sflag:s0] =	ssyncadd.remote.s32 $0x1  }
0xc5: {  	_ =	sfence.sel $0xFFFF  }
0xc6: {  	[dreg:$0x0] =	wrdreg $0xFFFFFFFF;
	(pc) =	sbr.abs _section_cstart, $3  }
0xc7: {  	[dreg:$0x1] =	wrdreg $0xFFFFFFFF  }
0xc8: {  	_ =	task.clear_ibuf [dreg:s8], $0x2FFFF;
	_ =	strace $0x9FFFFFFF  }
0xc9: {  	(tm) =	ssettm $0x7FFFFFFF  }
tec
execute0_lowered:
.L_overlay_start_1:
0x0: {  	(tag) =	ssettag $0x1  }
0x1: {  	s9 =	stileid.u32  }
0x2: {  	s1 =	srdreg.scid;
	s2 =	sshll.u32 s9, $0x1;
	s3 =	sshrl.u32 s9, $0x2  }
0x3: {  	s1 =	sand.u32 $0x1, s1;
	s2 =	sand.u32 $0x2, s2;
	s5 =	smul.u32 $0x9000, s3  }
0x4: {  	s0 =	rddreg [dreg:$0x0];
	s3 =	smul.u32 $0x24000, s3;
	s6 =	sor.u32 s1, s2  }
0x5: {  	s4 =	rddreg [dreg:$0x1];
	s18 =	simm.s32 $0x0;
	s8 =	smul.u32 $0x2400, s6  }
0x6: {  	[smem:$0x7FF] =	sst s18;
	s1 =	ssub.s32 $0x2, s1;
	s6 =	smul.u32 $0x9000, s6  }
0x7: {  	s7 =	rddreg [dreg:$0x2];
	_ =	strace $0x80000047;
	s17 =	sshrl.u32 s1, $0x1  }
0x8: {  	s1 =	ssub.s32 s1, s17;
	s5 =	sadd.s32 s5, s8;
	s6 =	sadd.s32 s3, s6  }
0x9: {  	s31 =	smax.u32 s1, $0x1;
	s5 =	sshrl.u32 s5, $0x3;
	s20 =	sshrl.u32 s6, $0x3  }
0xa: {  	[dreg:$0x1e] =	wrdreg s31;
	s0 =	sadd.s32 s5, s0;
	s21 =	sadd.s32 s4, s20  }
0xb: {  	s6 =	sadd.s32 $0x480, s20;
	s0 =	sadd.s32 $0xA00, s0;
	[dreg:$0x16] =	wrdreg s21  }
0xc: {  	s23 =	sadd.s32 $0x900, s20;
	s22 =	sadd.s32 s4, s6;
	[dreg:$0x15] =	wrdreg s0  }
0xd: {  	s24 =	sadd.s32 $0xD80, s20;
	s25 =	sadd.s32 s4, s23;
	[dreg:$0x17] =	wrdreg s22  }
0xe: {  	s26 =	sadd.s32 s4, s24;
	[dreg:$0x18] =	wrdreg s25  }
.Ltmp0:
0xf: {  	s28 =	sadd.s32 s7, s6;
	[dreg:$0x19] =	wrdreg s26;
	(pc) =	sbr.rel .LBB2_1-.Ltmp0, $4  }
0x10: {  	s19 =	sshrl.u32 s9, $0x1;
	s29 =	sadd.s32 s7, s23;
	[dreg:$0x1b] =	wrdreg s28  }
0x11: {  	v2 =	vlaneseq.u32;
	s1 =	simm.s32 $0x0;
	s30 =	sadd.s32 s7, s24;
	[dreg:$0x1c] =	wrdreg s29  }
0x12: {  	v3 =	vimm.f32 $0.0e+00;
	v1 =	vand.u32 $0x1, v2;
	s5 =	sand.u32 $0x1, s19;
	s0 =	sadd.s32 s7, s20;
	[dreg:$0x1d] =	wrdreg s30  }
0x13: {  	v2 =	vshrl.u32 v2, $0x1;
	v4 =	vor.u32 $0x2, v1;
	p0 =	seq.s32 s5, $0x1;
	v0 =	vmov s5;
	p1 =	seq.s32 s5, $0x0;
	[dreg:$0x1a] =	wrdreg s0  }
.LBB2_20:
0x14: {  	s1 =	sadd.s32 $0x1, s1;
	s0 =	rddreg [dreg:$0x1e]  }
0x15: {  	p2 =	sne.s32 s1, s0  }
.Ltmp1:
0x16: {  	_ = 	snop;
	(pc) =	sbr.rel @!p2 .LBB2_21-.Ltmp1, $1  }
0x17: {  	_ =	sdelay $0x3  }
.LBB2_1:
.Ltmp2:
0x18: {  	s0 =	rddreg [dreg:$0x15];
	s31 =	simm.s32 $0x2;
	(pc) =	sbr.rel @p0 .LBB2_11-.Ltmp2, $4  }
0x19: {  	[tilespmem:s18], [sflag:$0x2] =	stream.linear.gather [hbm4b:s0+s18], $0x2400, $0x38;
	[tilespmem:$0xB400] =	vst v63  }
0x1a: {  	_ =	swait.ge [sflag:s31], $0x2400  }
0x1b: {  	[sflag:s31] =	ssyncset.done $0x0  }
0x1c: {  	s0 =	simm.s32 $0xFFFFFFF8;
	[dreg:$0x1f] =	wrdreg s1;
	[sflag:s31] =	ssyncadd.s32 $0xFFFFDC00  }
0x1d: {  	s20 =	sadd.s32 $0x8, s0  }
0x1e: {  	s1 =	sor.u32 $0x7, s20  }
0x1f: {  	s4 =	sor.u32 $0x1, s20;
	s5 =	smul.u32 $0xAAAB, s20;
	s23 =	sand.u32 $0xFFFF, s1  }
0x20: {  	s6 =	sor.u32 $0x2, s20;
	s7 =	sand.u32 $0xFFFF, s4;
	s0 =	smul.u32 $0xAAAB, s23  }
0x21: {  	s9 =	sor.u32 $0x3, s20;
	s10 =	sand.u32 $0xFFFF, s6;
	s24 =	smul.u32 $0xAAAB, s7  }
0x22: {  	s25 =	sor.u32 $0x4, s20;
	s16 =	sand.u32 $0xFFFF, s9;
	s10 =	smul.u32 $0xAAAB, s10  }
0x23: {  	s15 =	sor.u32 $0x5, s20;
	s21 =	sand.u32 $0xFFFF, s25;
	s16 =	smul.u32 $0xAAAB, s16  }
0x24: {  	s17 =	sor.u32 $0x6, s20;
	s22 =	sand.u32 $0xFFFF, s15;
	s26 =	smul.u32 $0xAAAB, s21  }
0x25: {  	s31 =	sand.u32 $0xFFFF, s17;
	s22 =	smul.u32 $0xAAAB, s22  }
0x26: {  	s21 =	smul.u32 $0xAAAB, s31;
	s0 =	sshrl.u32 s0, $0x14  }
0x27: {  	s10 =	sshrl.u32 s10, $0x14;
	s8 =	smul.u32 $0x18, s0  }
0x28: {  	s16 =	sshrl.u32 s16, $0x14;
	s10 =	smul.u32 $0x18, s10  }
0x29: {  	s22 =	sshrl.u32 s22, $0x14;
	s2 =	smul.u32 $0x18, s16  }
0x2a: {  	s0 =	sshrl.u32 s5, $0x14;
	s3 =	smul.u32 $0x18, s22  }
0x2b: {  	s5 =	sshrl.u32 s24, $0x14;
	s14 =	smul.u32 $0xC0, s0  }
0x2c: {  	s5 =	smul.u32 $0x18, s5  }
0x2d: {  	s11 =	smul.u32 $0x18, s0  }
0x2e: {  	s21 =	sshrl.u32 s21, $0x14;
	s13 =	smul.u32 $0xC00, s0  }
0x2f: {  	s1 =	ssub.s32 s1, s8;
	s8 =	sshrl.u32 s26, $0x14;
	s6 =	ssub.s32 s6, s10  }
0x30: {  	s10 =	smul.u32 $0x18, s21;
	s1 =	sand.u32 $0xFFFF, s1;
	s4 =	ssub.s32 s4, s5  }
0x31: {  	s8 =	smul.u32 $0x18, s8;
	v5 =	vor.u32 s14, v2;
	s6 =	sand.u32 $0xFFFF, s6;
	s23 =	sshll.u32 s1, $0x3  }
0x32: {  	s5 =	ssub.s32 s9, s2;
	s9 =	ssub.s32 s15, s3;
	s15 =	sshrl.u32 s13, $0x2;
	v6 =	vadd.s32 s23, v5  }
0x33: {  	s4 =	sand.u32 $0xFFFF, s4;
	s5 =	sand.u32 $0xFFFF, s5;
	s9 =	sand.u32 $0xFFFF, s9  }
0x34: {  	s16 =	sshll.u32 s6, $0x3;
	s1 =	sshll.u32 s1, $0x4;
	s22 =	sadd.s32 $0x2580, s15  }
0x35: {  	s14 =	sshll.u32 s6, $0x4;
	s7 =	ssub.s32 s25, s8;
	s12 =	sshll.u32 s4, $0x3  }
0x36: {  	s8 =	ssub.s32 s17, s10;
	s10 =	ssub.s32 s20, s11;
	s17 =	sshll.u32 s5, $0x3;
	v7 =	vadd.s32 s12, v5  }
0x37: {  	s21 =	sshll.u32 s9, $0x3;
	s25 =	smul.u32 $0x300, s0;
	s13 =	sshll.u32 s4, $0x4;
	v6 =	vld.idx.msk [tilespmem:v6+s18+$0x0], $0xffff  }
0x38: {  	v8 =	vadd.s32 s16, v5;
	s5 =	sshll.u32 s5, $0x4;
	s9 =	sshll.u32 s9, $0x4;
	s7 =	sand.u32 $0xFFFF, s7  }
0x39: {  	s3 =	sand.u32 $0xFFFF, s8;
	s10 =	sand.u32 $0xFFFF, s10;
	s8 =	sadd.s32 $0x2400, s15;
	v9 =	vadd.s32 s17, v5  }
0x3a: {  	v11 =	vadd.s32 s21, v5;
	s12 =	simm.s32 $0x0;
	s19 =	sshll.u32 s7, $0x3;
	s2 =	sshll.u32 s3, $0x3  }
0x3b: {  	s24 =	sshll.u32 s10, $0x3;
	s17 =	sshll.u32 s7, $0x4;
	s3 =	sshll.u32 s3, $0x4;
	v10 =	vadd.s32 s19, v5;
	v12 =	vld.idx.msk [tilespmem:v7+s18+$0x0], $0xffff  }
0x3c: {  	s21 =	sadd.s32 s25, s14;
	s11 =	sadd.s32 s25, s5;
	s29 =	sadd.s32 s25, s9;
	v13 =	vadd.s32 s2, v5;
	v6 =	vand.u32 $0x3, v6  }
0x3d: {  	s23 =	sadd.s32 s1, s8;
	s1 =	sadd.s32 s1, s22;
	s19 =	sadd.s32 s25, s13;
	v14 =	vadd.s32 s24, v5;
	v15 =	vld.idx.msk [tilespmem:v8+s12+$0x0], $0xffff;
	v7 =	vshrl.u32 v6, $0x1  }
0x3e: {  	s4 =	sadd.s32 s25, s17;
	s30 =	sand.u32 $0xFF80, s19;
	s18 =	sadd.s32 $0x180, s25;
	v9 =	vld.idx.msk [tilespmem:v9+s12+$0x0], $0xffff;
	v5 =	vxor.u32 v6, v7  }
0x3f: {  	s25 =	sadd.s32 s25, s3;
	v8 =	vld.idx.msk [tilespmem:v11+s12+$0x0], $0xffff;
	s28 =	sadd.s32 s13, s18;
	s31 =	sadd.s32 s14, s18;
	vm0 =	veq.s32 v5, v1  }
0x40: {  	s7 =	sadd.s32 s5, s18;
	s0 =	sadd.s32 s17, s18;
	s26 =	sadd.s32 s9, s18;
	v7 =	vld.idx.msk [tilespmem:v10+s12+$0x0], $0xffff;
	v10 =	vand.u32 $0x3, v12;
	vm15 =	veq.s32 v5, v4;
	v6 =	vsel vm0, $0x3F800000, v3  }
0x41: {  	s24 =	sadd.s32 s3, s18;
	s5 =	sand.u32 $0xFF80, s21;
	s6 =	sand.u32 $0x1FF80, s28;
	v5 =	vld.idx.msk [tilespmem:v13+s12+$0x0], $0xffff;
	v11 =	vshrl.u32 v10, $0x1;
	[tilespmem:s23+$0x0] =	vst v6;
	v6 =	vsel vm15, $0x3F800000, v3  }
0x42: {  	s28 =	sand.u32 $0xFF80, s11;
	v10 =	vxor.u32 v10, v11;
	v11 =	vand.u32 $0x3, v15;
	s23 =	sshll.u32 s10, $0x4;
	[tilespmem:s1+$0x0] =	vst v6;
	v6 =	vld.idx.msk [tilespmem:v14+s12+$0x0], $0xffff;
	s1 =	sand.u32 $0x1FF80, s31  }
.LBB2_3:
0x43: {  	s20 =	sadd.s32 $0x8, s20;
	s2 =	sand.u32 $0x1FF80, s7  }
0x44: {  	s18 =	sand.u32 $0xFF80, s4;
	s29 =	sand.u32 $0xFF80, s29;
	[dreg:$0x10] =	wrdreg s2  }
0x45: {  	s26 =	sand.u32 $0x1FF80, s26;
	s8 =	sadd.s32 s23, s8;
	[dreg:$0xc] =	wrdreg s18  }
0x46: {  	s9 =	sor.u32 $0x1, s20;
	s17 =	sor.u32 $0x2, s20;
	s11 =	sor.u32 $0x7, s20  }
0x47: {  	s31 =	sor.u32 $0x3, s20;
	s13 =	smul.u32 $0xAAAB, s20;
	s19 =	sand.u32 $0xFFFF, s11  }
0x48: {  	s15 =	sor.u32 $0x4, s20;
	s3 =	sand.u32 $0xFFFF, s17;
	s4 =	smul.u32 $0xAAAB, s19  }
0x49: {  	s16 =	sor.u32 $0x5, s20;
	s12 =	sand.u32 $0xFFFF, s31;
	s3 =	smul.u32 $0xAAAB, s3  }
0x4a: {  	v12 =	vshrl.u32 v11, $0x1;
	s7 =	sor.u32 $0x6, s20;
	s18 =	sand.u32 $0xFFFF, s16;
	s12 =	smul.u32 $0xAAAB, s12  }
0x4b: {  	vm0 =	veq.s32 v10, v1;
	v11 =	vxor.u32 v11, v12;
	p2 =	slt.u32 s20, $0x118;
	s2 =	sand.u32 $0xFFFF, s7;
	s18 =	smul.u32 $0xAAAB, s18  }
0x4c: {  	vm4 =	veq.s32 v10, v4;
	s10 =	sand.u32 $0xFFFF, s9;
	vm13 =	veq.s32 v11, v1;
	v7 =	vand.u32 $0x3, v7;
	s2 =	smul.u32 $0xAAAB, s2;
	s4 =	sshrl.u32 s4, $0x14  }
0x4d: {  	v8 =	vand.u32 $0x3, v8;
	s19 =	sand.u32 $0xFFFF, s15;
	v5 =	vand.u32 $0x3, v5;
	v6 =	vand.u32 $0x3, v6;
	s3 =	sshrl.u32 s3, $0x14;
	s21 =	smul.u32 $0x18, s4  }
0x4e: {  	v56 =	vshrl.u32 v8, $0x1;
	v57 =	vshrl.u32 v5, $0x1;
	v13 =	vshrl.u32 v6, $0x1;
	s2 =	sshrl.u32 s2, $0x14;
	s4 =	sshrl.u32 s13, $0x14;
	s13 =	smul.u32 $0xAAAB, s10  }
0x4f: {  	v8 =	vxor.u32 v8, v56;
	s12 =	sshrl.u32 s12, $0x14;
	v5 =	vxor.u32 v5, v57;
	v6 =	vxor.u32 v6, v13;
	s10 =	sand.u32 $0x1FF80, s0;
	s2 =	smul.u32 $0x18, s2  }
0x50: {  	vm8 =	veq.s32 v8, v1;
	vm3 =	veq.s32 v8, v4;
	v8 =	vsel vm13, $0x3F800000, v3;
	s14 =	smul.u32 $0xC0, s4;
	s21 =	ssub.s32 s11, s21;
	s11 =	sshrl.u32 s13, $0x14  }
0x51: {  	vm1 =	veq.s32 v6, v1;
	vm6 =	veq.s32 v6, v4;
	v6 =	vsel vm0, $0x3F800000, v3;
	[tilespmem:s5+$0x2420] =	vst v8;
	s13 =	sand.u32 $0xFF80, s25;
	s25 =	smul.u32 $0x18, s3;
	s2 =	ssub.s32 s7, s2  }
0x52: {  	v55 =	vshrl.u32 v7, $0x1;
	vm9 =	veq.s32 v5, v1;
	[tilespmem:s30+$0x2410] =	vst v6;
	v6 =	vsel vm4, $0x3F800000, v3;
	s0 =	sand.u32 $0xFFFF, s21;
	s21 =	smul.u32 $0xAAAB, s19;
	s19 =	sand.u32 $0x1FF80, s24  }
0x53: {  	vm5 =	veq.s32 v11, v4;
	v7 =	vxor.u32 v7, v55;
	v59 =	vsel vm9, $0x3F800000, v3;
	[tilespmem:s6+$0x2410] =	vst v6;
	s24 =	smul.u32 $0x18, s11;
	s11 =	sshrl.u32 s18, $0x14;
	s18 =	simm.s32 $0x0  }
0x54: {  	vm10 =	veq.s32 v5, v4;
	v5 =	vor.u32 s14, v2;
	v6 =	vsel vm5, $0x3F800000, v3;
	[tilespmem:s13+$0x2460] =	vst v59;
	s13 =	smul.u32 $0xC00, s4;
	s7 =	sand.u32 $0xFFFF, s2;
	s14 =	sshll.u32 s0, $0x3  }
0x55: {  	vm2 =	veq.s32 v7, v1;
	vm7 =	veq.s32 v7, v4;
	[tilespmem:s1+$0x2420] =	vst v6;
	s1 =	ssub.s32 s17, s25;
	s0 =	sshll.u32 s0, $0x4;
	v7 =	vadd.s32 s14, v5;
	s6 =	sshrl.u32 s21, $0x14  }
0x56: {  	s14 =	sadd.s32 s23, s22;
	s21 =	smul.u32 $0x18, s12;
	s22 =	rddreg [dreg:$0x10]  }
0x57: {  	v58 =	vsel vm8, $0x3F800000, v3;
	s9 =	ssub.s32 s9, s24;
	s24 =	rddreg [dreg:$0xc];
	s23 =	smul.u32 $0x18, s6  }
0x58: {  	v9 =	vand.u32 $0x3, v9;
	[tilespmem:s29+$0x2450] =	vst v58;
	v6 =	vsel vm3, $0x3F800000, v3;
	s5 =	sand.u32 $0xFFFF, s9;
	s25 =	ssub.s32 s31, s21;
	s31 =	smul.u32 $0x18, s11  }
0x59: {  	v54 =	vshrl.u32 v9, $0x1;
	v8 =	vsel vm2, $0x3F800000, v3;
	[tilespmem:s26+$0x2450] =	vst v6;
	s6 =	sand.u32 $0xFFFF, s1;
	s11 =	smul.u32 $0x18, s4;
	s26 =	sshll.u32 s5, $0x3  }
0x5a: {  	v9 =	vxor.u32 v9, v54;
	v11 =	vsel vm7, $0x3F800000, v3;
	[tilespmem:s24+$0x2440] =	vst v8;
	s21 =	sshll.u32 s7, $0x3;
	s5 =	sshll.u32 s5, $0x4;
	s9 =	sshll.u32 s6, $0x4;
	v7 =	vld.idx.msk [tilespmem:v7+s18+$0x0], $0xffff  }
0x5b: {  	vm11 =	veq.s32 v9, v1;
	[tilespmem:s10+$0x2440] =	vst v11;
	s10 =	sand.u32 $0xFFFF, s25;
	s3 =	ssub.s32 s15, s23;
	s15 =	sshll.u32 s6, $0x3  }
0x5c: {  	vm12 =	veq.s32 v9, v4;
	v9 =	vsel vm11, $0x3F800000, v3;
	v6 =	vadd.s32 s26, v5;
	s12 =	sand.u32 $0xFFFF, s3;
	s25 =	ssub.s32 s16, s31;
	s3 =	ssub.s32 s20, s11  }
0x5d: {  	[tilespmem:s28+$0x2430] =	vst v9;
	v15 =	vsel vm1, $0x3F800000, v3;
	s16 =	sshll.u32 s10, $0x3;
	s10 =	sshll.u32 s10, $0x4;
	s31 =	sand.u32 $0xFFFF, s25  }
0x5e: {  	v10 =	vsel vm12, $0x3F800000, v3;
	v14 =	vsel vm10, $0x3F800000, v3;
	[tilespmem:s8+$0x0] =	vst v15;
	v9 =	vadd.s32 s15, v5;
	s1 =	sand.u32 $0xFFFF, s3;
	s3 =	sshrl.u32 s13, $0x2;
	s17 =	sshll.u32 s12, $0x3  }
0x5f: {  	v16 =	vsel vm6, $0x3F800000, v3;
	[tilespmem:s22+$0x2430] =	vst v10;
	v10 =	vadd.s32 s16, v5;
	s25 =	smul.u32 $0x300, s4;
	s13 =	sshll.u32 s12, $0x4;
	s23 =	sshll.u32 s1, $0x3;
	v7 =	vand.u32 $0x3, v7  }
0x60: {  	[tilespmem:s19+$0x2460] =	vst v14;
	v60 =	vadd.s32 s21, v5;
	s16 =	sshll.u32 s7, $0x4;
	s19 =	sshll.u32 s31, $0x3;
	s8 =	sadd.s32 $0x2400, s3;
	v62 =	vadd.s32 s23, v5;
	v8 =	vshrl.u32 v7, $0x1  }
0x61: {  	s22 =	sadd.s32 $0x2580, s3;
	s15 =	sshll.u32 s31, $0x4;
	v11 =	vadd.s32 s19, v5;
	s24 =	sadd.s32 s0, s8;
	v7 =	vxor.u32 v7, v8;
	v8 =	vadd.s32 s17, v5;
	v5 =	vld.idx.msk [tilespmem:v6+s18+$0x0], $0xffff  }
0x62: {  	[tilespmem:s14+$0x0] =	vst v16;
	s0 =	sadd.s32 s0, s22;
	s14 =	sadd.s32 $0x180, s25;
	s21 =	sadd.s32 s25, s9;
	vm14 =	veq.s32 v7, v1  }
0x63: {  	s31 =	sadd.s32 s25, s10;
	s4 =	sadd.s32 s25, s13;
	s29 =	sadd.s32 s25, s15;
	v63 =	vld.idx.msk [tilespmem:v9+s18+$0x0], $0xffff;
	vm15 =	veq.s32 v7, v4;
	v61 =	vsel vm14, $0x3F800000, v3  }
.Ltmp3:
0x64: {  	s23 =	sshll.u32 s1, $0x4;
	s19 =	sadd.s32 s5, s14;
	v9 =	vld.idx.msk [tilespmem:v10+s18+$0x0], $0xffff;
	v6 =	vsel vm15, $0x3F800000, v3;
	[tilespmem:s24+$0x0] =	vst v61;
	(pc) =	sbr.rel @p2 .LBB2_3-.Ltmp3, $4  }
0x65: {  	s2 =	sadd.s32 s9, s14;
	s7 =	sadd.s32 s10, s14;
	s26 =	sadd.s32 s15, s14;
	[tilespmem:s0+$0x0] =	vst v6;
	v6 =	vld.idx.msk [tilespmem:v62+s18+$0x0], $0xffff  }
0x66: {  	s28 =	sand.u32 $0xFF80, s31;
	s6 =	sand.u32 $0x1FF80, s19;
	s1 =	sand.u32 $0x1FF80, s2;
	v7 =	vld.idx.msk [tilespmem:v8+s18+$0x0], $0xffff;
	v10 =	vand.u32 $0x3, v5  }
0x67: {  	s17 =	sadd.s32 s25, s5;
	s25 =	sadd.s32 s25, s16;
	s5 =	sand.u32 $0xFF80, s21;
	v8 =	vld.idx.msk [tilespmem:v11+s18+$0x0], $0xffff;
	v11 =	vshrl.u32 v10, $0x1  }
0x68: {  	s30 =	sand.u32 $0xFF80, s17;
	s24 =	sadd.s32 s16, s14;
	s0 =	sadd.s32 s13, s14;
	v5 =	vld.idx.msk [tilespmem:v60+s18+$0x0], $0xffff;
	v10 =	vxor.u32 v10, v11;
	v11 =	vand.u32 $0x3, v63  }
0x69: {  	v9 =	vand.u32 $0x3, v9;
	vm0 =	veq.s32 v10, v1;
	v12 =	vshrl.u32 v11, $0x1  }
0x6a: {  	vm1 =	veq.s32 v10, v4;
	v13 =	vshrl.u32 v9, $0x1;
	v11 =	vxor.u32 v11, v12  }
0x6b: {  	v10 =	vsel vm0, $0x3F800000, v3;
	v6 =	vand.u32 $0x3, v6;
	v7 =	vand.u32 $0x3, v7  }
0x6c: {  	v9 =	vxor.u32 v9, v13;
	vm14 =	veq.s32 v11, v1;
	[tilespmem:s30+$0x2410] =	vst v10;
	v10 =	vsel vm1, $0x3F800000, v3  }
0x6d: {  	s9 =	sand.u32 $0x1FF80, s7;
	vm15 =	veq.s32 v11, v4;
	v61 =	vshrl.u32 v7, $0x1;
	v8 =	vand.u32 $0x3, v8  }
0x6e: {  	s2 =	sand.u32 $0xFF80, s4;
	s11 =	sand.u32 $0x1FF80, s26;
	s20 =	simm.s32 $0x120;
	v11 =	vsel vm14, $0x3F800000, v3;
	[tilespmem:s6+$0x2410] =	vst v10;
	vm4 =	veq.s32 v9, v1;
	vm5 =	veq.s32 v9, v4  }
0x6f: {  	s12 =	sand.u32 $0xFF80, s25;
	s13 =	sand.u32 $0x1FF80, s24;
	s15 =	sor.u32 $0x7, s20;
	v7 =	vxor.u32 v7, v61;
	v10 =	vshrl.u32 v8, $0x1;
	[tilespmem:s5+$0x2420] =	vst v11;
	v9 =	vsel vm4, $0x3F800000, v3  }
0x70: {  	s14 =	sadd.s32 s23, s8;
	s7 =	sor.u32 $0x2, s20;
	s25 =	sand.u32 $0xFFFF, s15;
	v5 =	vand.u32 $0x3, v5;
	v11 =	vsel vm5, $0x3F800000, v3;
	vm6 =	veq.s32 v7, v1;
	[tilespmem:s28+$0x2430] =	vst v9  }
0x71: {  	s24 =	sadd.s32 s23, s22;
	s23 =	sand.u32 $0xFFFF, s7;
	s26 =	smul.u32 $0xAAAB, s25;
	v8 =	vxor.u32 v8, v10;
	vm7 =	veq.s32 v7, v4;
	v7 =	vsel vm6, $0x3F800000, v3;
	[tilespmem:s9+$0x2430] =	vst v11  }
0x72: {  	s0 =	sand.u32 $0x1FF80, s0;
	s4 =	sor.u32 $0x1, s20;
	s8 =	smul.u32 $0xAAAB, s23;
	v9 =	vshrl.u32 v5, $0x1;
	vm8 =	veq.s32 v8, v1;
	v10 =	vsel vm7, $0x3F800000, v3;
	[tilespmem:s2+$0x2440] =	vst v7  }
0x73: {  	s10 =	sand.u32 $0xFF80, s29;
	s16 =	sand.u32 $0xFFFF, s4;
	s6 =	smul.u32 $0xAAAB, s20;
	v5 =	vxor.u32 v5, v9;
	vm9 =	veq.s32 v8, v4;
	v7 =	vsel vm8, $0x3F800000, v3;
	[tilespmem:s0+$0x2440] =	vst v10  }
0x74: {  	s21 =	smul.u32 $0xAAAB, s16;
	s8 =	sshrl.u32 s8, $0x14;
	v8 =	vshrl.u32 v6, $0x1;
	vm10 =	veq.s32 v5, v1;
	v9 =	vsel vm9, $0x3F800000, v3;
	[tilespmem:s10+$0x2450] =	vst v7  }
0x75: {  	s8 =	smul.u32 $0x18, s8;
	v6 =	vxor.u32 v6, v8;
	vm11 =	veq.s32 v5, v4;
	v5 =	vsel vm10, $0x3F800000, v3;
	s0 =	sshrl.u32 s26, $0x14;
	[tilespmem:s11+$0x2450] =	vst v9  }
0x76: {  	s19 =	sor.u32 $0x3, s20;
	vm12 =	veq.s32 v6, v1;
	v7 =	vsel vm11, $0x3F800000, v3;
	[tilespmem:s12+$0x2460] =	vst v5;
	s18 =	smul.u32 $0x18, s0;
	s0 =	sshrl.u32 s6, $0x14  }
0x77: {  	s22 =	sor.u32 $0x4, s20;
	vm13 =	veq.s32 v6, v4;
	v5 =	vsel vm12, $0x3F800000, v3;
	s11 =	sand.u32 $0xFFFF, s19;
	[tilespmem:s13+$0x2460] =	vst v7;
	s9 =	smul.u32 $0xC0, s0  }
0x78: {  	s10 =	sor.u32 $0x5, s20;
	v6 =	vsel vm13, $0x3F800000, v3;
	[tilespmem:s14+$0x0] =	vst v5;
	s13 =	sand.u32 $0xFFFF, s22;
	s11 =	smul.u32 $0xAAAB, s11  }
0x79: {  	s12 =	sor.u32 $0x6, s20;
	s14 =	sand.u32 $0xFFFF, s10;
	[tilespmem:s24+$0x0] =	vst v6;
	s24 =	smul.u32 $0xAAAB, s13  }
0x7a: {  	s3 =	simm.s32 $0x2400;
	v62 =	vsel vm15, $0x3F800000, v3;
	s25 =	sand.u32 $0xFFFF, s12;
	s14 =	smul.u32 $0xAAAB, s14  }
0x7b: {  	s17 =	simm.s32 $0x0;
	[tilespmem:s1+$0x2420] =	vst v62;
	s2 =	ssub.s32 s15, s18;
	s13 =	smul.u32 $0xAAAB, s25  }
0x7c: {  	s31 =	rddreg [dreg:$0x16];
	s11 =	sshrl.u32 s11, $0x14;
	v5 =	vor.u32 s9, v2;
	s9 =	smul.u32 $0x18, s0  }
0x7d: {  	[hbm4b:s31+s17] =	stream.linear.scatter [tilespmem:s3], [sflag:$0x1], $0x2400, $0x38;
	[tilespmem:$0xB400] =	vst v63  }
0x7e: {  	s2 =	sand.u32 $0xFFFF, s2;
	s26 =	smul.u32 $0x18, s11  }
0x7f: {  	s3 =	sshrl.u32 s21, $0x14;
	s6 =	sshrl.u32 s24, $0x14;
	s24 =	smul.u32 $0x300, s0  }
0x80: {  	s15 =	sshll.u32 s2, $0x3;
	s14 =	sshrl.u32 s14, $0x14;
	s3 =	smul.u32 $0x18, s3  }
0x81: {  	s13 =	sshrl.u32 s13, $0x14;
	s2 =	sshll.u32 s2, $0x4;
	s6 =	smul.u32 $0x18, s6  }
0x82: {  	s31 =	smul.u32 $0x18, s14;
	s1 =	ssub.s32 s4, s3;
	s4 =	ssub.s32 s7, s8  }
0x83: {  	v6 =	vadd.s32 s15, v5;
	s3 =	ssub.s32 s19, s26;
	s5 =	ssub.s32 s22, s6;
	s8 =	smul.u32 $0x18, s13  }
0x84: {  	s7 =	ssub.s32 s10, s31;
	s13 =	smul.u32 $0xC00, s0;
	s31 =	sadd.s32 $0x180, s24  }
0x85: {  	s1 =	sand.u32 $0xFFFF, s1;
	s4 =	sand.u32 $0xFFFF, s4;
	s3 =	sand.u32 $0xFFFF, s3  }
0x86: {  	s5 =	sand.u32 $0xFFFF, s5;
	s7 =	sand.u32 $0xFFFF, s7;
	s11 =	sshll.u32 s1, $0x3  }
0x87: {  	s6 =	ssub.s32 s12, s8;
	s8 =	ssub.s32 $0x120, s9;
	s15 =	sshll.u32 s4, $0x3;
	v7 =	vadd.s32 s11, v5  }
0x88: {  	s16 =	sshll.u32 s3, $0x3;
	s10 =	sshrl.u32 s13, $0x2;
	s18 =	sshll.u32 s5, $0x3;
	v6 =	vld.idx.msk [tilespmem:v6+s17+$0x0], $0xffff  }
0x89: {  	s19 =	sshll.u32 s7, $0x3;
	s25 =	sshll.u32 s1, $0x4;
	s26 =	sshll.u32 s4, $0x4;
	v8 =	vadd.s32 s15, v5  }
0x8a: {  	s3 =	sshll.u32 s3, $0x4;
	s5 =	sshll.u32 s5, $0x4;
	s6 =	sand.u32 $0xFFFF, s6;
	v9 =	vadd.s32 s16, v5  }
0x8b: {  	s14 =	sand.u32 $0xFFFF, s8;
	s8 =	sadd.s32 $0x2400, s10;
	s22 =	sadd.s32 $0x2580, s10;
	v11 =	vadd.s32 s19, v5  }
0x8c: {  	v10 =	vadd.s32 s18, v5;
	s15 =	sshll.u32 s7, $0x4;
	s18 =	sadd.s32 s24, s25;
	s21 =	sshll.u32 s6, $0x3;
	v12 =	vld.idx.msk [tilespmem:v7+s17+$0x0], $0xffff  }
0x8d: {  	s16 =	sadd.s32 s25, s31;
	s19 =	sadd.s32 s24, s26;
	s23 =	sshll.u32 s14, $0x3;
	v63 =	vadd.s32 s21, v5;
	v6 =	vand.u32 $0x3, v6  }
0x8e: {  	s1 =	sadd.s32 s26, s31;
	s7 =	sadd.s32 s3, s31;
	s4 =	sadd.s32 s24, s5;
	v14 =	vadd.s32 s23, v5;
	v15 =	vld.idx.msk [tilespmem:v8+s17+$0x0], $0xffff;
	v7 =	vshrl.u32 v6, $0x1  }
0x8f: {  	s0 =	sadd.s32 s5, s31;
	s6 =	sshll.u32 s6, $0x4;
	s29 =	sadd.s32 s24, s15;
	v9 =	vld.idx.msk [tilespmem:v9+s17+$0x0], $0xffff;
	v5 =	vxor.u32 v6, v7  }
0x90: {  	s26 =	sadd.s32 s15, s31;
	s30 =	sand.u32 $0x1FF80, s18;
	s21 =	sadd.s32 s24, s3;
	v8 =	vld.idx.msk [tilespmem:v11+s17+$0x0], $0xffff;
	vm14 =	veq.s32 v5, v1  }
0x91: {  	s25 =	sadd.s32 s24, s6;
	s24 =	sadd.s32 s6, s31;
	s31 =	sadd.s32 s2, s8;
	v7 =	vld.idx.msk [tilespmem:v10+s17+$0x0], $0xffff;
	vm15 =	veq.s32 v5, v4;
	v6 =	vsel vm14, $0x3F800000, v3;
	v10 =	vand.u32 $0x3, v12  }
0x92: {  	s5 =	sand.u32 $0x1FF80, s19;
	s1 =	sand.u32 $0x3FF80, s1;
	s2 =	sadd.s32 s2, s22;
	v5 =	vld.idx.msk [tilespmem:v63+s17+$0x0], $0xffff;
	[tilespmem:s31+$0x0] =	vst v6;
	v6 =	vsel vm15, $0x3F800000, v3;
	v11 =	vshrl.u32 v10, $0x1  }
0x93: {  	s23 =	sshll.u32 s14, $0x4;
	s6 =	sand.u32 $0x3FF80, s16;
	s28 =	sand.u32 $0x1FF80, s21;
	[tilespmem:s2+$0x0] =	vst v6;
	v6 =	vld.idx.msk [tilespmem:v14+s17+$0x0], $0xffff;
	v10 =	vxor.u32 v10, v11;
	v11 =	vand.u32 $0x3, v15  }
.LBB2_5:
0x94: {  	s20 =	sadd.s32 $0x8, s20;
	s2 =	sand.u32 $0x3FF80, s7  }
0x95: {  	s19 =	sand.u32 $0x1FF80, s4;
	s29 =	sand.u32 $0x1FF80, s29;
	[dreg:$0x11] =	wrdreg s2  }
0x96: {  	s26 =	sand.u32 $0x3FF80, s26;
	s8 =	sadd.s32 s23, s8;
	[dreg:$0xd] =	wrdreg s19  }
0x97: {  	s9 =	sor.u32 $0x1, s20;
	s17 =	sor.u32 $0x2, s20;
	s2 =	sor.u32 $0x7, s20  }
0x98: {  	s31 =	sor.u32 $0x3, s20;
	s21 =	smul.u32 $0xAAAB, s20;
	s3 =	sand.u32 $0xFFFF, s2  }
0x99: {  	s15 =	sor.u32 $0x4, s20;
	s10 =	sand.u32 $0xFFFF, s9;
	s3 =	smul.u32 $0xAAAB, s3  }
0x9a: {  	s11 =	sand.u32 $0xFFFF, s17;
	s4 =	sshrl.u32 s21, $0x14;
	s21 =	smul.u32 $0xAAAB, s10  }
0x9b: {  	v12 =	vshrl.u32 v11, $0x1;
	s16 =	sor.u32 $0x5, s20;
	s13 =	sand.u32 $0xFFFF, s15;
	s11 =	smul.u32 $0xAAAB, s11  }
0x9c: {  	vm0 =	veq.s32 v10, v1;
	v11 =	vxor.u32 v11, v12;
	s7 =	sor.u32 $0x6, s20;
	s13 =	smul.u32 $0xAAAB, s13;
	s3 =	sshrl.u32 s3, $0x14  }
0x9d: {  	vm4 =	veq.s32 v10, v4;
	p2 =	slt.u32 s20, $0x238;
	s12 =	sand.u32 $0xFFFF, s31;
	vm13 =	veq.s32 v11, v1;
	v7 =	vand.u32 $0x3, v7;
	s3 =	smul.u32 $0x18, s3  }
0x9e: {  	s18 =	sand.u32 $0xFFFF, s16;
	s19 =	sand.u32 $0xFFFF, s7;
	v8 =	vand.u32 $0x3, v8;
	v55 =	vshrl.u32 v7, $0x1;
	v6 =	vand.u32 $0x3, v6;
	s14 =	smul.u32 $0xC0, s4  }
0x9f: {  	v56 =	vshrl.u32 v8, $0x1;
	v5 =	vand.u32 $0x3, v5;
	v13 =	vshrl.u32 v6, $0x1;
	s3 =	ssub.s32 s2, s3;
	s2 =	sshrl.u32 s21, $0x14;
	s21 =	smul.u32 $0xAAAB, s12  }
0xa0: {  	s10 =	sand.u32 $0x3FF80, s0;
	v7 =	vxor.u32 v7, v55;
	v57 =	vshrl.u32 v5, $0x1;
	v6 =	vxor.u32 v6, v13;
	s0 =	sand.u32 $0xFFFF, s3;
	s2 =	smul.u32 $0x18, s2  }
0xa1: {  	vm1 =	veq.s32 v6, v1;
	vm6 =	veq.s32 v6, v4;
	v6 =	vsel vm0, $0x3F800000, v3;
	s3 =	sshrl.u32 s11, $0x14;
	s11 =	sshrl.u32 s21, $0x14;
	s21 =	smul.u32 $0xAAAB, s18  }
0xa2: {  	v8 =	vxor.u32 v8, v56;
	v5 =	vxor.u32 v5, v57;
	[tilespmem:s30+$0x2410] =	vst v6;
	v6 =	vsel vm4, $0x3F800000, v3;
	s12 =	sand.u32 $0x1FF80, s25;
	s18 =	sand.u32 $0x3FF80, s24;
	s24 =	smul.u32 $0xAAAB, s19  }
0xa3: {  	vm9 =	veq.s32 v5, v1;
	vm10 =	veq.s32 v5, v4;
	v5 =	vor.u32 s14, v2;
	[tilespmem:s6+$0x2410] =	vst v6;
	s6 =	sshrl.u32 s13, $0x14;
	s14 =	sshll.u32 s0, $0x3;
	s25 =	smul.u32 $0x18, s3  }
0xa4: {  	vm8 =	veq.s32 v8, v1;
	vm3 =	veq.s32 v8, v4;
	v8 =	vsel vm13, $0x3F800000, v3;
	s19 =	sadd.s32 s23, s22;
	s22 =	rddreg [dreg:$0x11];
	s23 =	smul.u32 $0x18, s6  }
0xa5: {  	vm5 =	veq.s32 v11, v4;
	vm2 =	veq.s32 v7, v1;
	[tilespmem:s5+$0x2420] =	vst v8;
	v58 =	vsel vm8, $0x3F800000, v3;
	s0 =	sshll.u32 s0, $0x4;
	s2 =	ssub.s32 s9, s2;
	s13 =	smul.u32 $0x18, s11  }
0xa6: {  	vm7 =	veq.s32 v7, v4;
	[tilespmem:s29+$0x2450] =	vst v58;
	v6 =	vsel vm5, $0x3F800000, v3;
	v7 =	vadd.s32 s14, v5;
	s11 =	smul.u32 $0x18, s4;
	s14 =	sshrl.u32 s21, $0x14;
	s3 =	sshrl.u32 s24, $0x14  }
0xa7: {  	v59 =	vsel vm9, $0x3F800000, v3;
	[tilespmem:s1+$0x2420] =	vst v6;
	s21 =	simm.s32 $0x0;
	s5 =	sand.u32 $0xFFFF, s2;
	s1 =	ssub.s32 s17, s25  }
0xa8: {  	v9 =	vand.u32 $0x3, v9;
	[tilespmem:s12+$0x2460] =	vst v59;
	v6 =	vsel vm3, $0x3F800000, v3;
	s24 =	rddreg [dreg:$0xd];
	s25 =	ssub.s32 s31, s13;
	s31 =	smul.u32 $0x18, s14  }
0xa9: {  	v54 =	vshrl.u32 v9, $0x1;
	v8 =	vsel vm2, $0x3F800000, v3;
	[tilespmem:s26+$0x2450] =	vst v6;
	s2 =	ssub.s32 s15, s23;
	s6 =	sand.u32 $0xFFFF, s1;
	s3 =	smul.u32 $0x18, s3  }
0xaa: {  	v9 =	vxor.u32 v9, v54;
	v11 =	vsel vm7, $0x3F800000, v3;
	[tilespmem:s24+$0x2440] =	vst v8;
	s13 =	sand.u32 $0xFFFF, s2;
	s26 =	sshll.u32 s5, $0x3;
	s12 =	ssub.s32 s20, s11  }
0xab: {  	vm11 =	veq.s32 v9, v1;
	s14 =	smul.u32 $0xC00, s4;
	s5 =	sshll.u32 s5, $0x4;
	[tilespmem:s10+$0x2440] =	vst v11;
	s10 =	sand.u32 $0xFFFF, s25;
	v7 =	vld.idx.msk [tilespmem:v7+s21+$0x0], $0xffff  }
0xac: {  	vm12 =	veq.s32 v9, v4;
	v9 =	vsel vm11, $0x3F800000, v3;
	s1 =	sand.u32 $0xFFFF, s12;
	s15 =	sshll.u32 s6, $0x3;
	s17 =	sshll.u32 s13, $0x3  }
0xad: {  	[tilespmem:s28+$0x2430] =	vst v9;
	v15 =	vsel vm1, $0x3F800000, v3;
	v6 =	vadd.s32 s26, v5;
	s9 =	sshll.u32 s6, $0x4;
	s12 =	sshll.u32 s13, $0x4;
	s25 =	ssub.s32 s16, s31  }
0xae: {  	v10 =	vsel vm12, $0x3F800000, v3;
	[tilespmem:s8+$0x0] =	vst v15;
	s7 =	ssub.s32 s7, s3;
	s16 =	sshll.u32 s10, $0x3;
	s3 =	sshrl.u32 s14, $0x2  }
0xaf: {  	v14 =	vsel vm10, $0x3F800000, v3;
	[tilespmem:s22+$0x2430] =	vst v10;
	v9 =	vadd.s32 s15, v5;
	s23 =	sshll.u32 s1, $0x3;
	s10 =	sshll.u32 s10, $0x4;
	s31 =	sand.u32 $0xFFFF, s25  }
0xb0: {  	v16 =	vsel vm6, $0x3F800000, v3;
	[tilespmem:s18+$0x2460] =	vst v14;
	s7 =	sand.u32 $0xFFFF, s7;
	v10 =	vadd.s32 s16, v5;
	s8 =	sadd.s32 $0x2400, s3;
	s18 =	sshll.u32 s31, $0x3;
	v7 =	vand.u32 $0x3, v7  }
0xb1: {  	[tilespmem:s19+$0x0] =	vst v16;
	s22 =	sadd.s32 $0x2580, s3;
	v62 =	vadd.s32 s23, v5;
	s25 =	smul.u32 $0x300, s4;
	s19 =	sshll.u32 s7, $0x3;
	v11 =	vadd.s32 s18, v5;
	v8 =	vshrl.u32 v7, $0x1  }
0xb2: {  	s23 =	sshll.u32 s1, $0x4;
	s24 =	sadd.s32 s0, s8;
	s0 =	sadd.s32 s0, s22;
	v60 =	vadd.s32 s19, v5;
	v7 =	vxor.u32 v7, v8;
	v8 =	vadd.s32 s17, v5;
	v5 =	vld.idx.msk [tilespmem:v6+s21+$0x0], $0xffff  }
0xb3: {  	s15 =	sshll.u32 s31, $0x4;
	s16 =	sshll.u32 s7, $0x4;
	s14 =	sadd.s32 $0x180, s25;
	vm14 =	veq.s32 v7, v1  }
0xb4: {  	s19 =	sadd.s32 s25, s9;
	s31 =	sadd.s32 s25, s10;
	s4 =	sadd.s32 s25, s12;
	v63 =	vld.idx.msk [tilespmem:v9+s21+$0x0], $0xffff;
	vm15 =	veq.s32 v7, v4;
	v61 =	vsel vm14, $0x3F800000, v3  }
.Ltmp4:
0xb5: {  	s29 =	sadd.s32 s25, s15;
	s18 =	sadd.s32 s5, s14;
	v9 =	vld.idx.msk [tilespmem:v10+s21+$0x0], $0xffff;
	v6 =	vsel vm15, $0x3F800000, v3;
	[tilespmem:s24+$0x0] =	vst v61;
	(pc) =	sbr.rel @p2 .LBB2_5-.Ltmp4, $4  }
0xb6: {  	s2 =	sadd.s32 s9, s14;
	s7 =	sadd.s32 s10, s14;
	s26 =	sadd.s32 s15, s14;
	[tilespmem:s0+$0x0] =	vst v6;
	v6 =	vld.idx.msk [tilespmem:v62+s21+$0x0], $0xffff  }
0xb7: {  	s28 =	sand.u32 $0x1FF80, s31;
	s6 =	sand.u32 $0x3FF80, s18;
	s1 =	sand.u32 $0x3FF80, s2;
	v7 =	vld.idx.msk [tilespmem:v8+s21+$0x0], $0xffff;
	v10 =	vand.u32 $0x3, v5  }
0xb8: {  	s17 =	sadd.s32 s25, s5;
	s25 =	sadd.s32 s25, s16;
	s5 =	sand.u32 $0x1FF80, s19;
	v8 =	vld.idx.msk [tilespmem:v11+s21+$0x0], $0xffff;
	v11 =	vshrl.u32 v10, $0x1  }
0xb9: {  	s30 =	sand.u32 $0x1FF80, s17;
	s24 =	sadd.s32 s16, s14;
	s0 =	sadd.s32 s12, s14;
	v5 =	vld.idx.msk [tilespmem:v60+s21+$0x0], $0xffff;
	v10 =	vxor.u32 v10, v11;
	v11 =	vand.u32 $0x3, v63  }
0xba: {  	v9 =	vand.u32 $0x3, v9;
	vm0 =	veq.s32 v10, v1;
	v12 =	vshrl.u32 v11, $0x1  }
0xbb: {  	vm1 =	veq.s32 v10, v4;
	v13 =	vshrl.u32 v9, $0x1;
	v11 =	vxor.u32 v11, v12  }
0xbc: {  	v10 =	vsel vm0, $0x3F800000, v3;
	v6 =	vand.u32 $0x3, v6;
	v7 =	vand.u32 $0x3, v7  }
0xbd: {  	v9 =	vxor.u32 v9, v13;
	vm14 =	veq.s32 v11, v1;
	[tilespmem:s30+$0x2410] =	vst v10;
	v10 =	vsel vm1, $0x3F800000, v3  }
0xbe: {  	s9 =	sand.u32 $0x3FF80, s7;
	vm15 =	veq.s32 v11, v4;
	v61 =	vshrl.u32 v7, $0x1;
	v8 =	vand.u32 $0x3, v8  }
0xbf: {  	s2 =	sand.u32 $0x1FF80, s4;
	s11 =	sand.u32 $0x3FF80, s26;
	s20 =	simm.s32 $0x240;
	v11 =	vsel vm14, $0x3F800000, v3;
	[tilespmem:s6+$0x2410] =	vst v10;
	vm4 =	veq.s32 v9, v1;
	vm5 =	veq.s32 v9, v4  }
0xc0: {  	s12 =	sand.u32 $0x1FF80, s25;
	s13 =	sand.u32 $0x3FF80, s24;
	s15 =	sor.u32 $0x7, s20;
	v7 =	vxor.u32 v7, v61;
	v10 =	vshrl.u32 v8, $0x1;
	[tilespmem:s5+$0x2420] =	vst v11;
	v9 =	vsel vm4, $0x3F800000, v3  }
0xc1: {  	s14 =	sadd.s32 s23, s8;
	s7 =	sor.u32 $0x2, s20;
	s25 =	sand.u32 $0xFFFF, s15;
	v5 =	vand.u32 $0x3, v5;
	v11 =	vsel vm5, $0x3F800000, v3;
	vm6 =	veq.s32 v7, v1;
	[tilespmem:s28+$0x2430] =	vst v9  }
0xc2: {  	s24 =	sadd.s32 s23, s22;
	s23 =	sand.u32 $0xFFFF, s7;
	s26 =	smul.u32 $0xAAAB, s25;
	v8 =	vxor.u32 v8, v10;
	vm7 =	veq.s32 v7, v4;
	v7 =	vsel vm6, $0x3F800000, v3;
	[tilespmem:s9+$0x2430] =	vst v11  }
0xc3: {  	s0 =	sand.u32 $0x3FF80, s0;
	s4 =	sor.u32 $0x1, s20;
	s8 =	smul.u32 $0xAAAB, s23;
	v9 =	vshrl.u32 v5, $0x1;
	vm8 =	veq.s32 v8, v1;
	v10 =	vsel vm7, $0x3F800000, v3;
	[tilespmem:s2+$0x2440] =	vst v7  }
0xc4: {  	s10 =	sand.u32 $0x1FF80, s29;
	s16 =	sand.u32 $0xFFFF, s4;
	s6 =	smul.u32 $0xAAAB, s20;
	v5 =	vxor.u32 v5, v9;
	vm9 =	veq.s32 v8, v4;
	v7 =	vsel vm8, $0x3F800000, v3;
	[tilespmem:s0+$0x2440] =	vst v10  }
0xc5: {  	s21 =	smul.u32 $0xAAAB, s16;
	s8 =	sshrl.u32 s8, $0x14;
	v8 =	vshrl.u32 v6, $0x1;
	vm10 =	veq.s32 v5, v1;
	v9 =	vsel vm9, $0x3F800000, v3;
	[tilespmem:s10+$0x2450] =	vst v7  }
0xc6: {  	s8 =	smul.u32 $0x18, s8;
	v6 =	vxor.u32 v6, v8;
	vm11 =	veq.s32 v5, v4;
	v5 =	vsel vm10, $0x3F800000, v3;
	s0 =	sshrl.u32 s26, $0x14;
	[tilespmem:s11+$0x2450] =	vst v9  }
0xc7: {  	s19 =	sor.u32 $0x3, s20;
	vm12 =	veq.s32 v6, v1;
	v7 =	vsel vm11, $0x3F800000, v3;
	[tilespmem:s12+$0x2460] =	vst v5;
	s18 =	smul.u32 $0x18, s0;
	s0 =	sshrl.u32 s6, $0x14  }
0xc8: {  	s22 =	sor.u32 $0x4, s20;
	vm13 =	veq.s32 v6, v4;
	v5 =	vsel vm12, $0x3F800000, v3;
	s11 =	sand.u32 $0xFFFF, s19;
	[tilespmem:s13+$0x2460] =	vst v7;
	s9 =	smul.u32 $0xC0, s0  }
0xc9: {  	s10 =	sor.u32 $0x5, s20;
	v6 =	vsel vm13, $0x3F800000, v3;
	[tilespmem:s14+$0x0] =	vst v5;
	s13 =	sand.u32 $0xFFFF, s22;
	s11 =	smul.u32 $0xAAAB, s11  }
0xca: {  	s12 =	sor.u32 $0x6, s20;
	s14 =	sand.u32 $0xFFFF, s10;
	[tilespmem:s24+$0x0] =	vst v6;
	s24 =	smul.u32 $0xAAAB, s13  }
0xcb: {  	s3 =	simm.s32 $0x4800;
	v62 =	vsel vm15, $0x3F800000, v3;
	s25 =	sand.u32 $0xFFFF, s12;
	s14 =	smul.u32 $0xAAAB, s14  }
0xcc: {  	s17 =	simm.s32 $0x0;
	[tilespmem:s1+$0x2420] =	vst v62;
	s2 =	ssub.s32 s15, s18;
	s13 =	smul.u32 $0xAAAB, s25  }
0xcd: {  	s31 =	rddreg [dreg:$0x17];
	s11 =	sshrl.u32 s11, $0x14;
	v5 =	vor.u32 s9, v2;
	s9 =	smul.u32 $0x18, s0  }
0xce: {  	[hbm4b:s31+s17] =	stream.linear.scatter [tilespmem:s3], [sflag:$0x1], $0x2400, $0x38;
	[tilespmem:$0xB400] =	vst v63  }
0xcf: {  	s2 =	sand.u32 $0xFFFF, s2;
	s26 =	smul.u32 $0x18, s11  }
0xd0: {  	s3 =	sshrl.u32 s21, $0x14;
	s6 =	sshrl.u32 s24, $0x14;
	s24 =	smul.u32 $0x300, s0  }
0xd1: {  	s15 =	sshll.u32 s2, $0x3;
	s14 =	sshrl.u32 s14, $0x14;
	s3 =	smul.u32 $0x18, s3  }
0xd2: {  	s13 =	sshrl.u32 s13, $0x14;
	s2 =	sshll.u32 s2, $0x4;
	s6 =	smul.u32 $0x18, s6  }
0xd3: {  	s31 =	smul.u32 $0x18, s14;
	s1 =	ssub.s32 s4, s3;
	s4 =	ssub.s32 s7, s8  }
0xd4: {  	v6 =	vadd.s32 s15, v5;
	s3 =	ssub.s32 s19, s26;
	s5 =	ssub.s32 s22, s6;
	s8 =	smul.u32 $0x18, s13  }
0xd5: {  	s7 =	ssub.s32 s10, s31;
	s13 =	smul.u32 $0xC00, s0;
	s31 =	sadd.s32 $0x180, s24  }
0xd6: {  	s1 =	sand.u32 $0xFFFF, s1;
	s4 =	sand.u32 $0xFFFF, s4;
	s3 =	sand.u32 $0xFFFF, s3  }
0xd7: {  	s5 =	sand.u32 $0xFFFF, s5;
	s7 =	sand.u32 $0xFFFF, s7;
	s11 =	sshll.u32 s1, $0x3  }
0xd8: {  	s6 =	ssub.s32 s12, s8;
	s8 =	ssub.s32 $0x240, s9;
	s15 =	sshll.u32 s4, $0x3;
	v7 =	vadd.s32 s11, v5  }
0xd9: {  	s16 =	sshll.u32 s3, $0x3;
	s10 =	sshrl.u32 s13, $0x2;
	s18 =	sshll.u32 s5, $0x3;
	v6 =	vld.idx.msk [tilespmem:v6+s17+$0x0], $0xffff  }
0xda: {  	s19 =	sshll.u32 s7, $0x3;
	s25 =	sshll.u32 s1, $0x4;
	s26 =	sshll.u32 s4, $0x4;
	v8 =	vadd.s32 s15, v5  }
0xdb: {  	s3 =	sshll.u32 s3, $0x4;
	s5 =	sshll.u32 s5, $0x4;
	s6 =	sand.u32 $0xFFFF, s6;
	v9 =	vadd.s32 s16, v5  }
0xdc: {  	s14 =	sand.u32 $0xFFFF, s8;
	s8 =	sadd.s32 $0x2400, s10;
	s22 =	sadd.s32 $0x2580, s10;
	v11 =	vadd.s32 s19, v5  }
0xdd: {  	v10 =	vadd.s32 s18, v5;
	s15 =	sshll.u32 s7, $0x4;
	s18 =	sadd.s32 s24, s25;
	s21 =	sshll.u32 s6, $0x3;
	v12 =	vld.idx.msk [tilespmem:v7+s17+$0x0], $0xffff  }
0xde: {  	s16 =	sadd.s32 s25, s31;
	s19 =	sadd.s32 s24, s26;
	s23 =	sshll.u32 s14, $0x3;
	v63 =	vadd.s32 s21, v5;
	v6 =	vand.u32 $0x3, v6  }
0xdf: {  	s1 =	sadd.s32 s26, s31;
	s7 =	sadd.s32 s3, s31;
	s4 =	sadd.s32 s24, s5;
	v14 =	vadd.s32 s23, v5;
	v15 =	vld.idx.msk [tilespmem:v8+s17+$0x0], $0xffff;
	v7 =	vshrl.u32 v6, $0x1  }
0xe0: {  	s0 =	sadd.s32 s5, s31;
	s6 =	sshll.u32 s6, $0x4;
	s29 =	sadd.s32 s24, s15;
	v9 =	vld.idx.msk [tilespmem:v9+s17+$0x0], $0xffff;
	v5 =	vxor.u32 v6, v7  }
0xe1: {  	s26 =	sadd.s32 s15, s31;
	s30 =	sand.u32 $0x1FF80, s18;
	s21 =	sadd.s32 s24, s3;
	v8 =	vld.idx.msk [tilespmem:v11+s17+$0x0], $0xffff;
	vm14 =	veq.s32 v5, v1  }
0xe2: {  	s25 =	sadd.s32 s24, s6;
	s24 =	sadd.s32 s6, s31;
	s31 =	sadd.s32 s2, s8;
	v7 =	vld.idx.msk [tilespmem:v10+s17+$0x0], $0xffff;
	vm15 =	veq.s32 v5, v4;
	v6 =	vsel vm14, $0x3F800000, v3;
	v10 =	vand.u32 $0x3, v12  }
0xe3: {  	s5 =	sand.u32 $0x1FF80, s19;
	s1 =	sand.u32 $0x3FF80, s1;
	s2 =	sadd.s32 s2, s22;
	v5 =	vld.idx.msk [tilespmem:v63+s17+$0x0], $0xffff;
	[tilespmem:s31+$0x0] =	vst v6;
	v6 =	vsel vm15, $0x3F800000, v3;
	v11 =	vshrl.u32 v10, $0x1  }
0xe4: {  	s23 =	sshll.u32 s14, $0x4;
	s6 =	sand.u32 $0x3FF80, s16;
	s28 =	sand.u32 $0x1FF80, s21;
	[tilespmem:s2+$0x0] =	vst v6;
	v6 =	vld.idx.msk [tilespmem:v14+s17+$0x0], $0xffff;
	v10 =	vxor.u32 v10, v11;
	v11 =	vand.u32 $0x3, v15  }
.LBB2_7:
0xe5: {  	s20 =	sadd.s32 $0x8, s20;
	s2 =	sand.u32 $0x3FF80, s7  }
0xe6: {  	s19 =	sand.u32 $0x1FF80, s4;
	s29 =	sand.u32 $0x1FF80, s29;
	[dreg:$0x12] =	wrdreg s2  }
0xe7: {  	s26 =	sand.u32 $0x3FF80, s26;
	s8 =	sadd.s32 s23, s8;
	[dreg:$0xe] =	wrdreg s19  }
0xe8: {  	s9 =	sor.u32 $0x1, s20;
	s17 =	sor.u32 $0x2, s20;
	s2 =	sor.u32 $0x7, s20  }
0xe9: {  	s31 =	sor.u32 $0x3, s20;
	s21 =	smul.u32 $0xAAAB, s20;
	s3 =	sand.u32 $0xFFFF, s2  }
0xea: {  	s15 =	sor.u32 $0x4, s20;
	s10 =	sand.u32 $0xFFFF, s9;
	s3 =	smul.u32 $0xAAAB, s3  }
0xeb: {  	s11 =	sand.u32 $0xFFFF, s17;
	s4 =	sshrl.u32 s21, $0x14;
	s21 =	smul.u32 $0xAAAB, s10  }
0xec: {  	v12 =	vshrl.u32 v11, $0x1;
	s16 =	sor.u32 $0x5, s20;
	s13 =	sand.u32 $0xFFFF, s15;
	s11 =	smul.u32 $0xAAAB, s11  }
0xed: {  	vm0 =	veq.s32 v10, v1;
	v11 =	vxor.u32 v11, v12;
	s7 =	sor.u32 $0x6, s20;
	s13 =	smul.u32 $0xAAAB, s13;
	s3 =	sshrl.u32 s3, $0x14  }
0xee: {  	vm4 =	veq.s32 v10, v4;
	p2 =	slt.u32 s20, $0x358;
	s12 =	sand.u32 $0xFFFF, s31;
	vm13 =	veq.s32 v11, v1;
	v7 =	vand.u32 $0x3, v7;
	s3 =	smul.u32 $0x18, s3  }
0xef: {  	s18 =	sand.u32 $0xFFFF, s16;
	s19 =	sand.u32 $0xFFFF, s7;
	v8 =	vand.u32 $0x3, v8;
	v55 =	vshrl.u32 v7, $0x1;
	v6 =	vand.u32 $0x3, v6;
	s14 =	smul.u32 $0xC0, s4  }
0xf0: {  	v56 =	vshrl.u32 v8, $0x1;
	v5 =	vand.u32 $0x3, v5;
	v13 =	vshrl.u32 v6, $0x1;
	s3 =	ssub.s32 s2, s3;
	s2 =	sshrl.u32 s21, $0x14;
	s21 =	smul.u32 $0xAAAB, s12  }
0xf1: {  	s10 =	sand.u32 $0x3FF80, s0;
	v7 =	vxor.u32 v7, v55;
	v57 =	vshrl.u32 v5, $0x1;
	v6 =	vxor.u32 v6, v13;
	s0 =	sand.u32 $0xFFFF, s3;
	s2 =	smul.u32 $0x18, s2  }
0xf2: {  	vm1 =	veq.s32 v6, v1;
	vm6 =	veq.s32 v6, v4;
	v6 =	vsel vm0, $0x3F800000, v3;
	s3 =	sshrl.u32 s11, $0x14;
	s11 =	sshrl.u32 s21, $0x14;
	s21 =	smul.u32 $0xAAAB, s18  }
0xf3: {  	v8 =	vxor.u32 v8, v56;
	v5 =	vxor.u32 v5, v57;
	[tilespmem:s30+$0x2410] =	vst v6;
	v6 =	vsel vm4, $0x3F800000, v3;
	s12 =	sand.u32 $0x1FF80, s25;
	s18 =	sand.u32 $0x3FF80, s24;
	s24 =	smul.u32 $0xAAAB, s19  }
0xf4: {  	vm9 =	veq.s32 v5, v1;
	vm10 =	veq.s32 v5, v4;
	v5 =	vor.u32 s14, v2;
	[tilespmem:s6+$0x2410] =	vst v6;
	s6 =	sshrl.u32 s13, $0x14;
	s14 =	sshll.u32 s0, $0x3;
	s25 =	smul.u32 $0x18, s3  }
0xf5: {  	vm8 =	veq.s32 v8, v1;
	vm3 =	veq.s32 v8, v4;
	v8 =	vsel vm13, $0x3F800000, v3;
	s19 =	sadd.s32 s23, s22;
	s22 =	rddreg [dreg:$0x12];
	s23 =	smul.u32 $0x18, s6  }
0xf6: {  	vm5 =	veq.s32 v11, v4;
	vm2 =	veq.s32 v7, v1;
	[tilespmem:s5+$0x2420] =	vst v8;
	v58 =	vsel vm8, $0x3F800000, v3;
	s0 =	sshll.u32 s0, $0x4;
	s2 =	ssub.s32 s9, s2;
	s13 =	smul.u32 $0x18, s11  }
0xf7: {  	vm7 =	veq.s32 v7, v4;
	[tilespmem:s29+$0x2450] =	vst v58;
	v6 =	vsel vm5, $0x3F800000, v3;
	v7 =	vadd.s32 s14, v5;
	s11 =	smul.u32 $0x18, s4;
	s14 =	sshrl.u32 s21, $0x14;
	s3 =	sshrl.u32 s24, $0x14  }
0xf8: {  	v59 =	vsel vm9, $0x3F800000, v3;
	[tilespmem:s1+$0x2420] =	vst v6;
	s21 =	simm.s32 $0x0;
	s5 =	sand.u32 $0xFFFF, s2;
	s1 =	ssub.s32 s17, s25  }
0xf9: {  	v9 =	vand.u32 $0x3, v9;
	[tilespmem:s12+$0x2460] =	vst v59;
	v6 =	vsel vm3, $0x3F800000, v3;
	s24 =	rddreg [dreg:$0xe];
	s25 =	ssub.s32 s31, s13;
	s31 =	smul.u32 $0x18, s14  }
0xfa: {  	v54 =	vshrl.u32 v9, $0x1;
	v8 =	vsel vm2, $0x3F800000, v3;
	[tilespmem:s26+$0x2450] =	vst v6;
	s2 =	ssub.s32 s15, s23;
	s6 =	sand.u32 $0xFFFF, s1;
	s3 =	smul.u32 $0x18, s3  }
0xfb: {  	v9 =	vxor.u32 v9, v54;
	v11 =	vsel vm7, $0x3F800000, v3;
	[tilespmem:s24+$0x2440] =	vst v8;
	s13 =	sand.u32 $0xFFFF, s2;
	s26 =	sshll.u32 s5, $0x3;
	s12 =	ssub.s32 s20, s11  }
0xfc: {  	vm11 =	veq.s32 v9, v1;
	s14 =	smul.u32 $0xC00, s4;
	s5 =	sshll.u32 s5, $0x4;
	[tilespmem:s10+$0x2440] =	vst v11;
	s10 =	sand.u32 $0xFFFF, s25;
	v7 =	vld.idx.msk [tilespmem:v7+s21+$0x0], $0xffff  }
0xfd: {  	vm12 =	veq.s32 v9, v4;
	v9 =	vsel vm11, $0x3F800000, v3;
	s1 =	sand.u32 $0xFFFF, s12;
	s15 =	sshll.u32 s6, $0x3;
	s17 =	sshll.u32 s13, $0x3  }
0xfe: {  	[tilespmem:s28+$0x2430] =	vst v9;
	v15 =	vsel vm1, $0x3F800000, v3;
	v6 =	vadd.s32 s26, v5;
	s9 =	sshll.u32 s6, $0x4;
	s12 =	sshll.u32 s13, $0x4;
	s25 =	ssub.s32 s16, s31  }
0xff: {  	v10 =	vsel vm12, $0x3F800000, v3;
	[tilespmem:s8+$0x0] =	vst v15;
	s7 =	ssub.s32 s7, s3;
	s16 =	sshll.u32 s10, $0x3;
	s3 =	sshrl.u32 s14, $0x2  }
0x100: {  	v14 =	vsel vm10, $0x3F800000, v3;
	[tilespmem:s22+$0x2430] =	vst v10;
	v9 =	vadd.s32 s15, v5;
	s23 =	sshll.u32 s1, $0x3;
	s10 =	sshll.u32 s10, $0x4;
	s31 =	sand.u32 $0xFFFF, s25  }
0x101: {  	v16 =	vsel vm6, $0x3F800000, v3;
	[tilespmem:s18+$0x2460] =	vst v14;
	s7 =	sand.u32 $0xFFFF, s7;
	v10 =	vadd.s32 s16, v5;
	s8 =	sadd.s32 $0x2400, s3;
	s18 =	sshll.u32 s31, $0x3;
	v7 =	vand.u32 $0x3, v7  }
0x102: {  	[tilespmem:s19+$0x0] =	vst v16;
	s22 =	sadd.s32 $0x2580, s3;
	v62 =	vadd.s32 s23, v5;
	s25 =	smul.u32 $0x300, s4;
	s19 =	sshll.u32 s7, $0x3;
	v11 =	vadd.s32 s18, v5;
	v8 =	vshrl.u32 v7, $0x1  }
0x103: {  	s23 =	sshll.u32 s1, $0x4;
	s24 =	sadd.s32 s0, s8;
	s0 =	sadd.s32 s0, s22;
	v60 =	vadd.s32 s19, v5;
	v7 =	vxor.u32 v7, v8;
	v8 =	vadd.s32 s17, v5;
	v5 =	vld.idx.msk [tilespmem:v6+s21+$0x0], $0xffff  }
0x104: {  	s15 =	sshll.u32 s31, $0x4;
	s16 =	sshll.u32 s7, $0x4;
	s14 =	sadd.s32 $0x180, s25;
	vm14 =	veq.s32 v7, v1  }
0x105: {  	s19 =	sadd.s32 s25, s9;
	s31 =	sadd.s32 s25, s10;
	s4 =	sadd.s32 s25, s12;
	v63 =	vld.idx.msk [tilespmem:v9+s21+$0x0], $0xffff;
	vm15 =	veq.s32 v7, v4;
	v61 =	vsel vm14, $0x3F800000, v3  }
.Ltmp5:
0x106: {  	s29 =	sadd.s32 s25, s15;
	s18 =	sadd.s32 s5, s14;
	v9 =	vld.idx.msk [tilespmem:v10+s21+$0x0], $0xffff;
	v6 =	vsel vm15, $0x3F800000, v3;
	[tilespmem:s24+$0x0] =	vst v61;
	(pc) =	sbr.rel @p2 .LBB2_7-.Ltmp5, $4  }
0x107: {  	s2 =	sadd.s32 s9, s14;
	s7 =	sadd.s32 s10, s14;
	s26 =	sadd.s32 s15, s14;
	[tilespmem:s0+$0x0] =	vst v6;
	v6 =	vld.idx.msk [tilespmem:v62+s21+$0x0], $0xffff  }
0x108: {  	s28 =	sand.u32 $0x1FF80, s31;
	s6 =	sand.u32 $0x3FF80, s18;
	s1 =	sand.u32 $0x3FF80, s2;
	v7 =	vld.idx.msk [tilespmem:v8+s21+$0x0], $0xffff;
	v10 =	vand.u32 $0x3, v5  }
0x109: {  	s17 =	sadd.s32 s25, s5;
	s25 =	sadd.s32 s25, s16;
	s5 =	sand.u32 $0x1FF80, s19;
	v8 =	vld.idx.msk [tilespmem:v11+s21+$0x0], $0xffff;
	v11 =	vshrl.u32 v10, $0x1  }
0x10a: {  	s30 =	sand.u32 $0x1FF80, s17;
	s24 =	sadd.s32 s16, s14;
	s0 =	sadd.s32 s12, s14;
	v5 =	vld.idx.msk [tilespmem:v60+s21+$0x0], $0xffff;
	v10 =	vxor.u32 v10, v11;
	v11 =	vand.u32 $0x3, v63  }
0x10b: {  	v9 =	vand.u32 $0x3, v9;
	vm0 =	veq.s32 v10, v1;
	v12 =	vshrl.u32 v11, $0x1  }
0x10c: {  	vm1 =	veq.s32 v10, v4;
	v13 =	vshrl.u32 v9, $0x1;
	v11 =	vxor.u32 v11, v12  }
0x10d: {  	v10 =	vsel vm0, $0x3F800000, v3;
	v6 =	vand.u32 $0x3, v6;
	v7 =	vand.u32 $0x3, v7  }
0x10e: {  	v9 =	vxor.u32 v9, v13;
	vm14 =	veq.s32 v11, v1;
	[tilespmem:s30+$0x2410] =	vst v10;
	v10 =	vsel vm1, $0x3F800000, v3  }
0x10f: {  	s9 =	sand.u32 $0x3FF80, s7;
	vm15 =	veq.s32 v11, v4;
	v61 =	vshrl.u32 v7, $0x1;
	v8 =	vand.u32 $0x3, v8  }
0x110: {  	s2 =	sand.u32 $0x1FF80, s4;
	s11 =	sand.u32 $0x3FF80, s26;
	s20 =	simm.s32 $0x360;
	v11 =	vsel vm14, $0x3F800000, v3;
	[tilespmem:s6+$0x2410] =	vst v10;
	vm4 =	veq.s32 v9, v1;
	vm5 =	veq.s32 v9, v4  }
0x111: {  	s12 =	sand.u32 $0x1FF80, s25;
	s13 =	sand.u32 $0x3FF80, s24;
	s15 =	sor.u32 $0x7, s20;
	v7 =	vxor.u32 v7, v61;
	v10 =	vshrl.u32 v8, $0x1;
	[tilespmem:s5+$0x2420] =	vst v11;
	v9 =	vsel vm4, $0x3F800000, v3  }
0x112: {  	s14 =	sadd.s32 s23, s8;
	s7 =	sor.u32 $0x2, s20;
	s25 =	sand.u32 $0xFFFF, s15;
	v5 =	vand.u32 $0x3, v5;
	v11 =	vsel vm5, $0x3F800000, v3;
	vm6 =	veq.s32 v7, v1;
	[tilespmem:s28+$0x2430] =	vst v9  }
0x113: {  	s24 =	sadd.s32 s23, s22;
	s23 =	sand.u32 $0xFFFF, s7;
	s26 =	smul.u32 $0xAAAB, s25;
	v8 =	vxor.u32 v8, v10;
	vm7 =	veq.s32 v7, v4;
	v7 =	vsel vm6, $0x3F800000, v3;
	[tilespmem:s9+$0x2430] =	vst v11  }
0x114: {  	s0 =	sand.u32 $0x3FF80, s0;
	s4 =	sor.u32 $0x1, s20;
	s8 =	smul.u32 $0xAAAB, s23;
	v9 =	vshrl.u32 v5, $0x1;
	vm8 =	veq.s32 v8, v1;
	v10 =	vsel vm7, $0x3F800000, v3;
	[tilespmem:s2+$0x2440] =	vst v7  }
0x115: {  	s10 =	sand.u32 $0x1FF80, s29;
	s16 =	sand.u32 $0xFFFF, s4;
	s6 =	smul.u32 $0xAAAB, s20;
	v5 =	vxor.u32 v5, v9;
	vm9 =	veq.s32 v8, v4;
	v7 =	vsel vm8, $0x3F800000, v3;
	[tilespmem:s0+$0x2440] =	vst v10  }
0x116: {  	s21 =	smul.u32 $0xAAAB, s16;
	s8 =	sshrl.u32 s8, $0x14;
	v8 =	vshrl.u32 v6, $0x1;
	vm10 =	veq.s32 v5, v1;
	v9 =	vsel vm9, $0x3F800000, v3;
	[tilespmem:s10+$0x2450] =	vst v7  }
0x117: {  	s8 =	smul.u32 $0x18, s8;
	v6 =	vxor.u32 v6, v8;
	vm11 =	veq.s32 v5, v4;
	v5 =	vsel vm10, $0x3F800000, v3;
	s0 =	sshrl.u32 s26, $0x14;
	[tilespmem:s11+$0x2450] =	vst v9  }
0x118: {  	s19 =	sor.u32 $0x3, s20;
	vm12 =	veq.s32 v6, v1;
	v7 =	vsel vm11, $0x3F800000, v3;
	[tilespmem:s12+$0x2460] =	vst v5;
	s18 =	smul.u32 $0x18, s0;
	s0 =	sshrl.u32 s6, $0x14  }
0x119: {  	s22 =	sor.u32 $0x4, s20;
	vm13 =	veq.s32 v6, v4;
	v5 =	vsel vm12, $0x3F800000, v3;
	s11 =	sand.u32 $0xFFFF, s19;
	[tilespmem:s13+$0x2460] =	vst v7;
	s9 =	smul.u32 $0xC0, s0  }
0x11a: {  	s10 =	sor.u32 $0x5, s20;
	v6 =	vsel vm13, $0x3F800000, v3;
	[tilespmem:s14+$0x0] =	vst v5;
	s13 =	sand.u32 $0xFFFF, s22;
	s11 =	smul.u32 $0xAAAB, s11  }
0x11b: {  	s12 =	sor.u32 $0x6, s20;
	s14 =	sand.u32 $0xFFFF, s10;
	[tilespmem:s24+$0x0] =	vst v6;
	s24 =	smul.u32 $0xAAAB, s13  }
0x11c: {  	s3 =	simm.s32 $0x6C00;
	v62 =	vsel vm15, $0x3F800000, v3;
	s25 =	sand.u32 $0xFFFF, s12;
	s14 =	smul.u32 $0xAAAB, s14  }
0x11d: {  	s17 =	simm.s32 $0x0;
	[tilespmem:s1+$0x2420] =	vst v62;
	s2 =	ssub.s32 s15, s18;
	s13 =	smul.u32 $0xAAAB, s25  }
0x11e: {  	s31 =	rddreg [dreg:$0x18];
	s11 =	sshrl.u32 s11, $0x14;
	v5 =	vor.u32 s9, v2;
	s9 =	smul.u32 $0x18, s0  }
0x11f: {  	[hbm4b:s31+s17] =	stream.linear.scatter [tilespmem:s3], [sflag:$0x1], $0x2400, $0x38;
	[tilespmem:$0xB400] =	vst v63  }
0x120: {  	s2 =	sand.u32 $0xFFFF, s2;
	s26 =	smul.u32 $0x18, s11  }
0x121: {  	s3 =	sshrl.u32 s21, $0x14;
	s6 =	sshrl.u32 s24, $0x14;
	s24 =	smul.u32 $0x300, s0  }
0x122: {  	s15 =	sshll.u32 s2, $0x3;
	s14 =	sshrl.u32 s14, $0x14;
	s3 =	smul.u32 $0x18, s3  }
0x123: {  	s13 =	sshrl.u32 s13, $0x14;
	s2 =	sshll.u32 s2, $0x4;
	s6 =	smul.u32 $0x18, s6  }
0x124: {  	s31 =	smul.u32 $0x18, s14;
	s1 =	ssub.s32 s4, s3;
	s4 =	ssub.s32 s7, s8  }
0x125: {  	v6 =	vadd.s32 s15, v5;
	s3 =	ssub.s32 s19, s26;
	s5 =	ssub.s32 s22, s6;
	s8 =	smul.u32 $0x18, s13  }
0x126: {  	s7 =	ssub.s32 s10, s31;
	s13 =	smul.u32 $0xC00, s0;
	s31 =	sadd.s32 $0x180, s24  }
0x127: {  	s1 =	sand.u32 $0xFFFF, s1;
	s4 =	sand.u32 $0xFFFF, s4;
	s3 =	sand.u32 $0xFFFF, s3  }
0x128: {  	s5 =	sand.u32 $0xFFFF, s5;
	s7 =	sand.u32 $0xFFFF, s7;
	s11 =	sshll.u32 s1, $0x3  }
0x129: {  	s6 =	ssub.s32 s12, s8;
	s8 =	ssub.s32 $0x360, s9;
	s15 =	sshll.u32 s4, $0x3;
	v7 =	vadd.s32 s11, v5  }
0x12a: {  	s16 =	sshll.u32 s3, $0x3;
	s10 =	sshrl.u32 s13, $0x2;
	s18 =	sshll.u32 s5, $0x3;
	v6 =	vld.idx.msk [tilespmem:v6+s17+$0x0], $0xffff  }
0x12b: {  	s19 =	sshll.u32 s7, $0x3;
	s25 =	sshll.u32 s1, $0x4;
	s26 =	sshll.u32 s4, $0x4;
	v8 =	vadd.s32 s15, v5  }
0x12c: {  	s3 =	sshll.u32 s3, $0x4;
	s5 =	sshll.u32 s5, $0x4;
	s6 =	sand.u32 $0xFFFF, s6;
	v9 =	vadd.s32 s16, v5  }
0x12d: {  	s14 =	sand.u32 $0xFFFF, s8;
	s8 =	sadd.s32 $0x2400, s10;
	s22 =	sadd.s32 $0x2580, s10;
	v11 =	vadd.s32 s19, v5  }
0x12e: {  	v10 =	vadd.s32 s18, v5;
	s15 =	sshll.u32 s7, $0x4;
	s18 =	sadd.s32 s24, s25;
	s21 =	sshll.u32 s6, $0x3;
	v12 =	vld.idx.msk [tilespmem:v7+s17+$0x0], $0xffff  }
0x12f: {  	s16 =	sadd.s32 s25, s31;
	s19 =	sadd.s32 s24, s26;
	s23 =	sshll.u32 s14, $0x3;
	v63 =	vadd.s32 s21, v5;
	v6 =	vand.u32 $0x3, v6  }
0x130: {  	s1 =	sadd.s32 s26, s31;
	s7 =	sadd.s32 s3, s31;
	s4 =	sadd.s32 s24, s5;
	v14 =	vadd.s32 s23, v5;
	v15 =	vld.idx.msk [tilespmem:v8+s17+$0x0], $0xffff;
	v7 =	vshrl.u32 v6, $0x1  }
0x131: {  	s0 =	sadd.s32 s5, s31;
	s6 =	sshll.u32 s6, $0x4;
	s29 =	sadd.s32 s24, s15;
	v9 =	vld.idx.msk [tilespmem:v9+s17+$0x0], $0xffff;
	v5 =	vxor.u32 v6, v7  }
0x132: {  	s26 =	sadd.s32 s15, s31;
	s30 =	sand.u32 $0x3FF80, s18;
	s21 =	sadd.s32 s24, s3;
	v8 =	vld.idx.msk [tilespmem:v11+s17+$0x0], $0xffff;
	vm14 =	veq.s32 v5, v1  }
0x133: {  	s25 =	sadd.s32 s24, s6;
	s24 =	sadd.s32 s6, s31;
	s31 =	sadd.s32 s2, s8;
	v7 =	vld.idx.msk [tilespmem:v10+s17+$0x0], $0xffff;
	vm15 =	veq.s32 v5, v4;
	v6 =	vsel vm14, $0x3F800000, v3;
	v10 =	vand.u32 $0x3, v12  }
0x134: {  	s5 =	sand.u32 $0x3FF80, s19;
	s1 =	sand.u32 $0x7FF80, s1;
	s2 =	sadd.s32 s2, s22;
	v5 =	vld.idx.msk [tilespmem:v63+s17+$0x0], $0xffff;
	[tilespmem:s31+$0x0] =	vst v6;
	v6 =	vsel vm15, $0x3F800000, v3;
	v11 =	vshrl.u32 v10, $0x1  }
0x135: {  	s23 =	sshll.u32 s14, $0x4;
	s6 =	sand.u32 $0x7FF80, s16;
	s28 =	sand.u32 $0x3FF80, s21;
	[tilespmem:s2+$0x0] =	vst v6;
	v6 =	vld.idx.msk [tilespmem:v14+s17+$0x0], $0xffff;
	v10 =	vxor.u32 v10, v11;
	v11 =	vand.u32 $0x3, v15  }
.LBB2_9:
0x136: {  	s20 =	sadd.s32 $0x8, s20;
	s2 =	sand.u32 $0x7FF80, s7;
	s19 =	sand.u32 $0x3FF80, s4  }
0x137: {  	s29 =	sand.u32 $0x3FF80, s29;
	s26 =	sand.u32 $0x7FF80, s26;
	[dreg:$0x13] =	wrdreg s2  }
0x138: {  	[dreg:$0xf] =	wrdreg s19;
	s9 =	sor.u32 $0x1, s20;
	s2 =	sor.u32 $0x7, s20  }
0x139: {  	s17 =	sor.u32 $0x2, s20;
	s21 =	smul.u32 $0xAAAB, s20;
	s3 =	sand.u32 $0xFFFF, s2  }
0x13a: {  	s15 =	sor.u32 $0x4, s20;
	s10 =	sand.u32 $0xFFFF, s9;
	s3 =	smul.u32 $0xAAAB, s3  }
0x13b: {  	s11 =	sand.u32 $0xFFFF, s17;
	s4 =	sshrl.u32 s21, $0x14;
	s21 =	smul.u32 $0xAAAB, s10  }
0x13c: {  	s31 =	sor.u32 $0x3, s20;
	s13 =	sand.u32 $0xFFFF, s15;
	s11 =	smul.u32 $0xAAAB, s11  }
0x13d: {  	v12 =	vshrl.u32 v11, $0x1;
	s16 =	sor.u32 $0x5, s20;
	s13 =	smul.u32 $0xAAAB, s13;
	s3 =	sshrl.u32 s3, $0x14  }
0x13e: {  	vm0 =	veq.s32 v10, v1;
	v11 =	vxor.u32 v11, v12;
	s7 =	sor.u32 $0x6, s20;
	s12 =	sand.u32 $0xFFFF, s31;
	s3 =	smul.u32 $0x18, s3  }
0x13f: {  	vm4 =	veq.s32 v10, v4;
	s18 =	sand.u32 $0xFFFF, s16;
	s19 =	sand.u32 $0xFFFF, s7;
	vm13 =	veq.s32 v11, v1;
	v6 =	vand.u32 $0x3, v6;
	s14 =	smul.u32 $0xC0, s4  }
0x140: {  	v7 =	vand.u32 $0x3, v7;
	v8 =	vand.u32 $0x3, v8;
	v13 =	vshrl.u32 v6, $0x1;
	s3 =	ssub.s32 s2, s3;
	s2 =	sshrl.u32 s21, $0x14;
	s21 =	smul.u32 $0xAAAB, s12  }
0x141: {  	s10 =	sand.u32 $0x7FF80, s0;
	v55 =	vshrl.u32 v7, $0x1;
	v5 =	vand.u32 $0x3, v5;
	v6 =	vxor.u32 v6, v13;
	s0 =	sand.u32 $0xFFFF, s3;
	s2 =	smul.u32 $0x18, s2  }
0x142: {  	vm1 =	veq.s32 v6, v1;
	vm6 =	veq.s32 v6, v4;
	v6 =	vsel vm0, $0x3F800000, v3;
	s3 =	sshrl.u32 s11, $0x14;
	s11 =	sshrl.u32 s21, $0x14;
	s21 =	smul.u32 $0xAAAB, s18  }
0x143: {  	s8 =	sadd.s32 s23, s8;
	v56 =	vshrl.u32 v8, $0x1;
	v57 =	vshrl.u32 v5, $0x1;
	[tilespmem:s30+$0x2410] =	vst v6;
	v6 =	vsel vm4, $0x3F800000, v3;
	s18 =	sand.u32 $0x7FF80, s24;
	s24 =	smul.u32 $0xAAAB, s19  }
0x144: {  	v7 =	vxor.u32 v7, v55;
	v8 =	vxor.u32 v8, v56;
	v5 =	vxor.u32 v5, v57;
	s12 =	sand.u32 $0x3FF80, s25;
	[tilespmem:s6+$0x2410] =	vst v6;
	s6 =	sshrl.u32 s13, $0x14;
	s25 =	smul.u32 $0x18, s3  }
0x145: {  	p2 =	slt.u32 s20, $0x478;
	vm8 =	veq.s32 v8, v1;
	vm3 =	veq.s32 v8, v4;
	v8 =	vsel vm13, $0x3F800000, v3;
	s19 =	sadd.s32 s23, s22;
	s23 =	smul.u32 $0x18, s6  }
0x146: {  	vm9 =	veq.s32 v5, v1;
	vm10 =	veq.s32 v5, v4;
	v5 =	vor.u32 s14, v2;
	s14 =	sshll.u32 s0, $0x3;
	s22 =	rddreg [dreg:$0x13];
	s13 =	smul.u32 $0x18, s11  }
0x147: {  	vm5 =	veq.s32 v11, v4;
	vm2 =	veq.s32 v7, v1;
	[tilespmem:s5+$0x2420] =	vst v8;
	v58 =	vsel vm8, $0x3F800000, v3;
	s0 =	sshll.u32 s0, $0x4;
	s2 =	ssub.s32 s9, s2;
	s11 =	smul.u32 $0x18, s4  }
0x148: {  	vm7 =	veq.s32 v7, v4;
	[tilespmem:s29+$0x2450] =	vst v58;
	v6 =	vsel vm5, $0x3F800000, v3;
	v7 =	vadd.s32 s14, v5;
	s14 =	sshrl.u32 s21, $0x14;
	s3 =	sshrl.u32 s24, $0x14;
	s21 =	simm.s32 $0x0  }
0x149: {  	v59 =	vsel vm9, $0x3F800000, v3;
	[tilespmem:s1+$0x2420] =	vst v6;
	s5 =	sand.u32 $0xFFFF, s2;
	s1 =	ssub.s32 s17, s25;
	s24 =	rddreg [dreg:$0xf]  }
0x14a: {  	v9 =	vand.u32 $0x3, v9;
	[tilespmem:s12+$0x2460] =	vst v59;
	v6 =	vsel vm3, $0x3F800000, v3;
	s2 =	ssub.s32 s15, s23;
	s25 =	ssub.s32 s31, s13;
	s31 =	smul.u32 $0x18, s14  }
0x14b: {  	v54 =	vshrl.u32 v9, $0x1;
	v8 =	vsel vm2, $0x3F800000, v3;
	[tilespmem:s26+$0x2450] =	vst v6;
	s6 =	sand.u32 $0xFFFF, s1;
	s3 =	smul.u32 $0x18, s3;
	s13 =	sand.u32 $0xFFFF, s2  }
0x14c: {  	v9 =	vxor.u32 v9, v54;
	v11 =	vsel vm7, $0x3F800000, v3;
	[tilespmem:s24+$0x2440] =	vst v8;
	s26 =	sshll.u32 s5, $0x3;
	s12 =	ssub.s32 s20, s11;
	s14 =	smul.u32 $0xC00, s4  }
0x14d: {  	vm11 =	veq.s32 v9, v1;
	s5 =	sshll.u32 s5, $0x4;
	[tilespmem:s10+$0x2440] =	vst v11;
	s10 =	sand.u32 $0xFFFF, s25;
	s1 =	sand.u32 $0xFFFF, s12;
	v7 =	vld.idx.msk [tilespmem:v7+s21+$0x0], $0xffff  }
0x14e: {  	vm12 =	veq.s32 v9, v4;
	v9 =	vsel vm11, $0x3F800000, v3;
	s15 =	sshll.u32 s6, $0x3;
	s17 =	sshll.u32 s13, $0x3;
	s9 =	sshll.u32 s6, $0x4  }
0x14f: {  	[tilespmem:s28+$0x2430] =	vst v9;
	v15 =	vsel vm1, $0x3F800000, v3;
	v6 =	vadd.s32 s26, v5;
	s12 =	sshll.u32 s13, $0x4;
	s25 =	ssub.s32 s16, s31;
	s7 =	ssub.s32 s7, s3  }
0x150: {  	v10 =	vsel vm12, $0x3F800000, v3;
	[tilespmem:s8+$0x0] =	vst v15;
	s16 =	sshll.u32 s10, $0x3;
	s3 =	sshrl.u32 s14, $0x2;
	s23 =	sshll.u32 s1, $0x3  }
0x151: {  	v14 =	vsel vm10, $0x3F800000, v3;
	[tilespmem:s22+$0x2430] =	vst v10;
	v9 =	vadd.s32 s15, v5;
	s10 =	sshll.u32 s10, $0x4;
	s31 =	sand.u32 $0xFFFF, s25;
	s7 =	sand.u32 $0xFFFF, s7  }
0x152: {  	v16 =	vsel vm6, $0x3F800000, v3;
	[tilespmem:s18+$0x2460] =	vst v14;
	v10 =	vadd.s32 s16, v5;
	s8 =	sadd.s32 $0x2400, s3;
	s22 =	sadd.s32 $0x2580, s3;
	s18 =	sshll.u32 s31, $0x3;
	v7 =	vand.u32 $0x3, v7  }
0x153: {  	[tilespmem:s19+$0x0] =	vst v16;
	v62 =	vadd.s32 s23, v5;
	s25 =	smul.u32 $0x300, s4;
	s3 =	simm.s32 $0x0;
	s19 =	sshll.u32 s7, $0x3;
	v11 =	vadd.s32 s18, v5;
	v8 =	vshrl.u32 v7, $0x1  }
0x154: {  	s23 =	sshll.u32 s1, $0x4;
	s24 =	sadd.s32 s0, s8;
	s0 =	sadd.s32 s0, s22;
	v60 =	vadd.s32 s19, v5;
	v7 =	vxor.u32 v7, v8;
	v8 =	vadd.s32 s17, v5;
	v5 =	vld.idx.msk [tilespmem:v6+s21+$0x0], $0xffff  }
0x155: {  	s15 =	sshll.u32 s31, $0x4;
	s16 =	sshll.u32 s7, $0x4;
	s14 =	sadd.s32 $0x180, s25;
	vm14 =	veq.s32 v7, v1  }
0x156: {  	s19 =	sadd.s32 s25, s9;
	s31 =	sadd.s32 s25, s10;
	s4 =	sadd.s32 s25, s12;
	v63 =	vld.idx.msk [tilespmem:v9+s21+$0x0], $0xffff;
	vm15 =	veq.s32 v7, v4;
	v61 =	vsel vm14, $0x3F800000, v3  }
.Ltmp6:
0x157: {  	s29 =	sadd.s32 s25, s15;
	s18 =	sadd.s32 s5, s14;
	v9 =	vld.idx.msk [tilespmem:v10+s21+$0x0], $0xffff;
	v6 =	vsel vm15, $0x3F800000, v3;
	[tilespmem:s24+$0x0] =	vst v61;
	(pc) =	sbr.rel @p2 .LBB2_9-.Ltmp6, $4  }
0x158: {  	s2 =	sadd.s32 s9, s14;
	s7 =	sadd.s32 s10, s14;
	s26 =	sadd.s32 s15, s14;
	[tilespmem:s0+$0x0] =	vst v6;
	v6 =	vld.idx.msk [tilespmem:v62+s21+$0x0], $0xffff  }
0x159: {  	s28 =	sand.u32 $0x3FF80, s31;
	s6 =	sand.u32 $0x7FF80, s18;
	s1 =	sand.u32 $0x7FF80, s2;
	v7 =	vld.idx.msk [tilespmem:v8+s21+$0x0], $0xffff;
	v10 =	vand.u32 $0x3, v5  }
0x15a: {  	s17 =	sadd.s32 s25, s5;
	s25 =	sadd.s32 s25, s16;
	s5 =	sand.u32 $0x3FF80, s19;
	v8 =	vld.idx.msk [tilespmem:v11+s21+$0x0], $0xffff;
	v11 =	vshrl.u32 v10, $0x1  }
0x15b: {  	s30 =	sand.u32 $0x3FF80, s17;
	s24 =	sadd.s32 s16, s14;
	s0 =	sadd.s32 s12, s14;
	v5 =	vld.idx.msk [tilespmem:v60+s21+$0x0], $0xffff;
	v10 =	vxor.u32 v10, v11;
	v11 =	vand.u32 $0x3, v63  }
0x15c: {  	v9 =	vand.u32 $0x3, v9  }
0x15d: {  	vm0 =	veq.s32 v10, v1;
	v12 =	vshrl.u32 v11, $0x1;
	vm1 =	veq.s32 v10, v4  }
0x15e: {  	v13 =	vshrl.u32 v9, $0x1;
	v11 =	vxor.u32 v11, v12;
	v53 =	vsel vm0, $0x3F800000, v3  }
0x15f: {  	v54 =	vsel vm1, $0x3F800000, v3;
	v6 =	vand.u32 $0x3, v6;
	v7 =	vand.u32 $0x3, v7  }
0x160: {  	v9 =	vxor.u32 v9, v13;
	vm4 =	veq.s32 v11, v1;
	[tilespmem:s30+$0x2410] =	vst v53;
	vm5 =	veq.s32 v11, v4  }
0x161: {  	v52 =	vshrl.u32 v7, $0x1;
	v8 =	vand.u32 $0x3, v8;
	v55 =	vsel vm4, $0x3F800000, v3;
	[tilespmem:s6+$0x2410] =	vst v54  }
0x162: {  	vm6 =	veq.s32 v9, v1;
	v57 =	vsel vm5, $0x3F800000, v3;
	vm7 =	veq.s32 v9, v4;
	[tilespmem:s5+$0x2420] =	vst v55  }
0x163: {  	v7 =	vxor.u32 v7, v52;
	v56 =	vshrl.u32 v8, $0x1;
	v58 =	vsel vm6, $0x3F800000, v3;
	[tilespmem:s1+$0x2420] =	vst v57  }
0x164: {  	s19 =	sand.u32 $0x7FF80, s7;
	v5 =	vand.u32 $0x3, v5;
	v59 =	vsel vm7, $0x3F800000, v3;
	vm8 =	veq.s32 v7, v1;
	[tilespmem:s28+$0x2430] =	vst v58  }
0x165: {  	s2 =	sand.u32 $0x3FF80, s4;
	v8 =	vxor.u32 v8, v56;
	vm9 =	veq.s32 v7, v4;
	v7 =	vsel vm8, $0x3F800000, v3;
	[tilespmem:s19+$0x2430] =	vst v59  }
0x166: {  	s0 =	sand.u32 $0x7FF80, s0;
	v60 =	vshrl.u32 v5, $0x1;
	vm10 =	veq.s32 v8, v1;
	v61 =	vsel vm9, $0x3F800000, v3;
	[tilespmem:s2+$0x2440] =	vst v7  }
0x167: {  	s20 =	sand.u32 $0x3FF80, s29;
	v5 =	vxor.u32 v5, v60;
	vm11 =	veq.s32 v8, v4;
	v7 =	vsel vm10, $0x3F800000, v3;
	[tilespmem:s0+$0x2440] =	vst v61  }
0x168: {  	s21 =	sand.u32 $0x7FF80, s26;
	v62 =	vshrl.u32 v6, $0x1;
	vm12 =	veq.s32 v5, v1;
	v63 =	vsel vm11, $0x3F800000, v3;
	[tilespmem:s20+$0x2450] =	vst v7  }
0x169: {  	s25 =	sand.u32 $0x3FF80, s25;
	v6 =	vxor.u32 v6, v62;
	vm13 =	veq.s32 v5, v4;
	v5 =	vsel vm12, $0x3F800000, v3;
	[tilespmem:s21+$0x2450] =	vst v63  }
0x16a: {  	s26 =	sand.u32 $0x7FF80, s24;
	vm14 =	veq.s32 v6, v1;
	v7 =	vsel vm13, $0x3F800000, v3;
	[tilespmem:s25+$0x2460] =	vst v5  }
0x16b: {  	vm15 =	veq.s32 v6, v4;
	s28 =	sadd.s32 s23, s8;
	v5 =	vsel vm14, $0x3F800000, v3;
	[tilespmem:s26+$0x2460] =	vst v7  }
0x16c: {  	s29 =	sadd.s32 s23, s22;
	v6 =	vsel vm15, $0x3F800000, v3;
	[tilespmem:s28+$0x0] =	vst v5  }
0x16d: {  	[tilespmem:s29+$0x0] =	vst v6  }
0x16e: {  	s31 =	simm.s32 $0x1;
	s30 =	simm.s32 $0x9000;
	s0 =	rddreg [dreg:$0x19]  }
0x16f: {  	[hbm4b:s0+s3] =	stream.linear.scatter [tilespmem:s30], [sflag:$0x1], $0x2400, $0x38;
	[tilespmem:$0xB400] =	vst v63  }
0x170: {  	_ =	swait.ge [sflag:s31], $0x2400  }
0x171: {  	[sflag:s31] =	ssyncset.done $0x0  }
0x172: {  	[sflag:s31] =	ssyncadd.s32 $0xFFFFDC00  }
0x173: {  	_ =	swait.ge [sflag:s31], $0x2400  }
0x174: {  	[sflag:s31] =	ssyncset.done $0x0  }
0x175: {  	[sflag:s31] =	ssyncadd.s32 $0xFFFFDC00  }
0x176: {  	_ =	swait.ge [sflag:s31], $0x2400  }
.Ltmp7:
0x177: {  	[sflag:s31] =	ssyncset.done $0x0;
	(pc) =	sbr.rel @p1 .LBB2_20-.Ltmp7, $4  }
0x178: {  	[sflag:s31] =	ssyncadd.s32 $0xFFFFDC00  }
0x179: {  	_ =	swait.ge [sflag:s31], $0x2400  }
0x17a: {  	[sflag:s31] =	ssyncset.done $0x0  }
0x17b: {  	s18 =	simm.s32 $0x0;
	s1 =	rddreg [dreg:$0x1f];
	[sflag:s31] =	ssyncadd.s32 $0xFFFFDC00  }
.LBB2_11:
0x17c: {  	s20 =	simm.s32 $0x0  }
0x17d: {  	s0 =	sor.u32 $0x7, s20  }
0x17e: {  	s2 =	sor.u32 $0x1, s20;
	s3 =	smul.u32 $0xAAAB, s20;
	s1 =	sand.u32 $0xFFFF, s0  }
0x17f: {  	s4 =	sor.u32 $0x2, s20;
	s5 =	sand.u32 $0xFFFF, s2;
	s1 =	smul.u32 $0xAAAB, s1  }
0x180: {  	s6 =	sor.u32 $0x3, s20;
	s8 =	sand.u32 $0xFFFF, s4;
	s5 =	smul.u32 $0xAAAB, s5  }
0x181: {  	s7 =	sor.u32 $0x4, s20;
	s11 =	sand.u32 $0xFFFF, s6;
	s8 =	smul.u32 $0xAAAB, s8  }
0x182: {  	s10 =	sor.u32 $0x5, s20;
	s13 =	sand.u32 $0xFFFF, s7;
	s11 =	smul.u32 $0xAAAB, s11  }
0x183: {  	s12 =	sor.u32 $0x6, s20;
	s14 =	sand.u32 $0xFFFF, s10;
	s24 =	smul.u32 $0xAAAB, s13  }
0x184: {  	s25 =	sand.u32 $0xFFFF, s12;
	s14 =	smul.u32 $0xAAAB, s14  }
0x185: {  	s3 =	sshrl.u32 s3, $0x14;
	s13 =	smul.u32 $0xAAAB, s25  }
0x186: {  	s9 =	smul.u32 $0xC0, s3  }
0x187: {  	s17 =	smul.u32 $0xC00, s3;
	s1 =	sshrl.u32 s1, $0x14  }
0x188: {  	s5 =	sshrl.u32 s5, $0x14;
	s1 =	smul.u32 $0x18, s1  }
0x189: {  	s8 =	sshrl.u32 s8, $0x14;
	s5 =	smul.u32 $0x18, s5  }
0x18a: {  	s11 =	sshrl.u32 s11, $0x14;
	s8 =	smul.u32 $0x18, s8  }
0x18b: {  	s14 =	sshrl.u32 s14, $0x14;
	s26 =	smul.u32 $0x18, s11  }
0x18c: {  	s13 =	sshrl.u32 s13, $0x14;
	s11 =	smul.u32 $0x18, s14;
	s0 =	ssub.s32 s0, s1  }
0x18d: {  	s13 =	smul.u32 $0x18, s13;
	s0 =	sand.u32 $0xFFFF, s0  }
0x18e: {  	v5 =	vor.u32 s9, v2;
	s14 =	smul.u32 $0x18, s3;
	s9 =	sshrl.u32 s17, $0x2;
	s15 =	sshll.u32 s0, $0x3  }
0x18f: {  	s3 =	smul.u32 $0x300, s3;
	s1 =	sshrl.u32 s24, $0x14;
	s2 =	ssub.s32 s2, s5;
	v6 =	vadd.s32 s15, v5  }
0x190: {  	s4 =	ssub.s32 s4, s8;
	s5 =	ssub.s32 s6, s26;
	s6 =	ssub.s32 s10, s11  }
0x191: {  	s8 =	ssub.s32 $0x0, s14;
	s25 =	sadd.s32 $0x180, s3;
	s2 =	sand.u32 $0xFFFF, s2  }
0x192: {  	s1 =	smul.u32 $0x18, s1;
	s4 =	sand.u32 $0xFFFF, s4;
	s5 =	sand.u32 $0xFFFF, s5  }
0x193: {  	s6 =	sand.u32 $0xFFFF, s6;
	s8 =	sand.u32 $0xFFFF, s8;
	s15 =	sshll.u32 s2, $0x3  }
0x194: {  	s16 =	sshll.u32 s4, $0x3;
	s19 =	sshll.u32 s5, $0x3;
	s22 =	sshll.u32 s6, $0x3;
	v7 =	vadd.s32 s15, v5;
	v6 =	vld.idx.msk [tilespmem:v6+s18+$0x0], $0xffff  }
0x195: {  	s24 =	sshll.u32 s8, $0x3;
	s0 =	sshll.u32 s0, $0x4;
	s4 =	sshll.u32 s4, $0x4;
	v8 =	vadd.s32 s16, v5  }
0x196: {  	s5 =	sshll.u32 s5, $0x4;
	s1 =	ssub.s32 s7, s1;
	s7 =	ssub.s32 s12, s13;
	v9 =	vadd.s32 s19, v5  }
0x197: {  	s16 =	sadd.s32 $0x2400, s9;
	s2 =	sshll.u32 s2, $0x4;
	s1 =	sand.u32 $0xFFFF, s1  }
0x198: {  	v11 =	vadd.s32 s22, v5;
	s12 =	sshll.u32 s6, $0x4;
	s7 =	sand.u32 $0xFFFF, s7;
	s21 =	sshll.u32 s1, $0x3  }
0x199: {  	s19 =	sadd.s32 s3, s4;
	s22 =	sadd.s32 s3, s5;
	s23 =	sshll.u32 s7, $0x3;
	v10 =	vadd.s32 s21, v5;
	v7 =	vld.idx.msk [tilespmem:v7+s18+$0x0], $0xffff;
	v6 =	vadd.s32 v0, v6  }
0x19a: {  	s6 =	sadd.s32 s5, s25;
	s15 =	sadd.s32 $0x2580, s9;
	s14 =	sadd.s32 s3, s2;
	v12 =	vadd.s32 s23, v5;
	v8 =	vld.idx.msk [tilespmem:v8+s18+$0x0], $0xffff;
	v6 =	vand.u32 $0x3, v6  }
0x19b: {  	v14 =	vadd.s32 s24, v5;
	s2 =	sadd.s32 s2, s25;
	s29 =	sadd.s32 s3, s12;
	s26 =	sadd.s32 s12, s25;
	v15 =	vld.idx.msk [tilespmem:v9+s18+$0x0], $0xffff;
	v13 =	vshrl.u32 v6, $0x1  }
0x19c: {  	s24 =	sadd.s32 s0, s16;
	s28 =	sand.u32 $0xFF80, s22;
	s1 =	sshll.u32 s1, $0x4;
	v6 =	vxor.u32 v6, v13  }
0x19d: {  	s7 =	sshll.u32 s7, $0x4;
	s21 =	sadd.s32 s4, s25;
	s5 =	sadd.s32 s3, s1;
	v9 =	vld.idx.msk [tilespmem:v11+s18+$0x0], $0xffff;
	vm0 =	veq.s32 v6, v1  }
0x19e: {  	s31 =	sadd.s32 s1, s25;
	s17 =	sadd.s32 s3, s7;
	s7 =	sadd.s32 s7, s25;
	v5 =	vld.idx.msk [tilespmem:v10+s18+$0x0], $0xffff;
	vm15 =	veq.s32 v6, v4;
	v6 =	vadd.s32 v0, v7;
	v10 =	vsel vm0, $0x3F800000, v3  }
0x19f: {  	s25 =	sadd.s32 s0, s15;
	s23 =	sshll.u32 s8, $0x4;
	s4 =	sand.u32 $0xFF80, s14;
	v8 =	vadd.s32 v0, v8;
	v7 =	vld.idx.msk [tilespmem:v12+s18+$0x0], $0xffff;
	v6 =	vand.u32 $0x3, v6;
	[tilespmem:s24+$0x0] =	vst v10;
	v10 =	vsel vm15, $0x3F800000, v3  }
0x1a0: {  	s0 =	sand.u32 $0x1FF80, s2;
	s1 =	sand.u32 $0xFF80, s19;
	s30 =	sand.u32 $0x1FF80, s21;
	v8 =	vand.u32 $0x3, v8;
	v12 =	vadd.s32 v0, v15;
	v11 =	vshrl.u32 v6, $0x1;
	[tilespmem:s25+$0x0] =	vst v10;
	v10 =	vld.idx.msk [tilespmem:v14+s18+$0x0], $0xffff  }
.LBB2_12:
0x1a1: {  	s20 =	sadd.s32 $0x8, s20;
	s2 =	sand.u32 $0x1FF80, s6;
	s21 =	sand.u32 $0xFF80, s5  }
0x1a2: {  	s5 =	smov.u32 s17;
	s6 =	smov.u32 s15;
	s22 =	sand.u32 $0x1FF80, s31  }
0x1a3: {  	s31 =	sand.u32 $0xFF80, s29;
	s26 =	sand.u32 $0x1FF80, s26;
	[dreg:$0x8] =	wrdreg s2  }
0x1a4: {  	[dreg:$0x4] =	wrdreg s21;
	s9 =	sor.u32 $0x1, s20;
	s2 =	sor.u32 $0x7, s20  }
0x1a5: {  	s17 =	sor.u32 $0x2, s20;
	s13 =	smul.u32 $0xAAAB, s20;
	s3 =	sand.u32 $0xFFFF, s2  }
0x1a6: {  	s25 =	sor.u32 $0x6, s20;
	s10 =	sand.u32 $0xFFFF, s9;
	s3 =	smul.u32 $0xAAAB, s3  }
0x1a7: {  	s11 =	sand.u32 $0xFFFF, s17;
	s14 =	sshrl.u32 s13, $0x14;
	s13 =	smul.u32 $0xAAAB, s10  }
0x1a8: {  	s8 =	sor.u32 $0x3, s20;
	s21 =	sand.u32 $0xFFFF, s25;
	s11 =	smul.u32 $0xAAAB, s11;
	v5 =	vadd.s32 v0, v5  }
0x1a9: {  	s15 =	sor.u32 $0x4, s20;
	s10 =	sand.u32 $0xFF80, s5;
	s5 =	smul.u32 $0xAAAB, s21;
	v5 =	vand.u32 $0x3, v5  }
0x1aa: {  	[dreg:$0x14] =	wrdreg s22;
	v7 =	vadd.s32 v0, v7;
	s22 =	smul.u32 $0xC0, s14;
	s3 =	sshrl.u32 s3, $0x14;
	v15 =	vshrl.u32 v5, $0x1  }
0x1ab: {  	s24 =	sor.u32 $0x5, s20;
	s18 =	sand.u32 $0xFFFF, s15;
	v7 =	vand.u32 $0x3, v7;
	s3 =	smul.u32 $0x18, s3;
	v5 =	vxor.u32 v5, v15  }
0x1ac: {  	p2 =	slt.u32 s20, $0x118;
	s19 =	sand.u32 $0xFFFF, s24;
	vm11 =	veq.s32 v5, v1;
	vm1 =	veq.s32 v5, v4;
	v5 =	vor.u32 s22, v2;
	s22 =	smul.u32 $0xAAAB, s18  }
0x1ad: {  	v13 =	vshrl.u32 v8, $0x1;
	v6 =	vxor.u32 v6, v11;
	s12 =	sand.u32 $0xFFFF, s8;
	v11 =	vshrl.u32 v7, $0x1;
	s2 =	ssub.s32 s2, s3;
	s18 =	smul.u32 $0xAAAB, s19  }
0x1ae: {  	v12 =	vand.u32 $0x3, v12;
	vm12 =	veq.s32 v6, v1;
	v7 =	vxor.u32 v7, v11;
	s3 =	sshrl.u32 s13, $0x14;
	s29 =	sand.u32 $0xFFFF, s2;
	s2 =	smul.u32 $0xAAAB, s12  }
0x1af: {  	s11 =	sshrl.u32 s11, $0x14;
	vm3 =	veq.s32 v7, v1;
	vm7 =	veq.s32 v7, v4;
	v7 =	vsel vm12, $0x3F800000, v3;
	s19 =	sand.u32 $0x1FF80, s7;
	s3 =	smul.u32 $0x18, s3  }
0x1b0: {  	v14 =	vshrl.u32 v12, $0x1;
	v8 =	vxor.u32 v8, v13;
	s7 =	sshrl.u32 s5, $0x14;
	[tilespmem:s4+$0x2410] =	vst v7;
	s4 =	sadd.s32 s23, s6;
	s6 =	smul.u32 $0x18, s11  }
0x1b1: {  	vm2 =	veq.s32 v6, v4;
	v12 =	vxor.u32 v12, v14;
	vm8 =	veq.s32 v8, v1;
	s7 =	smul.u32 $0x18, s7;
	s13 =	sshll.u32 s29, $0x3;
	s12 =	sshrl.u32 s18, $0x14  }
0x1b2: {  	vm9 =	veq.s32 v8, v4;
	vm0 =	veq.s32 v12, v1;
	vm10 =	veq.s32 v12, v4;
	s18 =	simm.s32 $0x0;
	s2 =	sshrl.u32 s2, $0x14;
	s21 =	smul.u32 $0x18, s12  }
0x1b3: {  	v8 =	vsel vm8, $0x3F800000, v3;
	v10 =	vadd.s32 v0, v10;
	v6 =	vadd.s32 s13, v5;
	s13 =	sshrl.u32 s22, $0x14;
	s22 =	sadd.s32 s23, s16;
	s2 =	smul.u32 $0x18, s2  }
0x1b4: {  	v9 =	vadd.s32 v0, v9;
	[tilespmem:s1+$0x2420] =	vst v8;
	v10 =	vand.u32 $0x3, v10;
	v7 =	vsel vm2, $0x3F800000, v3;
	s9 =	ssub.s32 s9, s3;
	s23 =	rddreg [dreg:$0x8];
	s16 =	smul.u32 $0x18, s13  }
0x1b5: {  	v9 =	vand.u32 $0x3, v9;
	v17 =	vshrl.u32 v10, $0x1;
	v11 =	vsel vm11, $0x3F800000, v3;
	[tilespmem:s0+$0x2410] =	vst v7;
	s0 =	ssub.s32 s17, s6;
	s12 =	rddreg [dreg:$0x4];
	s13 =	smul.u32 $0x18, s14  }
0x1b6: {  	v16 =	vshrl.u32 v9, $0x1;
	v10 =	vxor.u32 v10, v17;
	v7 =	vsel vm0, $0x3F800000, v3;
	s1 =	sand.u32 $0xFFFF, s9;
	s9 =	sand.u32 $0xFFFF, s0;
	[tilespmem:s12+$0x2440] =	vst v11;
	s12 =	smul.u32 $0xC00, s14  }
0x1b7: {  	vm13 =	veq.s32 v10, v1;
	vm4 =	veq.s32 v10, v4;
	v10 =	vsel vm10, $0x3F800000, v3;
	[tilespmem:s28+$0x2430] =	vst v7;
	s17 =	ssub.s32 s8, s2;
	s3 =	ssub.s32 s15, s16;
	s15 =	ssub.s32 s24, s21  }
0x1b8: {  	v9 =	vxor.u32 v9, v16;
	[tilespmem:s23+$0x2430] =	vst v10;
	s16 =	rddreg [dreg:$0x14];
	s21 =	ssub.s32 s25, s7;
	s23 =	ssub.s32 s20, s13  }
0x1b9: {  	vm5 =	veq.s32 v9, v1;
	vm6 =	veq.s32 v9, v4;
	v9 =	vsel vm9, $0x3F800000, v3;
	s24 =	sshll.u32 s9, $0x3;
	s7 =	sshll.u32 s29, $0x4;
	s9 =	sshll.u32 s9, $0x4  }
0x1ba: {  	v12 =	vsel vm5, $0x3F800000, v3;
	[tilespmem:s30+$0x2420] =	vst v9;
	s6 =	sand.u32 $0xFFFF, s17;
	s8 =	sand.u32 $0xFFFF, s3;
	s17 =	sshll.u32 s1, $0x3;
	v6 =	vld.idx.msk [tilespmem:v6+s18+$0x0], $0xffff  }
0x1bb: {  	v8 =	vsel vm1, $0x3F800000, v3;
	[tilespmem:s31+$0x2450] =	vst v12;
	s11 =	sand.u32 $0xFFFF, s15;
	s25 =	sand.u32 $0xFFFF, s21;
	s0 =	sand.u32 $0xFFFF, s23;
	v7 =	vadd.s32 s17, v5  }
0x1bc: {  	v9 =	vsel vm3, $0x3F800000, v3;
	[tilespmem:s16+$0x2440] =	vst v8;
	v8 =	vadd.s32 s24, v5;
	s3 =	sshrl.u32 s12, $0x2;
	s23 =	smul.u32 $0x300, s14;
	s13 =	sshll.u32 s6, $0x3  }
0x1bd: {  	v13 =	vsel vm6, $0x3F800000, v3;
	[tilespmem:s10+$0x2460] =	vst v9;
	s1 =	sshll.u32 s1, $0x4;
	s15 =	sshll.u32 s8, $0x3;
	s16 =	sshll.u32 s11, $0x3;
	v9 =	vadd.s32 s13, v5  }
0x1be: {  	v15 =	vsel vm7, $0x3F800000, v3;
	[tilespmem:s26+$0x2450] =	vst v13;
	s17 =	sshll.u32 s25, $0x3;
	s21 =	sshll.u32 s0, $0x3;
	s6 =	sshll.u32 s6, $0x4  }
0x1bf: {  	v14 =	vsel vm13, $0x3F800000, v3;
	[tilespmem:s19+$0x2460] =	vst v15;
	s12 =	sshll.u32 s8, $0x4;
	s19 =	sshll.u32 s11, $0x4;
	v12 =	vadd.s32 s16, v5;
	s16 =	sadd.s32 $0x2400, s3;
	v6 =	vadd.s32 v0, v6  }
0x1c0: {  	[tilespmem:s22+$0x0] =	vst v14;
	v11 =	vadd.s32 s15, v5;
	v13 =	vadd.s32 s17, v5;
	s15 =	sadd.s32 $0x2580, s3;
	s14 =	sadd.s32 $0x180, s23;
	s22 =	sadd.s32 s23, s1;
	v14 =	vld.idx.msk [tilespmem:v7+s18+$0x0], $0xffff;
	v6 =	vand.u32 $0x3, v6  }
0x1c1: {  	s24 =	sadd.s32 s23, s9;
	s5 =	sadd.s32 s23, s12;
	s29 =	sadd.s32 s23, s19;
	v8 =	vld.idx.msk [tilespmem:v8+s18+$0x0], $0xffff;
	v10 =	vshrl.u32 v6, $0x1  }
0x1c2: {  	s10 =	sadd.s32 s7, s16;
	s2 =	sadd.s32 s7, s15;
	s1 =	sadd.s32 s1, s14;
	v15 =	vld.idx.msk [tilespmem:v9+s18+$0x0], $0xffff;
	v6 =	vxor.u32 v6, v10;
	v10 =	vadd.s32 s21, v5  }
.Ltmp8:
0x1c3: {  	v63 =	vsel vm4, $0x3F800000, v3;
	s3 =	sadd.s32 s9, s14;
	s31 =	sadd.s32 s12, s14;
	vm14 =	veq.s32 v6, v1;
	(pc) =	sbr.rel @p2 .LBB2_12-.Ltmp8, $4  }
0x1c4: {  	[tilespmem:s4+$0x0] =	vst v63;
	s26 =	sadd.s32 s19, s14;
	s4 =	sand.u32 $0xFF80, s22;
	s30 =	sand.u32 $0x1FF80, s3;
	v9 =	vld.idx.msk [tilespmem:v12+s18+$0x0], $0xffff;
	vm15 =	veq.s32 v6, v4;
	v5 =	vsel vm14, $0x3F800000, v3  }
0x1c5: {  	v7 =	vld.idx.msk [tilespmem:v13+s18+$0x0], $0xffff;
	s21 =	sshll.u32 s25, $0x4;
	s25 =	sadd.s32 s23, s6;
	s6 =	sadd.s32 s6, s14;
	v6 =	vadd.s32 v0, v14;
	[tilespmem:s10+$0x0] =	vst v5;
	v5 =	vsel vm15, $0x3F800000, v3  }
0x1c6: {  	s17 =	sadd.s32 s23, s21;
	s7 =	sadd.s32 s21, s14;
	s23 =	sshll.u32 s0, $0x4;
	v8 =	vadd.s32 v0, v8;
	v6 =	vand.u32 $0x3, v6;
	[tilespmem:s2+$0x0] =	vst v5;
	v5 =	vld.idx.msk [tilespmem:v11+s18+$0x0], $0xffff  }
0x1c7: {  	s0 =	sand.u32 $0x1FF80, s1;
	s1 =	sand.u32 $0xFF80, s24;
	s28 =	sand.u32 $0xFF80, s25;
	v8 =	vand.u32 $0x3, v8;
	v12 =	vadd.s32 v0, v15;
	v11 =	vshrl.u32 v6, $0x1;
	v10 =	vld.idx.msk [tilespmem:v10+s18+$0x0], $0xffff  }
0x1c8: {  	v13 =	vshrl.u32 v8, $0x1;
	v12 =	vand.u32 $0x3, v12;
	v6 =	vxor.u32 v6, v11  }
0x1c9: {  	v14 =	vshrl.u32 v12, $0x1;
	v9 =	vadd.s32 v0, v9;
	vm0 =	veq.s32 v6, v1  }
0x1ca: {  	v8 =	vxor.u32 v8, v13;
	vm1 =	veq.s32 v6, v4;
	v9 =	vand.u32 $0x3, v9  }
0x1cb: {  	v7 =	vadd.s32 v0, v7;
	v6 =	vsel vm0, $0x3F800000, v3;
	vm14 =	veq.s32 v8, v1  }
0x1cc: {  	v12 =	vxor.u32 v12, v14;
	vm15 =	veq.s32 v8, v4;
	v5 =	vadd.s32 v0, v5  }
0x1cd: {  	s22 =	sand.u32 $0x1FF80, s6;
	v11 =	vshrl.u32 v9, $0x1;
	[tilespmem:s4+$0x2410] =	vst v6;
	v6 =	vsel vm1, $0x3F800000, v3;
	v8 =	vsel vm14, $0x3F800000, v3  }
0x1ce: {  	s24 =	sand.u32 $0xFF80, s5;
	s25 =	sand.u32 $0x1FF80, s31;
	s20 =	simm.s32 $0x120;
	vm4 =	veq.s32 v12, v1;
	vm5 =	veq.s32 v12, v4;
	v5 =	vand.u32 $0x3, v5;
	[tilespmem:s0+$0x2410] =	vst v6  }
0x1cf: {  	s5 =	sand.u32 $0x1FF80, s7;
	s18 =	sor.u32 $0x2, s20;
	s21 =	sor.u32 $0x3, s20;
	v6 =	vand.u32 $0x3, v7;
	v7 =	vsel vm15, $0x3F800000, v3;
	[tilespmem:s1+$0x2420] =	vst v8;
	v15 =	vshrl.u32 v5, $0x1  }
0x1d0: {  	s8 =	sand.u32 $0xFFFF, s18;
	s4 =	sand.u32 $0xFF80, s17;
	s17 =	smul.u32 $0xAAAB, s20;
	v10 =	vadd.s32 v0, v10;
	v8 =	vsel vm4, $0x3F800000, v3;
	[tilespmem:s30+$0x2420] =	vst v7;
	v5 =	vxor.u32 v5, v15  }
0x1d1: {  	s7 =	sor.u32 $0x7, s20;
	s11 =	sand.u32 $0xFFFF, s21;
	s8 =	smul.u32 $0xAAAB, s8;
	v7 =	vand.u32 $0x3, v10;
	v10 =	vsel vm5, $0x3F800000, v3;
	[tilespmem:s28+$0x2430] =	vst v8;
	vm6 =	veq.s32 v5, v1  }
0x1d2: {  	s10 =	sor.u32 $0x5, s20;
	s14 =	sand.u32 $0xFFFF, s7;
	s11 =	smul.u32 $0xAAAB, s11;
	v8 =	vxor.u32 v9, v11;
	[tilespmem:s22+$0x2430] =	vst v10;
	vm7 =	veq.s32 v5, v4;
	v5 =	vsel vm6, $0x3F800000, v3  }
0x1d3: {  	s2 =	sand.u32 $0xFF80, s29;
	s1 =	smul.u32 $0xAAAB, s14;
	s14 =	sand.u32 $0xFFFF, s10;
	v9 =	vshrl.u32 v6, $0x1;
	vm8 =	veq.s32 v8, v1;
	v10 =	vsel vm7, $0x3F800000, v3;
	[tilespmem:s24+$0x2440] =	vst v5  }
0x1d4: {  	s3 =	sand.u32 $0x1FF80, s26;
	s14 =	smul.u32 $0xAAAB, s14;
	s8 =	sshrl.u32 s8, $0x14;
	vm9 =	veq.s32 v8, v4;
	v5 =	vxor.u32 v6, v9;
	v6 =	vsel vm8, $0x3F800000, v3;
	[tilespmem:s25+$0x2440] =	vst v10  }
0x1d5: {  	s6 =	sadd.s32 s23, s16;
	v8 =	vshrl.u32 v7, $0x1;
	s1 =	sshrl.u32 s1, $0x14;
	s8 =	smul.u32 $0x18, s8;
	v9 =	vsel vm9, $0x3F800000, v3;
	vm10 =	veq.s32 v5, v1;
	[tilespmem:s2+$0x2450] =	vst v6  }
0x1d6: {  	s16 =	simm.s32 $0x0;
	s11 =	sshrl.u32 s11, $0x14;
	s1 =	smul.u32 $0x18, s1;
	v6 =	vxor.u32 v7, v8;
	vm11 =	veq.s32 v5, v4;
	v5 =	vsel vm10, $0x3F800000, v3;
	[tilespmem:s3+$0x2450] =	vst v9  }
0x1d7: {  	s12 =	sor.u32 $0x6, s20;
	s22 =	sor.u32 $0x4, s20;
	s26 =	smul.u32 $0x18, s11;
	vm12 =	veq.s32 v6, v1;
	v7 =	vsel vm11, $0x3F800000, v3;
	[tilespmem:s4+$0x2460] =	vst v5  }
0x1d8: {  	s13 =	sand.u32 $0xFFFF, s22;
	s0 =	ssub.s32 s7, s1;
	s24 =	sand.u32 $0xFFFF, s12;
	vm13 =	veq.s32 v6, v4;
	v5 =	vsel vm12, $0x3F800000, v3;
	[tilespmem:s5+$0x2460] =	vst v7  }
0x1d9: {  	s2 =	sadd.s32 s23, s15;
	s15 =	sor.u32 $0x1, s20;
	s23 =	smul.u32 $0xAAAB, s13;
	v6 =	vsel vm13, $0x3F800000, v3;
	[tilespmem:s6+$0x0] =	vst v5  }
0x1da: {  	s13 =	smul.u32 $0xAAAB, s24;
	s3 =	simm.s32 $0x2400;
	s19 =	sand.u32 $0xFFFF, s15;
	[tilespmem:s2+$0x0] =	vst v6  }
0x1db: {  	s1 =	sshrl.u32 s23, $0x14;
	s5 =	smul.u32 $0xAAAB, s19;
	s2 =	rddreg [dreg:$0x1a]  }
0x1dc: {  	[hbm4b:s2+s16] =	stream.linear.scatter [tilespmem:s3], [sflag:$0x1], $0x2400, $0x38;
	[tilespmem:$0xB400] =	vst v63  }
0x1dd: {  	s14 =	sshrl.u32 s14, $0x14;
	s1 =	smul.u32 $0x18, s1;
	s3 =	sshrl.u32 s17, $0x14  }
0x1de: {  	s0 =	sand.u32 $0xFFFF, s0;
	s13 =	sshrl.u32 s13, $0x14;
	s9 =	smul.u32 $0xC0, s3  }
0x1df: {  	s25 =	sshll.u32 s0, $0x3;
	s4 =	ssub.s32 s18, s8;
	s11 =	smul.u32 $0x18, s13  }
0x1e0: {  	s0 =	sshll.u32 s0, $0x4;
	s4 =	sand.u32 $0xFFFF, s4;
	s5 =	sshrl.u32 s5, $0x14;
	v5 =	vor.u32 s9, v2  }
0x1e1: {  	s1 =	ssub.s32 s22, s1;
	s7 =	ssub.s32 s12, s11;
	s5 =	smul.u32 $0x18, s5;
	v6 =	vadd.s32 s25, v5  }
0x1e2: {  	s1 =	sand.u32 $0xFFFF, s1;
	s7 =	sand.u32 $0xFFFF, s7;
	s13 =	smul.u32 $0x18, s3  }
0x1e3: {  	s17 =	smul.u32 $0xC00, s3;
	s19 =	sshll.u32 s1, $0x3;
	s2 =	ssub.s32 s15, s5  }
0x1e4: {  	s22 =	sshll.u32 s7, $0x3;
	s3 =	smul.u32 $0x300, s3;
	s2 =	sand.u32 $0xFFFF, s2  }
0x1e5: {  	s5 =	ssub.s32 s21, s26;
	s9 =	smul.u32 $0x18, s14;
	s14 =	sshll.u32 s2, $0x3  }
0x1e6: {  	s1 =	sshll.u32 s1, $0x4;
	s15 =	sshll.u32 s4, $0x3;
	s5 =	sand.u32 $0xFFFF, s5;
	v7 =	vadd.s32 s14, v5;
	v6 =	vld.idx.msk [tilespmem:v6+s16+$0x0], $0xffff  }
0x1e7: {  	s7 =	sshll.u32 s7, $0x4;
	s4 =	sshll.u32 s4, $0x4;
	s18 =	sshll.u32 s5, $0x3;
	v8 =	vadd.s32 s15, v5  }
0x1e8: {  	s8 =	ssub.s32 $0x120, s13;
	s24 =	sadd.s32 $0x180, s3;
	s6 =	ssub.s32 s10, s9;
	v9 =	vadd.s32 s18, v5  }
0x1e9: {  	s8 =	sand.u32 $0xFFFF, s8;
	s2 =	sshll.u32 s2, $0x4;
	s6 =	sand.u32 $0xFFFF, s6  }
0x1ea: {  	v10 =	vadd.s32 s19, v5;
	s5 =	sshll.u32 s5, $0x4;
	s31 =	sadd.s32 s1, s24;
	s21 =	sshll.u32 s6, $0x3  }
0x1eb: {  	s25 =	sadd.s32 s3, s7;
	s23 =	sshll.u32 s8, $0x3;
	s9 =	sshrl.u32 s17, $0x2;
	v11 =	vadd.s32 s21, v5;
	v7 =	vld.idx.msk [tilespmem:v7+s16+$0x0], $0xffff;
	v6 =	vadd.s32 v0, v6  }
0x1ec: {  	v12 =	vadd.s32 s22, v5;
	s13 =	sadd.s32 s3, s2;
	s2 =	sadd.s32 s2, s24;
	s14 =	sadd.s32 s3, s4;
	v8 =	vld.idx.msk [tilespmem:v8+s16+$0x0], $0xffff;
	v6 =	vand.u32 $0x3, v6  }
0x1ed: {  	s18 =	sadd.s32 s4, s24;
	s19 =	sadd.s32 s3, s5;
	s17 =	sadd.s32 $0x2400, s9;
	v14 =	vadd.s32 s23, v5;
	v15 =	vld.idx.msk [tilespmem:v9+s16+$0x0], $0xffff;
	v13 =	vshrl.u32 v6, $0x1  }
0x1ee: {  	s15 =	sadd.s32 $0x2580, s9;
	s23 =	sshll.u32 s8, $0x4;
	s4 =	sand.u32 $0x1FF80, s13;
	v6 =	vxor.u32 v6, v13  }
0x1ef: {  	s30 =	sand.u32 $0x3FF80, s18;
	s28 =	sand.u32 $0x1FF80, s19;
	s12 =	sshll.u32 s6, $0x4;
	v5 =	vld.idx.msk [tilespmem:v10+s16+$0x0], $0xffff;
	vm14 =	veq.s32 v6, v1  }
0x1f0: {  	s6 =	sadd.s32 s5, s24;
	s5 =	sadd.s32 s3, s1;
	s21 =	sadd.s32 s0, s17;
	v9 =	vld.idx.msk [tilespmem:v11+s16+$0x0], $0xffff;
	vm15 =	veq.s32 v6, v4;
	v6 =	vadd.s32 v0, v7;
	v10 =	vsel vm14, $0x3F800000, v3  }
0x1f1: {  	s22 =	sadd.s32 s0, s15;
	s1 =	sand.u32 $0x1FF80, s14;
	s29 =	sadd.s32 s3, s12;
	v8 =	vadd.s32 v0, v8;
	v7 =	vld.idx.msk [tilespmem:v12+s16+$0x0], $0xffff;
	v6 =	vand.u32 $0x3, v6;
	[tilespmem:s21+$0x0] =	vst v10;
	v10 =	vsel vm15, $0x3F800000, v3  }
0x1f2: {  	s26 =	sadd.s32 s12, s24;
	s24 =	sadd.s32 s7, s24;
	s0 =	sand.u32 $0x3FF80, s2;
	v8 =	vand.u32 $0x3, v8;
	v12 =	vadd.s32 v0, v15;
	v11 =	vshrl.u32 v6, $0x1;
	[tilespmem:s22+$0x0] =	vst v10;
	v10 =	vld.idx.msk [tilespmem:v14+s16+$0x0], $0xffff  }
.LBB2_14:
0x1f3: {  	s20 =	sadd.s32 $0x8, s20  }
0x1f4: {  	s2 =	sand.u32 $0x3FF80, s6;
	s21 =	sand.u32 $0x1FF80, s5;
	s5 =	smov.u32 s17  }
0x1f5: {  	s6 =	smov.u32 s15;
	s31 =	sand.u32 $0x3FF80, s31;
	s26 =	sand.u32 $0x3FF80, s26  }
0x1f6: {  	s25 =	sand.u32 $0x1FF80, s25;
	s24 =	sand.u32 $0x3FF80, s24;
	[dreg:$0x9] =	wrdreg s2  }
0x1f7: {  	[dreg:$0x5] =	wrdreg s21;
	s9 =	sor.u32 $0x1, s20;
	s2 =	sor.u32 $0x7, s20  }
0x1f8: {  	v13 =	vshrl.u32 v8, $0x1;
	s8 =	sor.u32 $0x2, s20;
	s13 =	smul.u32 $0xAAAB, s20;
	s3 =	sand.u32 $0xFFFF, s2  }
0x1f9: {  	v12 =	vand.u32 $0x3, v12;
	v6 =	vxor.u32 v6, v11;
	s15 =	sor.u32 $0x4, s20;
	v8 =	vxor.u32 v8, v13;
	s10 =	sand.u32 $0xFFFF, s9;
	s3 =	smul.u32 $0xAAAB, s3  }
0x1fa: {  	v14 =	vshrl.u32 v12, $0x1;
	vm12 =	veq.s32 v6, v1;
	s11 =	sand.u32 $0xFFFF, s8;
	vm8 =	veq.s32 v8, v1;
	s14 =	sshrl.u32 s13, $0x14;
	s13 =	smul.u32 $0xAAAB, s10  }
0x1fb: {  	s17 =	sor.u32 $0x3, s20;
	vm2 =	veq.s32 v6, v4;
	s18 =	sand.u32 $0xFFFF, s15;
	vm9 =	veq.s32 v8, v4;
	s11 =	smul.u32 $0xAAAB, s11;
	v8 =	vsel vm8, $0x3F800000, v3  }
0x1fc: {  	s16 =	sor.u32 $0x5, s20;
	s7 =	sor.u32 $0x6, s20;
	s18 =	smul.u32 $0xAAAB, s18;
	v5 =	vadd.s32 v0, v5;
	v9 =	vadd.s32 v0, v9;
	v7 =	vadd.s32 v0, v7  }
0x1fd: {  	p2 =	slt.u32 s20, $0x238;
	s22 =	smul.u32 $0xC0, s14;
	v5 =	vand.u32 $0x3, v5;
	v9 =	vand.u32 $0x3, v9;
	v7 =	vand.u32 $0x3, v7;
	s3 =	sshrl.u32 s3, $0x14  }
0x1fe: {  	s12 =	sand.u32 $0xFFFF, s17;
	s19 =	sand.u32 $0xFFFF, s16;
	v15 =	vshrl.u32 v5, $0x1;
	v16 =	vshrl.u32 v9, $0x1;
	v11 =	vshrl.u32 v7, $0x1;
	s3 =	smul.u32 $0x18, s3  }
0x1ff: {  	s21 =	sand.u32 $0xFFFF, s7;
	s10 =	sand.u32 $0x1FF80, s29;
	s19 =	smul.u32 $0xAAAB, s19;
	v5 =	vxor.u32 v5, v15;
	v9 =	vxor.u32 v9, v16;
	v7 =	vxor.u32 v7, v11  }
0x200: {  	s21 =	smul.u32 $0xAAAB, s21;
	s11 =	sshrl.u32 s11, $0x14;
	s2 =	ssub.s32 s2, s3;
	vm11 =	veq.s32 v5, v1;
	vm1 =	veq.s32 v5, v4;
	v5 =	vor.u32 s22, v2  }
0x201: {  	[tilespmem:s1+$0x2420] =	vst v8;
	s3 =	sshrl.u32 s13, $0x14;
	s22 =	smul.u32 $0xAAAB, s12;
	vm3 =	veq.s32 v7, v1;
	vm7 =	veq.s32 v7, v4;
	v7 =	vsel vm12, $0x3F800000, v3;
	s12 =	sshrl.u32 s19, $0x14  }
0x202: {  	vm5 =	veq.s32 v9, v1;
	vm6 =	veq.s32 v9, v4;
	v9 =	vsel vm9, $0x3F800000, v3;
	s29 =	sand.u32 $0xFFFF, s2;
	[tilespmem:s4+$0x2410] =	vst v7;
	s3 =	smul.u32 $0x18, s3;
	s4 =	sadd.s32 s23, s6  }
0x203: {  	v12 =	vxor.u32 v12, v14;
	v7 =	vsel vm2, $0x3F800000, v3;
	s6 =	smul.u32 $0x18, s11;
	s11 =	sshrl.u32 s21, $0x14;
	[tilespmem:s30+$0x2420] =	vst v9;
	s13 =	sshll.u32 s29, $0x3  }
0x204: {  	vm0 =	veq.s32 v12, v1;
	vm10 =	veq.s32 v12, v4;
	v9 =	vsel vm3, $0x3F800000, v3;
	s2 =	sshrl.u32 s22, $0x14;
	s22 =	sadd.s32 s23, s5;
	[tilespmem:s0+$0x2410] =	vst v7;
	s23 =	smul.u32 $0x18, s12  }
0x205: {  	v10 =	vadd.s32 v0, v10;
	v12 =	vsel vm5, $0x3F800000, v3;
	s12 =	rddreg [dreg:$0x9];
	[tilespmem:s25+$0x2460] =	vst v9;
	s25 =	smul.u32 $0x300, s14;
	v6 =	vadd.s32 s13, v5;
	s13 =	sshrl.u32 s18, $0x14  }
0x206: {  	v10 =	vand.u32 $0x3, v10;
	v13 =	vsel vm6, $0x3F800000, v3;
	[tilespmem:s10+$0x2450] =	vst v12;
	s9 =	ssub.s32 s9, s3;
	s2 =	smul.u32 $0x18, s2;
	s18 =	simm.s32 $0x0  }
0x207: {  	v17 =	vshrl.u32 v10, $0x1;
	s0 =	ssub.s32 s8, s6;
	[tilespmem:s26+$0x2450] =	vst v13;
	s26 =	sshll.u32 s29, $0x4;
	s19 =	smul.u32 $0x18, s13  }
0x208: {  	v10 =	vxor.u32 v10, v17;
	v7 =	vsel vm0, $0x3F800000, v3;
	s1 =	sand.u32 $0xFFFF, s9;
	s8 =	sand.u32 $0xFFFF, s0;
	s21 =	ssub.s32 s17, s2  }
0x209: {  	vm13 =	veq.s32 v10, v1;
	vm4 =	veq.s32 v10, v4;
	v10 =	vsel vm10, $0x3F800000, v3;
	[tilespmem:s28+$0x2430] =	vst v7;
	s17 =	rddreg [dreg:$0x5];
	s13 =	ssub.s32 s15, s19;
	s15 =	smul.u32 $0x18, s11  }
0x20a: {  	[tilespmem:s12+$0x2430] =	vst v10;
	s12 =	sshll.u32 s8, $0x3;
	s6 =	sand.u32 $0xFFFF, s21;
	s19 =	smul.u32 $0x18, s14  }
0x20b: {  	v11 =	vsel vm11, $0x3F800000, v3;
	s21 =	ssub.s32 s16, s23;
	s23 =	sshll.u32 s1, $0x3;
	s16 =	smul.u32 $0xC00, s14  }
0x20c: {  	v8 =	vsel vm1, $0x3F800000, v3;
	[tilespmem:s17+$0x2440] =	vst v11;
	s1 =	sshll.u32 s1, $0x4;
	s9 =	sand.u32 $0xFFFF, s13;
	s11 =	sand.u32 $0xFFFF, s21;
	v6 =	vld.idx.msk [tilespmem:v6+s18+$0x0], $0xffff  }
0x20d: {  	[tilespmem:s31+$0x2440] =	vst v8;
	v7 =	vadd.s32 s23, v5;
	v8 =	vadd.s32 s12, v5;
	s17 =	sshll.u32 s6, $0x3;
	s6 =	sshll.u32 s6, $0x4;
	s12 =	sadd.s32 $0x180, s25  }
0x20e: {  	s7 =	ssub.s32 s7, s15;
	s10 =	ssub.s32 s20, s19;
	s19 =	sshll.u32 s9, $0x3  }
0x20f: {  	v14 =	vsel vm13, $0x3F800000, v3;
	v9 =	vadd.s32 s17, v5;
	s21 =	sshll.u32 s11, $0x3;
	s3 =	sshrl.u32 s16, $0x2;
	s14 =	sshll.u32 s11, $0x4  }
0x210: {  	[tilespmem:s22+$0x0] =	vst v14;
	s22 =	sadd.s32 s25, s6;
	s6 =	sadd.s32 s6, s12;
	s13 =	sand.u32 $0xFFFF, s7  }
0x211: {  	s0 =	sand.u32 $0xFFFF, s10;
	v12 =	vadd.s32 s21, v5;
	s17 =	sadd.s32 $0x2400, s3;
	s23 =	sshll.u32 s13, $0x3;
	v6 =	vadd.s32 v0, v6  }
0x212: {  	v15 =	vsel vm7, $0x3F800000, v3;
	s15 =	sadd.s32 $0x2580, s3;
	s7 =	sshll.u32 s8, $0x4;
	s10 =	sshll.u32 s9, $0x4;
	v13 =	vadd.s32 s23, v5;
	v14 =	vld.idx.msk [tilespmem:v7+s18+$0x0], $0xffff;
	v6 =	vand.u32 $0x3, v6  }
0x213: {  	[tilespmem:s24+$0x2460] =	vst v15;
	v11 =	vadd.s32 s19, v5;
	s19 =	sadd.s32 s25, s1;
	s1 =	sadd.s32 s1, s12;
	s24 =	sshll.u32 s0, $0x3;
	v8 =	vld.idx.msk [tilespmem:v8+s18+$0x0], $0xffff;
	v10 =	vshrl.u32 v6, $0x1  }
0x214: {  	s29 =	sadd.s32 s25, s14;
	s28 =	sand.u32 $0x1FF80, s22;
	s8 =	sadd.s32 s26, s17;
	v15 =	vld.idx.msk [tilespmem:v9+s18+$0x0], $0xffff;
	v6 =	vxor.u32 v6, v10;
	v10 =	vadd.s32 s24, v5  }
.Ltmp9:
0x215: {  	v63 =	vsel vm4, $0x3F800000, v3;
	s2 =	sadd.s32 s26, s15;
	s16 =	sshll.u32 s13, $0x4;
	vm14 =	veq.s32 v6, v1;
	(pc) =	sbr.rel @p2 .LBB2_14-.Ltmp9, $4  }
0x216: {  	[tilespmem:s4+$0x0] =	vst v63;
	s21 =	sadd.s32 s25, s7;
	s3 =	sadd.s32 s7, s12;
	s5 =	sadd.s32 s25, s10;
	v9 =	vld.idx.msk [tilespmem:v12+s18+$0x0], $0xffff;
	vm15 =	veq.s32 v6, v4;
	v5 =	vsel vm14, $0x3F800000, v3  }
0x217: {  	s31 =	sadd.s32 s10, s12;
	s26 =	sadd.s32 s14, s12;
	s4 =	sand.u32 $0x1FF80, s19;
	v7 =	vld.idx.msk [tilespmem:v13+s18+$0x0], $0xffff;
	v6 =	vadd.s32 v0, v14;
	[tilespmem:s8+$0x0] =	vst v5;
	v5 =	vsel vm15, $0x3F800000, v3  }
0x218: {  	s25 =	sadd.s32 s25, s16;
	s23 =	sshll.u32 s0, $0x4;
	s0 =	sand.u32 $0x3FF80, s1;
	v8 =	vadd.s32 v0, v8;
	v6 =	vand.u32 $0x3, v6;
	[tilespmem:s2+$0x0] =	vst v5;
	v5 =	vld.idx.msk [tilespmem:v11+s18+$0x0], $0xffff  }
0x219: {  	s1 =	sand.u32 $0x1FF80, s21;
	s30 =	sand.u32 $0x3FF80, s3;
	s24 =	sadd.s32 s16, s12;
	v8 =	vand.u32 $0x3, v8;
	v12 =	vadd.s32 v0, v15;
	v11 =	vshrl.u32 v6, $0x1;
	v10 =	vld.idx.msk [tilespmem:v10+s18+$0x0], $0xffff  }
0x21a: {  	v13 =	vshrl.u32 v8, $0x1;
	v12 =	vand.u32 $0x3, v12  }
0x21b: {  	v6 =	vxor.u32 v6, v11;
	v14 =	vshrl.u32 v12, $0x1;
	v9 =	vadd.s32 v0, v9  }
0x21c: {  	vm0 =	veq.s32 v6, v1;
	v8 =	vxor.u32 v8, v13;
	vm1 =	veq.s32 v6, v4  }
0x21d: {  	v9 =	vand.u32 $0x3, v9;
	v7 =	vadd.s32 v0, v7;
	v6 =	vsel vm0, $0x3F800000, v3  }
0x21e: {  	vm14 =	veq.s32 v8, v1;
	v12 =	vxor.u32 v12, v14;
	vm15 =	veq.s32 v8, v4  }
0x21f: {  	v5 =	vadd.s32 v0, v5;
	v11 =	vshrl.u32 v9, $0x1;
	[tilespmem:s4+$0x2410] =	vst v6;
	v6 =	vsel vm1, $0x3F800000, v3  }
0x220: {  	v8 =	vsel vm14, $0x3F800000, v3;
	vm4 =	veq.s32 v12, v1;
	v5 =	vand.u32 $0x3, v5  }
0x221: {  	vm5 =	veq.s32 v12, v4;
	v10 =	vadd.s32 v0, v10;
	[tilespmem:s0+$0x2410] =	vst v6;
	v15 =	vshrl.u32 v5, $0x1  }
0x222: {  	v6 =	vand.u32 $0x3, v7;
	v7 =	vsel vm15, $0x3F800000, v3;
	[tilespmem:s1+$0x2420] =	vst v8;
	v5 =	vxor.u32 v5, v15  }
0x223: {  	s19 =	sand.u32 $0x3FF80, s6;
	s20 =	sand.u32 $0x1FF80, s5;
	v8 =	vsel vm4, $0x3F800000, v3;
	[tilespmem:s30+$0x2420] =	vst v7;
	v7 =	vand.u32 $0x3, v10;
	vm6 =	veq.s32 v5, v1  }
0x224: {  	s21 =	sand.u32 $0x3FF80, s31;
	s22 =	sand.u32 $0x1FF80, s29;
	s2 =	sand.u32 $0x3FF80, s26;
	[tilespmem:s28+$0x2430] =	vst v8;
	v8 =	vxor.u32 v9, v11;
	vm7 =	veq.s32 v5, v4;
	v5 =	vsel vm6, $0x3F800000, v3  }
0x225: {  	s3 =	sand.u32 $0x1FF80, s25;
	s5 =	sadd.s32 s23, s17;
	v10 =	vsel vm5, $0x3F800000, v3;
	v9 =	vshrl.u32 v6, $0x1;
	vm8 =	veq.s32 v8, v1;
	[tilespmem:s20+$0x2440] =	vst v5;
	s20 =	simm.s32 $0x240  }
0x226: {  	s4 =	sand.u32 $0x3FF80, s24;
	[tilespmem:s19+$0x2430] =	vst v10;
	v5 =	vxor.u32 v6, v9;
	v6 =	vsel vm8, $0x3F800000, v3;
	s6 =	sor.u32 $0x7, s20;
	s18 =	smul.u32 $0xAAAB, s20  }
0x227: {  	[tilespmem:s22+$0x2450] =	vst v6;
	s19 =	sor.u32 $0x2, s20;
	s22 =	sor.u32 $0x3, s20;
	s16 =	sand.u32 $0xFFFF, s6  }
0x228: {  	s7 =	sor.u32 $0x4, s20;
	s8 =	sand.u32 $0xFFFF, s19;
	s1 =	smul.u32 $0xAAAB, s16  }
0x229: {  	vm9 =	veq.s32 v8, v4;
	s10 =	sor.u32 $0x5, s20;
	s11 =	sand.u32 $0xFFFF, s22;
	s8 =	smul.u32 $0xAAAB, s8  }
0x22a: {  	v8 =	vshrl.u32 v7, $0x1;
	v9 =	vsel vm9, $0x3F800000, v3;
	s12 =	sor.u32 $0x6, s20;
	s13 =	sand.u32 $0xFFFF, s7;
	s11 =	smul.u32 $0xAAAB, s11  }
0x22b: {  	v10 =	vsel vm7, $0x3F800000, v3;
	vm10 =	veq.s32 v5, v1;
	v6 =	vxor.u32 v7, v8;
	[tilespmem:s2+$0x2450] =	vst v9;
	s2 =	sadd.s32 s23, s15;
	s14 =	sand.u32 $0xFFFF, s10;
	s23 =	smul.u32 $0xAAAB, s13  }
0x22c: {  	[tilespmem:s21+$0x2440] =	vst v10;
	vm11 =	veq.s32 v5, v4;
	s17 =	sor.u32 $0x1, s20;
	v5 =	vsel vm10, $0x3F800000, v3;
	vm12 =	veq.s32 v6, v1;
	s24 =	sand.u32 $0xFFFF, s12;
	s14 =	smul.u32 $0xAAAB, s14  }
0x22d: {  	s21 =	sand.u32 $0xFFFF, s17;
	[tilespmem:s3+$0x2460] =	vst v5;
	v5 =	vsel vm12, $0x3F800000, v3;
	s13 =	smul.u32 $0xAAAB, s24  }
0x22e: {  	[tilespmem:s5+$0x0] =	vst v5;
	s5 =	smul.u32 $0xAAAB, s21;
	s1 =	sshrl.u32 s1, $0x14  }
0x22f: {  	v7 =	vsel vm11, $0x3F800000, v3;
	vm13 =	veq.s32 v6, v4;
	s8 =	sshrl.u32 s8, $0x14;
	s1 =	smul.u32 $0x18, s1  }
0x230: {  	v6 =	vsel vm13, $0x3F800000, v3;
	s3 =	simm.s32 $0x4800;
	[tilespmem:s4+$0x2460] =	vst v7;
	s11 =	sshrl.u32 s11, $0x14;
	s8 =	smul.u32 $0x18, s8  }
0x231: {  	s16 =	simm.s32 $0x0;
	[tilespmem:s2+$0x0] =	vst v6;
	s13 =	sshrl.u32 s13, $0x14;
	s26 =	smul.u32 $0x18, s11  }
0x232: {  	s2 =	rddreg [dreg:$0x1b];
	s5 =	sshrl.u32 s5, $0x14;
	s11 =	smul.u32 $0x18, s13  }
0x233: {  	[hbm4b:s2+s16] =	stream.linear.scatter [tilespmem:s3], [sflag:$0x1], $0x2400, $0x38;
	[tilespmem:$0xB400] =	vst v63  }
0x234: {  	s3 =	sshrl.u32 s18, $0x14;
	s5 =	smul.u32 $0x18, s5  }
0x235: {  	s14 =	sshrl.u32 s14, $0x14;
	s9 =	smul.u32 $0xC0, s3;
	s0 =	ssub.s32 s6, s1  }
0x236: {  	s1 =	sshrl.u32 s23, $0x14;
	s13 =	smul.u32 $0x18, s3;
	s0 =	sand.u32 $0xFFFF, s0  }
0x237: {  	s4 =	ssub.s32 s19, s8;
	s1 =	smul.u32 $0x18, s1;
	s25 =	sshll.u32 s0, $0x3;
	v5 =	vor.u32 s9, v2  }
0x238: {  	s2 =	ssub.s32 s17, s5;
	s4 =	sand.u32 $0xFFFF, s4;
	s17 =	smul.u32 $0xC00, s3;
	v6 =	vadd.s32 s25, v5  }
0x239: {  	s5 =	ssub.s32 s22, s26;
	s3 =	smul.u32 $0x300, s3;
	s2 =	sand.u32 $0xFFFF, s2  }
0x23a: {  	s9 =	smul.u32 $0x18, s14;
	s5 =	sand.u32 $0xFFFF, s5;
	s8 =	ssub.s32 $0x240, s13  }
0x23b: {  	s15 =	sshll.u32 s4, $0x3;
	s0 =	sshll.u32 s0, $0x4;
	s4 =	sshll.u32 s4, $0x4  }
0x23c: {  	s1 =	ssub.s32 s7, s1;
	s14 =	sshll.u32 s2, $0x3;
	s7 =	ssub.s32 s12, s11  }
0x23d: {  	s8 =	sand.u32 $0xFFFF, s8;
	s18 =	sshll.u32 s5, $0x3;
	s2 =	sshll.u32 s2, $0x4;
	v7 =	vadd.s32 s14, v5;
	v6 =	vld.idx.msk [tilespmem:v6+s16+$0x0], $0xffff  }
0x23e: {  	v8 =	vadd.s32 s15, v5;
	s5 =	sshll.u32 s5, $0x4;
	s24 =	sadd.s32 $0x180, s3;
	s1 =	sand.u32 $0xFFFF, s1  }
0x23f: {  	s6 =	ssub.s32 s10, s9;
	s7 =	sand.u32 $0xFFFF, s7;
	v9 =	vadd.s32 s18, v5;
	s23 =	sshll.u32 s8, $0x3  }
0x240: {  	s9 =	sshrl.u32 s17, $0x2;
	s6 =	sand.u32 $0xFFFF, s6;
	s19 =	sshll.u32 s1, $0x3  }
0x241: {  	s13 =	sadd.s32 s3, s2;
	s2 =	sadd.s32 s2, s24;
	s21 =	sshll.u32 s6, $0x3;
	v10 =	vadd.s32 s19, v5  }
0x242: {  	s14 =	sadd.s32 s3, s4;
	s18 =	sadd.s32 s4, s24;
	s22 =	sshll.u32 s7, $0x3;
	v11 =	vadd.s32 s21, v5;
	v7 =	vld.idx.msk [tilespmem:v7+s16+$0x0], $0xffff;
	v6 =	vadd.s32 v0, v6  }
0x243: {  	s17 =	sadd.s32 $0x2400, s9;
	s15 =	sadd.s32 $0x2580, s9;
	s1 =	sshll.u32 s1, $0x4;
	v12 =	vadd.s32 s22, v5;
	v8 =	vld.idx.msk [tilespmem:v8+s16+$0x0], $0xffff;
	v6 =	vand.u32 $0x3, v6  }
0x244: {  	s7 =	sshll.u32 s7, $0x4;
	v14 =	vadd.s32 s23, v5;
	s23 =	sshll.u32 s8, $0x4;
	s4 =	sand.u32 $0x1FF80, s13;
	v15 =	vld.idx.msk [tilespmem:v9+s16+$0x0], $0xffff;
	v13 =	vshrl.u32 v6, $0x1  }
0x245: {  	s30 =	sand.u32 $0x3FF80, s18;
	s12 =	sshll.u32 s6, $0x4;
	s19 =	sadd.s32 s3, s5;
	v6 =	vxor.u32 v6, v13  }
0x246: {  	s6 =	sadd.s32 s5, s24;
	s5 =	sadd.s32 s3, s1;
	s31 =	sadd.s32 s1, s24;
	v5 =	vld.idx.msk [tilespmem:v10+s16+$0x0], $0xffff;
	vm14 =	veq.s32 v6, v1  }
0x247: {  	s25 =	sadd.s32 s3, s7;
	s22 =	sadd.s32 s0, s15;
	s21 =	sadd.s32 s0, s17;
	v9 =	vld.idx.msk [tilespmem:v11+s16+$0x0], $0xffff;
	vm15 =	veq.s32 v6, v4;
	v6 =	vadd.s32 v0, v7;
	v10 =	vsel vm14, $0x3F800000, v3  }
0x248: {  	s1 =	sand.u32 $0x1FF80, s14;
	s29 =	sadd.s32 s3, s12;
	s26 =	sadd.s32 s12, s24;
	v8 =	vadd.s32 v0, v8;
	v7 =	vld.idx.msk [tilespmem:v12+s16+$0x0], $0xffff;
	v6 =	vand.u32 $0x3, v6;
	[tilespmem:s21+$0x0] =	vst v10;
	v10 =	vsel vm15, $0x3F800000, v3  }
0x249: {  	s24 =	sadd.s32 s7, s24;
	s0 =	sand.u32 $0x3FF80, s2;
	s28 =	sand.u32 $0x1FF80, s19;
	v8 =	vand.u32 $0x3, v8;
	v12 =	vadd.s32 v0, v15;
	v11 =	vshrl.u32 v6, $0x1;
	[tilespmem:s22+$0x0] =	vst v10;
	v10 =	vld.idx.msk [tilespmem:v14+s16+$0x0], $0xffff  }
.LBB2_16:
0x24a: {  	s20 =	sadd.s32 $0x8, s20  }
0x24b: {  	s2 =	sand.u32 $0x3FF80, s6;
	s21 =	sand.u32 $0x1FF80, s5;
	s5 =	smov.u32 s17  }
0x24c: {  	s6 =	smov.u32 s15;
	s31 =	sand.u32 $0x3FF80, s31;
	s26 =	sand.u32 $0x3FF80, s26  }
0x24d: {  	s25 =	sand.u32 $0x1FF80, s25;
	s24 =	sand.u32 $0x3FF80, s24;
	[dreg:$0xa] =	wrdreg s2  }
0x24e: {  	[dreg:$0x6] =	wrdreg s21;
	s9 =	sor.u32 $0x1, s20;
	s2 =	sor.u32 $0x7, s20  }
0x24f: {  	v13 =	vshrl.u32 v8, $0x1;
	s8 =	sor.u32 $0x2, s20;
	s13 =	smul.u32 $0xAAAB, s20;
	s3 =	sand.u32 $0xFFFF, s2  }
0x250: {  	v12 =	vand.u32 $0x3, v12;
	v6 =	vxor.u32 v6, v11;
	s15 =	sor.u32 $0x4, s20;
	v8 =	vxor.u32 v8, v13;
	s10 =	sand.u32 $0xFFFF, s9;
	s3 =	smul.u32 $0xAAAB, s3  }
0x251: {  	v14 =	vshrl.u32 v12, $0x1;
	vm12 =	veq.s32 v6, v1;
	s11 =	sand.u32 $0xFFFF, s8;
	vm8 =	veq.s32 v8, v1;
	s14 =	sshrl.u32 s13, $0x14;
	s13 =	smul.u32 $0xAAAB, s10  }
0x252: {  	s17 =	sor.u32 $0x3, s20;
	vm2 =	veq.s32 v6, v4;
	s18 =	sand.u32 $0xFFFF, s15;
	vm9 =	veq.s32 v8, v4;
	s11 =	smul.u32 $0xAAAB, s11;
	v8 =	vsel vm8, $0x3F800000, v3  }
0x253: {  	s16 =	sor.u32 $0x5, s20;
	s7 =	sor.u32 $0x6, s20;
	s18 =	smul.u32 $0xAAAB, s18;
	v5 =	vadd.s32 v0, v5;
	v9 =	vadd.s32 v0, v9;
	v7 =	vadd.s32 v0, v7  }
0x254: {  	p2 =	slt.u32 s20, $0x358;
	s22 =	smul.u32 $0xC0, s14;
	v5 =	vand.u32 $0x3, v5;
	v9 =	vand.u32 $0x3, v9;
	v7 =	vand.u32 $0x3, v7;
	s3 =	sshrl.u32 s3, $0x14  }
0x255: {  	s12 =	sand.u32 $0xFFFF, s17;
	s19 =	sand.u32 $0xFFFF, s16;
	v15 =	vshrl.u32 v5, $0x1;
	v16 =	vshrl.u32 v9, $0x1;
	v11 =	vshrl.u32 v7, $0x1;
	s3 =	smul.u32 $0x18, s3  }
0x256: {  	s21 =	sand.u32 $0xFFFF, s7;
	s10 =	sand.u32 $0x1FF80, s29;
	s19 =	smul.u32 $0xAAAB, s19;
	v5 =	vxor.u32 v5, v15;
	v9 =	vxor.u32 v9, v16;
	v7 =	vxor.u32 v7, v11  }
0x257: {  	s21 =	smul.u32 $0xAAAB, s21;
	s11 =	sshrl.u32 s11, $0x14;
	s2 =	ssub.s32 s2, s3;
	vm11 =	veq.s32 v5, v1;
	vm1 =	veq.s32 v5, v4;
	v5 =	vor.u32 s22, v2  }
0x258: {  	[tilespmem:s1+$0x2420] =	vst v8;
	s3 =	sshrl.u32 s13, $0x14;
	s22 =	smul.u32 $0xAAAB, s12;
	vm3 =	veq.s32 v7, v1;
	vm7 =	veq.s32 v7, v4;
	v7 =	vsel vm12, $0x3F800000, v3;
	s12 =	sshrl.u32 s19, $0x14  }
0x259: {  	vm5 =	veq.s32 v9, v1;
	vm6 =	veq.s32 v9, v4;
	v9 =	vsel vm9, $0x3F800000, v3;
	s29 =	sand.u32 $0xFFFF, s2;
	[tilespmem:s4+$0x2410] =	vst v7;
	s3 =	smul.u32 $0x18, s3;
	s4 =	sadd.s32 s23, s6  }
0x25a: {  	v12 =	vxor.u32 v12, v14;
	v7 =	vsel vm2, $0x3F800000, v3;
	s6 =	smul.u32 $0x18, s11;
	s11 =	sshrl.u32 s21, $0x14;
	[tilespmem:s30+$0x2420] =	vst v9;
	s13 =	sshll.u32 s29, $0x3  }
0x25b: {  	vm0 =	veq.s32 v12, v1;
	vm10 =	veq.s32 v12, v4;
	v9 =	vsel vm3, $0x3F800000, v3;
	s2 =	sshrl.u32 s22, $0x14;
	s22 =	sadd.s32 s23, s5;
	[tilespmem:s0+$0x2410] =	vst v7;
	s23 =	smul.u32 $0x18, s12  }
0x25c: {  	v10 =	vadd.s32 v0, v10;
	v12 =	vsel vm5, $0x3F800000, v3;
	s12 =	rddreg [dreg:$0xa];
	[tilespmem:s25+$0x2460] =	vst v9;
	s25 =	smul.u32 $0x300, s14;
	v6 =	vadd.s32 s13, v5;
	s13 =	sshrl.u32 s18, $0x14  }
0x25d: {  	v10 =	vand.u32 $0x3, v10;
	v13 =	vsel vm6, $0x3F800000, v3;
	[tilespmem:s10+$0x2450] =	vst v12;
	s9 =	ssub.s32 s9, s3;
	s2 =	smul.u32 $0x18, s2;
	s18 =	simm.s32 $0x0  }
0x25e: {  	v17 =	vshrl.u32 v10, $0x1;
	s0 =	ssub.s32 s8, s6;
	[tilespmem:s26+$0x2450] =	vst v13;
	s26 =	sshll.u32 s29, $0x4;
	s19 =	smul.u32 $0x18, s13  }
0x25f: {  	v10 =	vxor.u32 v10, v17;
	v7 =	vsel vm0, $0x3F800000, v3;
	s1 =	sand.u32 $0xFFFF, s9;
	s8 =	sand.u32 $0xFFFF, s0;
	s21 =	ssub.s32 s17, s2  }
0x260: {  	vm13 =	veq.s32 v10, v1;
	vm4 =	veq.s32 v10, v4;
	v10 =	vsel vm10, $0x3F800000, v3;
	[tilespmem:s28+$0x2430] =	vst v7;
	s17 =	rddreg [dreg:$0x6];
	s13 =	ssub.s32 s15, s19;
	s15 =	smul.u32 $0x18, s11  }
0x261: {  	[tilespmem:s12+$0x2430] =	vst v10;
	s12 =	sshll.u32 s8, $0x3;
	s6 =	sand.u32 $0xFFFF, s21;
	s19 =	smul.u32 $0x18, s14  }
0x262: {  	v11 =	vsel vm11, $0x3F800000, v3;
	s21 =	ssub.s32 s16, s23;
	s23 =	sshll.u32 s1, $0x3;
	s16 =	smul.u32 $0xC00, s14  }
0x263: {  	v8 =	vsel vm1, $0x3F800000, v3;
	[tilespmem:s17+$0x2440] =	vst v11;
	s1 =	sshll.u32 s1, $0x4;
	s9 =	sand.u32 $0xFFFF, s13;
	s11 =	sand.u32 $0xFFFF, s21;
	v6 =	vld.idx.msk [tilespmem:v6+s18+$0x0], $0xffff  }
0x264: {  	[tilespmem:s31+$0x2440] =	vst v8;
	v7 =	vadd.s32 s23, v5;
	v8 =	vadd.s32 s12, v5;
	s17 =	sshll.u32 s6, $0x3;
	s6 =	sshll.u32 s6, $0x4;
	s12 =	sadd.s32 $0x180, s25  }
0x265: {  	s7 =	ssub.s32 s7, s15;
	s10 =	ssub.s32 s20, s19;
	s19 =	sshll.u32 s9, $0x3  }
0x266: {  	v14 =	vsel vm13, $0x3F800000, v3;
	v9 =	vadd.s32 s17, v5;
	s21 =	sshll.u32 s11, $0x3;
	s3 =	sshrl.u32 s16, $0x2;
	s14 =	sshll.u32 s11, $0x4  }
0x267: {  	[tilespmem:s22+$0x0] =	vst v14;
	s22 =	sadd.s32 s25, s6;
	s6 =	sadd.s32 s6, s12;
	s13 =	sand.u32 $0xFFFF, s7  }
0x268: {  	s0 =	sand.u32 $0xFFFF, s10;
	v12 =	vadd.s32 s21, v5;
	s17 =	sadd.s32 $0x2400, s3;
	s23 =	sshll.u32 s13, $0x3;
	v6 =	vadd.s32 v0, v6  }
0x269: {  	v15 =	vsel vm7, $0x3F800000, v3;
	s15 =	sadd.s32 $0x2580, s3;
	s7 =	sshll.u32 s8, $0x4;
	s10 =	sshll.u32 s9, $0x4;
	v13 =	vadd.s32 s23, v5;
	v14 =	vld.idx.msk [tilespmem:v7+s18+$0x0], $0xffff;
	v6 =	vand.u32 $0x3, v6  }
0x26a: {  	[tilespmem:s24+$0x2460] =	vst v15;
	v11 =	vadd.s32 s19, v5;
	s19 =	sadd.s32 s25, s1;
	s1 =	sadd.s32 s1, s12;
	s24 =	sshll.u32 s0, $0x3;
	v8 =	vld.idx.msk [tilespmem:v8+s18+$0x0], $0xffff;
	v10 =	vshrl.u32 v6, $0x1  }
0x26b: {  	s29 =	sadd.s32 s25, s14;
	s28 =	sand.u32 $0x1FF80, s22;
	s8 =	sadd.s32 s26, s17;
	v15 =	vld.idx.msk [tilespmem:v9+s18+$0x0], $0xffff;
	v6 =	vxor.u32 v6, v10;
	v10 =	vadd.s32 s24, v5  }
.Ltmp10:
0x26c: {  	v63 =	vsel vm4, $0x3F800000, v3;
	s2 =	sadd.s32 s26, s15;
	s16 =	sshll.u32 s13, $0x4;
	vm14 =	veq.s32 v6, v1;
	(pc) =	sbr.rel @p2 .LBB2_16-.Ltmp10, $4  }
0x26d: {  	[tilespmem:s4+$0x0] =	vst v63;
	s21 =	sadd.s32 s25, s7;
	s3 =	sadd.s32 s7, s12;
	s5 =	sadd.s32 s25, s10;
	v9 =	vld.idx.msk [tilespmem:v12+s18+$0x0], $0xffff;
	vm15 =	veq.s32 v6, v4;
	v5 =	vsel vm14, $0x3F800000, v3  }
0x26e: {  	s31 =	sadd.s32 s10, s12;
	s26 =	sadd.s32 s14, s12;
	s4 =	sand.u32 $0x1FF80, s19;
	v7 =	vld.idx.msk [tilespmem:v13+s18+$0x0], $0xffff;
	v6 =	vadd.s32 v0, v14;
	[tilespmem:s8+$0x0] =	vst v5;
	v5 =	vsel vm15, $0x3F800000, v3  }
0x26f: {  	s25 =	sadd.s32 s25, s16;
	s23 =	sshll.u32 s0, $0x4;
	s0 =	sand.u32 $0x3FF80, s1;
	v8 =	vadd.s32 v0, v8;
	v6 =	vand.u32 $0x3, v6;
	[tilespmem:s2+$0x0] =	vst v5;
	v5 =	vld.idx.msk [tilespmem:v11+s18+$0x0], $0xffff  }
0x270: {  	s1 =	sand.u32 $0x1FF80, s21;
	s30 =	sand.u32 $0x3FF80, s3;
	s24 =	sadd.s32 s16, s12;
	v8 =	vand.u32 $0x3, v8;
	v12 =	vadd.s32 v0, v15;
	v11 =	vshrl.u32 v6, $0x1;
	v10 =	vld.idx.msk [tilespmem:v10+s18+$0x0], $0xffff  }
0x271: {  	v13 =	vshrl.u32 v8, $0x1;
	v12 =	vand.u32 $0x3, v12  }
0x272: {  	v6 =	vxor.u32 v6, v11;
	v14 =	vshrl.u32 v12, $0x1;
	v9 =	vadd.s32 v0, v9  }
0x273: {  	vm0 =	veq.s32 v6, v1;
	v8 =	vxor.u32 v8, v13;
	vm1 =	veq.s32 v6, v4  }
0x274: {  	v9 =	vand.u32 $0x3, v9;
	v7 =	vadd.s32 v0, v7;
	v6 =	vsel vm0, $0x3F800000, v3  }
0x275: {  	vm14 =	veq.s32 v8, v1;
	v12 =	vxor.u32 v12, v14;
	vm15 =	veq.s32 v8, v4  }
0x276: {  	v5 =	vadd.s32 v0, v5;
	v11 =	vshrl.u32 v9, $0x1;
	[tilespmem:s4+$0x2410] =	vst v6;
	v6 =	vsel vm1, $0x3F800000, v3  }
0x277: {  	v8 =	vsel vm14, $0x3F800000, v3;
	vm4 =	veq.s32 v12, v1;
	v5 =	vand.u32 $0x3, v5  }
0x278: {  	vm5 =	veq.s32 v12, v4;
	v10 =	vadd.s32 v0, v10;
	[tilespmem:s0+$0x2410] =	vst v6;
	v15 =	vshrl.u32 v5, $0x1  }
0x279: {  	v6 =	vand.u32 $0x3, v7;
	v7 =	vsel vm15, $0x3F800000, v3;
	[tilespmem:s1+$0x2420] =	vst v8;
	v5 =	vxor.u32 v5, v15  }
0x27a: {  	s19 =	sand.u32 $0x3FF80, s6;
	s20 =	sand.u32 $0x1FF80, s5;
	v8 =	vsel vm4, $0x3F800000, v3;
	[tilespmem:s30+$0x2420] =	vst v7;
	v7 =	vand.u32 $0x3, v10;
	vm6 =	veq.s32 v5, v1  }
0x27b: {  	s21 =	sand.u32 $0x3FF80, s31;
	s22 =	sand.u32 $0x1FF80, s29;
	s2 =	sand.u32 $0x3FF80, s26;
	[tilespmem:s28+$0x2430] =	vst v8;
	v8 =	vxor.u32 v9, v11;
	vm7 =	veq.s32 v5, v4;
	v5 =	vsel vm6, $0x3F800000, v3  }
0x27c: {  	s3 =	sand.u32 $0x1FF80, s25;
	s5 =	sadd.s32 s23, s17;
	v10 =	vsel vm5, $0x3F800000, v3;
	v9 =	vshrl.u32 v6, $0x1;
	vm8 =	veq.s32 v8, v1;
	[tilespmem:s20+$0x2440] =	vst v5;
	s20 =	simm.s32 $0x360  }
0x27d: {  	s4 =	sand.u32 $0x3FF80, s24;
	[tilespmem:s19+$0x2430] =	vst v10;
	v5 =	vxor.u32 v6, v9;
	v6 =	vsel vm8, $0x3F800000, v3;
	s6 =	sor.u32 $0x7, s20;
	s18 =	smul.u32 $0xAAAB, s20  }
0x27e: {  	[tilespmem:s22+$0x2450] =	vst v6;
	s19 =	sor.u32 $0x2, s20;
	s22 =	sor.u32 $0x3, s20;
	s16 =	sand.u32 $0xFFFF, s6  }
0x27f: {  	s7 =	sor.u32 $0x4, s20;
	s8 =	sand.u32 $0xFFFF, s19;
	s1 =	smul.u32 $0xAAAB, s16  }
0x280: {  	vm9 =	veq.s32 v8, v4;
	s10 =	sor.u32 $0x5, s20;
	s11 =	sand.u32 $0xFFFF, s22;
	s8 =	smul.u32 $0xAAAB, s8  }
0x281: {  	v8 =	vshrl.u32 v7, $0x1;
	v9 =	vsel vm9, $0x3F800000, v3;
	s12 =	sor.u32 $0x6, s20;
	s13 =	sand.u32 $0xFFFF, s7;
	s11 =	smul.u32 $0xAAAB, s11  }
0x282: {  	v10 =	vsel vm7, $0x3F800000, v3;
	vm10 =	veq.s32 v5, v1;
	v6 =	vxor.u32 v7, v8;
	[tilespmem:s2+$0x2450] =	vst v9;
	s2 =	sadd.s32 s23, s15;
	s14 =	sand.u32 $0xFFFF, s10;
	s23 =	smul.u32 $0xAAAB, s13  }
0x283: {  	[tilespmem:s21+$0x2440] =	vst v10;
	vm11 =	veq.s32 v5, v4;
	s17 =	sor.u32 $0x1, s20;
	v5 =	vsel vm10, $0x3F800000, v3;
	vm12 =	veq.s32 v6, v1;
	s24 =	sand.u32 $0xFFFF, s12;
	s14 =	smul.u32 $0xAAAB, s14  }
0x284: {  	s21 =	sand.u32 $0xFFFF, s17;
	[tilespmem:s3+$0x2460] =	vst v5;
	v5 =	vsel vm12, $0x3F800000, v3;
	s13 =	smul.u32 $0xAAAB, s24  }
0x285: {  	[tilespmem:s5+$0x0] =	vst v5;
	s5 =	smul.u32 $0xAAAB, s21;
	s1 =	sshrl.u32 s1, $0x14  }
0x286: {  	v7 =	vsel vm11, $0x3F800000, v3;
	vm13 =	veq.s32 v6, v4;
	s8 =	sshrl.u32 s8, $0x14;
	s1 =	smul.u32 $0x18, s1  }
0x287: {  	v6 =	vsel vm13, $0x3F800000, v3;
	s3 =	simm.s32 $0x6C00;
	[tilespmem:s4+$0x2460] =	vst v7;
	s11 =	sshrl.u32 s11, $0x14;
	s8 =	smul.u32 $0x18, s8  }
0x288: {  	s16 =	simm.s32 $0x0;
	[tilespmem:s2+$0x0] =	vst v6;
	s13 =	sshrl.u32 s13, $0x14;
	s26 =	smul.u32 $0x18, s11  }
0x289: {  	s2 =	rddreg [dreg:$0x1c];
	s5 =	sshrl.u32 s5, $0x14;
	s11 =	smul.u32 $0x18, s13  }
0x28a: {  	[hbm4b:s2+s16] =	stream.linear.scatter [tilespmem:s3], [sflag:$0x1], $0x2400, $0x38;
	[tilespmem:$0xB400] =	vst v63  }
0x28b: {  	s3 =	sshrl.u32 s18, $0x14;
	s5 =	smul.u32 $0x18, s5  }
0x28c: {  	s14 =	sshrl.u32 s14, $0x14;
	s9 =	smul.u32 $0xC0, s3;
	s0 =	ssub.s32 s6, s1  }
0x28d: {  	s1 =	sshrl.u32 s23, $0x14;
	s13 =	smul.u32 $0x18, s3;
	s0 =	sand.u32 $0xFFFF, s0  }
0x28e: {  	s4 =	ssub.s32 s19, s8;
	s1 =	smul.u32 $0x18, s1;
	s25 =	sshll.u32 s0, $0x3;
	v5 =	vor.u32 s9, v2  }
0x28f: {  	s2 =	ssub.s32 s17, s5;
	s4 =	sand.u32 $0xFFFF, s4;
	s17 =	smul.u32 $0xC00, s3;
	v6 =	vadd.s32 s25, v5  }
0x290: {  	s5 =	ssub.s32 s22, s26;
	s3 =	smul.u32 $0x300, s3;
	s2 =	sand.u32 $0xFFFF, s2  }
0x291: {  	s9 =	smul.u32 $0x18, s14;
	s5 =	sand.u32 $0xFFFF, s5;
	s8 =	ssub.s32 $0x360, s13  }
0x292: {  	s15 =	sshll.u32 s4, $0x3;
	s0 =	sshll.u32 s0, $0x4;
	s4 =	sshll.u32 s4, $0x4  }
0x293: {  	s1 =	ssub.s32 s7, s1;
	s14 =	sshll.u32 s2, $0x3;
	s7 =	ssub.s32 s12, s11  }
0x294: {  	s8 =	sand.u32 $0xFFFF, s8;
	s18 =	sshll.u32 s5, $0x3;
	s2 =	sshll.u32 s2, $0x4;
	v7 =	vadd.s32 s14, v5;
	v6 =	vld.idx.msk [tilespmem:v6+s16+$0x0], $0xffff  }
0x295: {  	v8 =	vadd.s32 s15, v5;
	s5 =	sshll.u32 s5, $0x4;
	s24 =	sadd.s32 $0x180, s3;
	s1 =	sand.u32 $0xFFFF, s1  }
0x296: {  	s6 =	ssub.s32 s10, s9;
	s7 =	sand.u32 $0xFFFF, s7;
	v9 =	vadd.s32 s18, v5;
	s23 =	sshll.u32 s8, $0x3  }
0x297: {  	s9 =	sshrl.u32 s17, $0x2;
	s6 =	sand.u32 $0xFFFF, s6;
	s19 =	sshll.u32 s1, $0x3  }
0x298: {  	s13 =	sadd.s32 s3, s2;
	s2 =	sadd.s32 s2, s24;
	s21 =	sshll.u32 s6, $0x3;
	v10 =	vadd.s32 s19, v5  }
0x299: {  	s14 =	sadd.s32 s3, s4;
	s18 =	sadd.s32 s4, s24;
	s22 =	sshll.u32 s7, $0x3;
	v11 =	vadd.s32 s21, v5;
	v7 =	vld.idx.msk [tilespmem:v7+s16+$0x0], $0xffff;
	v6 =	vadd.s32 v0, v6  }
0x29a: {  	s15 =	sadd.s32 $0x2400, s9;
	s17 =	sadd.s32 $0x2580, s9;
	s1 =	sshll.u32 s1, $0x4;
	v12 =	vadd.s32 s22, v5;
	v8 =	vld.idx.msk [tilespmem:v8+s16+$0x0], $0xffff;
	v6 =	vand.u32 $0x3, v6  }
0x29b: {  	s7 =	sshll.u32 s7, $0x4;
	v14 =	vadd.s32 s23, v5;
	s23 =	sshll.u32 s8, $0x4;
	s4 =	sand.u32 $0x3FF80, s13;
	v15 =	vld.idx.msk [tilespmem:v9+s16+$0x0], $0xffff;
	v13 =	vshrl.u32 v6, $0x1  }
0x29c: {  	s30 =	sand.u32 $0x7FF80, s18;
	s12 =	sshll.u32 s6, $0x4;
	s19 =	sadd.s32 s3, s5;
	v6 =	vxor.u32 v6, v13  }
0x29d: {  	s6 =	sadd.s32 s5, s24;
	s5 =	sadd.s32 s3, s1;
	s31 =	sadd.s32 s1, s24;
	v5 =	vld.idx.msk [tilespmem:v10+s16+$0x0], $0xffff;
	vm14 =	veq.s32 v6, v1  }
0x29e: {  	s25 =	sadd.s32 s3, s7;
	s22 =	sadd.s32 s0, s17;
	s21 =	sadd.s32 s0, s15;
	v9 =	vld.idx.msk [tilespmem:v11+s16+$0x0], $0xffff;
	vm15 =	veq.s32 v6, v4;
	v6 =	vadd.s32 v0, v7;
	v10 =	vsel vm14, $0x3F800000, v3  }
0x29f: {  	s1 =	sand.u32 $0x3FF80, s14;
	s29 =	sadd.s32 s3, s12;
	s26 =	sadd.s32 s12, s24;
	v8 =	vadd.s32 v0, v8;
	v7 =	vld.idx.msk [tilespmem:v12+s16+$0x0], $0xffff;
	v6 =	vand.u32 $0x3, v6;
	[tilespmem:s21+$0x0] =	vst v10;
	v10 =	vsel vm15, $0x3F800000, v3  }
0x2a0: {  	s24 =	sadd.s32 s7, s24;
	s0 =	sand.u32 $0x7FF80, s2;
	s28 =	sand.u32 $0x3FF80, s19;
	v8 =	vand.u32 $0x3, v8;
	v12 =	vadd.s32 v0, v15;
	v11 =	vshrl.u32 v6, $0x1;
	[tilespmem:s22+$0x0] =	vst v10;
	v10 =	vld.idx.msk [tilespmem:v14+s16+$0x0], $0xffff  }
.LBB2_18:
0x2a1: {  	s20 =	sadd.s32 $0x8, s20;
	s2 =	sand.u32 $0x7FF80, s6  }
0x2a2: {  	s21 =	sand.u32 $0x3FF80, s5;
	s6 =	smov.u32 s17;
	s5 =	smov.u32 s15  }
0x2a3: {  	s31 =	sand.u32 $0x7FF80, s31;
	s26 =	sand.u32 $0x7FF80, s26;
	s25 =	sand.u32 $0x3FF80, s25  }
0x2a4: {  	[dreg:$0xb] =	wrdreg s2;
	s9 =	sor.u32 $0x1, s20;
	s2 =	sor.u32 $0x7, s20  }
0x2a5: {  	v13 =	vshrl.u32 v8, $0x1;
	s8 =	sor.u32 $0x2, s20;
	s13 =	smul.u32 $0xAAAB, s20;
	s3 =	sand.u32 $0xFFFF, s2  }
0x2a6: {  	v12 =	vand.u32 $0x3, v12;
	v6 =	vxor.u32 v6, v11;
	s15 =	sor.u32 $0x4, s20;
	v8 =	vxor.u32 v8, v13;
	s10 =	sand.u32 $0xFFFF, s9;
	s3 =	smul.u32 $0xAAAB, s3  }
0x2a7: {  	v14 =	vshrl.u32 v12, $0x1;
	vm12 =	veq.s32 v6, v1;
	s11 =	sand.u32 $0xFFFF, s8;
	vm8 =	veq.s32 v8, v1;
	s14 =	sshrl.u32 s13, $0x14;
	s13 =	smul.u32 $0xAAAB, s10  }
0x2a8: {  	s24 =	sand.u32 $0x7FF80, s24;
	vm2 =	veq.s32 v6, v4;
	s18 =	sand.u32 $0xFFFF, s15;
	vm9 =	veq.s32 v8, v4;
	s11 =	smul.u32 $0xAAAB, s11;
	v8 =	vsel vm8, $0x3F800000, v3  }
0x2a9: {  	[dreg:$0x7] =	wrdreg s21;
	s17 =	sor.u32 $0x3, s20;
	s18 =	smul.u32 $0xAAAB, s18;
	v5 =	vadd.s32 v0, v5;
	v9 =	vadd.s32 v0, v9;
	v7 =	vadd.s32 v0, v7  }
0x2aa: {  	s16 =	sor.u32 $0x5, s20;
	s22 =	smul.u32 $0xC0, s14;
	v5 =	vand.u32 $0x3, v5;
	v9 =	vand.u32 $0x3, v9;
	v7 =	vand.u32 $0x3, v7;
	s3 =	sshrl.u32 s3, $0x14  }
0x2ab: {  	s7 =	sor.u32 $0x6, s20;
	s19 =	sand.u32 $0xFFFF, s16;
	v15 =	vshrl.u32 v5, $0x1;
	v16 =	vshrl.u32 v9, $0x1;
	v11 =	vshrl.u32 v7, $0x1;
	s3 =	smul.u32 $0x18, s3  }
0x2ac: {  	s12 =	sand.u32 $0xFFFF, s17;
	s21 =	sand.u32 $0xFFFF, s7;
	s19 =	smul.u32 $0xAAAB, s19;
	v5 =	vxor.u32 v5, v15;
	v9 =	vxor.u32 v9, v16;
	v7 =	vxor.u32 v7, v11  }
0x2ad: {  	s2 =	ssub.s32 s2, s3;
	s3 =	sshrl.u32 s13, $0x14;
	vm11 =	veq.s32 v5, v1;
	vm1 =	veq.s32 v5, v4;
	v5 =	vor.u32 s22, v2;
	s22 =	smul.u32 $0xAAAB, s12  }
0x2ae: {  	s10 =	sand.u32 $0x3FF80, s29;
	[tilespmem:s1+$0x2420] =	vst v8;
	s11 =	sshrl.u32 s11, $0x14;
	vm3 =	veq.s32 v7, v1;
	vm7 =	veq.s32 v7, v4;
	v7 =	vsel vm12, $0x3F800000, v3;
	s3 =	smul.u32 $0x18, s3  }
0x2af: {  	vm5 =	veq.s32 v9, v1;
	vm6 =	veq.s32 v9, v4;
	v9 =	vsel vm9, $0x3F800000, v3;
	s12 =	sshrl.u32 s19, $0x14;
	[tilespmem:s4+$0x2410] =	vst v7;
	s4 =	sadd.s32 s23, s6;
	s6 =	smul.u32 $0x18, s11  }
0x2b0: {  	v12 =	vxor.u32 v12, v14;
	s29 =	sand.u32 $0xFFFF, s2;
	v7 =	vsel vm2, $0x3F800000, v3;
	[tilespmem:s30+$0x2420] =	vst v9;
	s2 =	sshrl.u32 s22, $0x14;
	s22 =	smul.u32 $0xAAAB, s21  }
0x2b1: {  	p2 =	slt.u32 s20, $0x478;
	vm0 =	veq.s32 v12, v1;
	v9 =	vsel vm3, $0x3F800000, v3;
	s21 =	sadd.s32 s23, s5;
	[tilespmem:s0+$0x2410] =	vst v7;
	s23 =	smul.u32 $0x18, s12  }
0x2b2: {  	vm10 =	veq.s32 v12, v4;
	v10 =	vadd.s32 v0, v10;
	v12 =	vsel vm5, $0x3F800000, v3;
	s13 =	sshll.u32 s29, $0x3;
	s12 =	rddreg [dreg:$0xb];
	[tilespmem:s25+$0x2460] =	vst v9;
	s25 =	smul.u32 $0x300, s14  }
0x2b3: {  	v10 =	vand.u32 $0x3, v10;
	v13 =	vsel vm6, $0x3F800000, v3;
	[tilespmem:s10+$0x2450] =	vst v12;
	v6 =	vadd.s32 s13, v5;
	s13 =	sshrl.u32 s18, $0x14;
	s9 =	ssub.s32 s9, s3;
	s2 =	smul.u32 $0x18, s2  }
0x2b4: {  	v17 =	vshrl.u32 v10, $0x1;
	s18 =	simm.s32 $0x0;
	s0 =	ssub.s32 s8, s6;
	[tilespmem:s26+$0x2450] =	vst v13;
	s26 =	sshll.u32 s29, $0x4  }
0x2b5: {  	v10 =	vxor.u32 v10, v17;
	v7 =	vsel vm0, $0x3F800000, v3;
	s11 =	sshrl.u32 s22, $0x14;
	s1 =	sand.u32 $0xFFFF, s9;
	s19 =	smul.u32 $0x18, s13  }
0x2b6: {  	vm13 =	veq.s32 v10, v1;
	vm4 =	veq.s32 v10, v4;
	v10 =	vsel vm10, $0x3F800000, v3;
	[tilespmem:s28+$0x2430] =	vst v7;
	s8 =	sand.u32 $0xFFFF, s0;
	s22 =	ssub.s32 s17, s2;
	s17 =	rddreg [dreg:$0x7]  }
0x2b7: {  	[tilespmem:s12+$0x2430] =	vst v10;
	s12 =	sshll.u32 s8, $0x3;
	s13 =	ssub.s32 s15, s19;
	s15 =	smul.u32 $0x18, s11  }
0x2b8: {  	s6 =	sand.u32 $0xFFFF, s22;
	s19 =	smul.u32 $0x18, s14;
	s22 =	ssub.s32 s16, s23  }
0x2b9: {  	v11 =	vsel vm11, $0x3F800000, v3;
	s23 =	sshll.u32 s1, $0x3;
	s16 =	smul.u32 $0xC00, s14;
	s1 =	sshll.u32 s1, $0x4  }
0x2ba: {  	v8 =	vsel vm1, $0x3F800000, v3;
	[tilespmem:s17+$0x2440] =	vst v11;
	s9 =	sand.u32 $0xFFFF, s13;
	s11 =	sand.u32 $0xFFFF, s22;
	s17 =	sshll.u32 s6, $0x3;
	v6 =	vld.idx.msk [tilespmem:v6+s18+$0x0], $0xffff  }
0x2bb: {  	[tilespmem:s31+$0x2440] =	vst v8;
	v7 =	vadd.s32 s23, v5;
	v8 =	vadd.s32 s12, v5;
	s6 =	sshll.u32 s6, $0x4;
	s12 =	sadd.s32 $0x180, s25;
	s7 =	ssub.s32 s7, s15  }
0x2bc: {  	s10 =	ssub.s32 s20, s19;
	s19 =	sshll.u32 s9, $0x3;
	s22 =	sshll.u32 s11, $0x3  }
0x2bd: {  	v9 =	vadd.s32 s17, v5;
	s3 =	sshrl.u32 s16, $0x2;
	s14 =	sshll.u32 s11, $0x4;
	s13 =	sand.u32 $0xFFFF, s7  }
0x2be: {  	v14 =	vsel vm13, $0x3F800000, v3;
	s0 =	sand.u32 $0xFFFF, s10;
	s15 =	sadd.s32 $0x2400, s3;
	s17 =	sadd.s32 $0x2580, s3  }
0x2bf: {  	v15 =	vsel vm7, $0x3F800000, v3;
	v12 =	vadd.s32 s22, v5;
	s7 =	sshll.u32 s8, $0x4;
	s10 =	sshll.u32 s9, $0x4;
	s23 =	sshll.u32 s13, $0x3;
	v6 =	vadd.s32 v0, v6  }
0x2c0: {  	[tilespmem:s21+$0x0] =	vst v14;
	v11 =	vadd.s32 s19, v5;
	s19 =	sadd.s32 s25, s1;
	s1 =	sadd.s32 s1, s12;
	s22 =	sadd.s32 s25, s6;
	v13 =	vadd.s32 s23, v5;
	v14 =	vld.idx.msk [tilespmem:v7+s18+$0x0], $0xffff;
	v6 =	vand.u32 $0x3, v6  }
0x2c1: {  	[tilespmem:s24+$0x2460] =	vst v15;
	s6 =	sadd.s32 s6, s12;
	s29 =	sadd.s32 s25, s14;
	s24 =	sshll.u32 s0, $0x3;
	v8 =	vld.idx.msk [tilespmem:v8+s18+$0x0], $0xffff;
	v10 =	vshrl.u32 v6, $0x1  }
0x2c2: {  	s8 =	sadd.s32 s26, s15;
	s2 =	sadd.s32 s26, s17;
	s16 =	sshll.u32 s13, $0x4;
	v15 =	vld.idx.msk [tilespmem:v9+s18+$0x0], $0xffff;
	v6 =	vxor.u32 v6, v10;
	v10 =	vadd.s32 s24, v5  }
.Ltmp11:
0x2c3: {  	v63 =	vsel vm4, $0x3F800000, v3;
	s21 =	sadd.s32 s25, s7;
	s3 =	sadd.s32 s7, s12;
	vm14 =	veq.s32 v6, v1;
	(pc) =	sbr.rel @p2 .LBB2_18-.Ltmp11, $4  }
0x2c4: {  	[tilespmem:s4+$0x0] =	vst v63;
	s5 =	sadd.s32 s25, s10;
	s31 =	sadd.s32 s10, s12;
	s7 =	simm.s32 $0x0;
	v9 =	vld.idx.msk [tilespmem:v12+s18+$0x0], $0xffff;
	vm15 =	veq.s32 v6, v4;
	v5 =	vsel vm14, $0x3F800000, v3  }
0x2c5: {  	s26 =	sadd.s32 s14, s12;
	s4 =	sand.u32 $0x3FF80, s19;
	s28 =	sand.u32 $0x3FF80, s22;
	v7 =	vld.idx.msk [tilespmem:v13+s18+$0x0], $0xffff;
	v6 =	vadd.s32 v0, v14;
	[tilespmem:s8+$0x0] =	vst v5;
	v5 =	vsel vm15, $0x3F800000, v3  }
0x2c6: {  	s25 =	sadd.s32 s25, s16;
	s23 =	sshll.u32 s0, $0x4;
	s0 =	sand.u32 $0x7FF80, s1;
	v8 =	vadd.s32 v0, v8;
	v6 =	vand.u32 $0x3, v6;
	[tilespmem:s2+$0x0] =	vst v5;
	v5 =	vld.idx.msk [tilespmem:v11+s18+$0x0], $0xffff  }
0x2c7: {  	s1 =	sand.u32 $0x3FF80, s21;
	s30 =	sand.u32 $0x7FF80, s3;
	s24 =	sadd.s32 s16, s12;
	v8 =	vand.u32 $0x3, v8;
	v12 =	vadd.s32 v0, v15;
	v11 =	vshrl.u32 v6, $0x1;
	v10 =	vld.idx.msk [tilespmem:v10+s18+$0x0], $0xffff  }
0x2c8: {  	v13 =	vshrl.u32 v8, $0x1;
	v12 =	vand.u32 $0x3, v12;
	v6 =	vxor.u32 v6, v11  }
0x2c9: {  	v14 =	vshrl.u32 v12, $0x1;
	v9 =	vadd.s32 v0, v9;
	vm0 =	veq.s32 v6, v1  }
0x2ca: {  	v8 =	vxor.u32 v8, v13;
	vm1 =	veq.s32 v6, v4;
	v9 =	vand.u32 $0x3, v9  }
0x2cb: {  	v7 =	vadd.s32 v0, v7;
	v6 =	vsel vm0, $0x3F800000, v3;
	vm4 =	veq.s32 v8, v1  }
0x2cc: {  	v12 =	vxor.u32 v12, v14;
	vm5 =	veq.s32 v8, v4;
	v5 =	vadd.s32 v0, v5  }
0x2cd: {  	v55 =	vshrl.u32 v9, $0x1;
	[tilespmem:s4+$0x2410] =	vst v6;
	v6 =	vsel vm1, $0x3F800000, v3;
	v56 =	vsel vm4, $0x3F800000, v3  }
0x2ce: {  	vm6 =	veq.s32 v12, v1;
	vm7 =	veq.s32 v12, v4;
	v5 =	vand.u32 $0x3, v5;
	[tilespmem:s0+$0x2410] =	vst v6  }
0x2cf: {  	v6 =	vand.u32 $0x3, v7;
	v7 =	vsel vm5, $0x3F800000, v3;
	[tilespmem:s1+$0x2420] =	vst v56;
	v15 =	vshrl.u32 v5, $0x1  }
0x2d0: {  	v10 =	vadd.s32 v0, v10;
	v57 =	vsel vm6, $0x3F800000, v3;
	[tilespmem:s30+$0x2420] =	vst v7;
	v5 =	vxor.u32 v5, v15  }
0x2d1: {  	s18 =	sand.u32 $0x7FF80, s6;
	v58 =	vsel vm7, $0x3F800000, v3;
	v59 =	vxor.u32 v9, v55;
	[tilespmem:s28+$0x2430] =	vst v57;
	vm8 =	veq.s32 v5, v1  }
0x2d2: {  	s19 =	sand.u32 $0x3FF80, s5;
	v7 =	vand.u32 $0x3, v10;
	[tilespmem:s18+$0x2430] =	vst v58;
	vm9 =	veq.s32 v5, v4;
	v5 =	vsel vm8, $0x3F800000, v3  }
0x2d3: {  	s20 =	sand.u32 $0x7FF80, s31;
	v60 =	vshrl.u32 v6, $0x1;
	vm10 =	veq.s32 v59, v1;
	v61 =	vsel vm9, $0x3F800000, v3;
	[tilespmem:s19+$0x2440] =	vst v5  }
0x2d4: {  	s21 =	sand.u32 $0x3FF80, s29;
	vm11 =	veq.s32 v59, v4;
	v5 =	vxor.u32 v6, v60;
	v6 =	vsel vm10, $0x3F800000, v3;
	[tilespmem:s20+$0x2440] =	vst v61  }
0x2d5: {  	s22 =	sand.u32 $0x7FF80, s26;
	v62 =	vshrl.u32 v7, $0x1;
	v63 =	vsel vm11, $0x3F800000, v3;
	vm12 =	veq.s32 v5, v1;
	[tilespmem:s21+$0x2450] =	vst v6  }
0x2d6: {  	s25 =	sand.u32 $0x3FF80, s25;
	v6 =	vxor.u32 v7, v62;
	vm13 =	veq.s32 v5, v4;
	v5 =	vsel vm12, $0x3F800000, v3;
	[tilespmem:s22+$0x2450] =	vst v63  }
0x2d7: {  	s26 =	sand.u32 $0x7FF80, s24;
	vm14 =	veq.s32 v6, v1;
	v7 =	vsel vm13, $0x3F800000, v3;
	[tilespmem:s25+$0x2460] =	vst v5  }
0x2d8: {  	s28 =	sadd.s32 s23, s15;
	vm15 =	veq.s32 v6, v4;
	v5 =	vsel vm14, $0x3F800000, v3;
	[tilespmem:s26+$0x2460] =	vst v7  }
0x2d9: {  	s29 =	sadd.s32 s23, s17;
	v6 =	vsel vm15, $0x3F800000, v3;
	[tilespmem:s28+$0x0] =	vst v5  }
0x2da: {  	[tilespmem:s29+$0x0] =	vst v6  }
0x2db: {  	s31 =	simm.s32 $0x1;
	s30 =	simm.s32 $0x9000;
	s0 =	rddreg [dreg:$0x1d]  }
0x2dc: {  	[hbm4b:s0+s7] =	stream.linear.scatter [tilespmem:s30], [sflag:$0x1], $0x2400, $0x38;
	[tilespmem:$0xB400] =	vst v63  }
0x2dd: {  	_ =	swait.ge [sflag:s31], $0x2400  }
0x2de: {  	[sflag:s31] =	ssyncset.done $0x0  }
0x2df: {  	[sflag:s31] =	ssyncadd.s32 $0xFFFFDC00  }
0x2e0: {  	_ =	swait.ge [sflag:s31], $0x2400  }
0x2e1: {  	[sflag:s31] =	ssyncset.done $0x0  }
0x2e2: {  	[sflag:s31] =	ssyncadd.s32 $0xFFFFDC00  }
0x2e3: {  	_ =	swait.ge [sflag:s31], $0x2400  }
.Ltmp12:
0x2e4: {  	[sflag:s31] =	ssyncset.done $0x0;
	(pc) =	sbr.rel .LBB2_20-.Ltmp12, $4  }
0x2e5: {  	[sflag:s31] =	ssyncadd.s32 $0xFFFFDC00  }
0x2e6: {  	_ =	swait.ge [sflag:s31], $0x2400  }
0x2e7: {  	[sflag:s31] =	ssyncset.done $0x0  }
0x2e8: {  	s18 =	simm.s32 $0x0;
	s1 =	rddreg [dreg:$0x1f];
	[sflag:s31] =	ssyncadd.s32 $0xFFFFDC00  }
.LBB2_21:
0x2e9: {  	_ =	sfence.sel $0x180000  }
0x2ea: {  	[bflag:$0x0] =	sbarrier.arrive $0xFFFF  }
0x2eb: {  	_ =	strace $0x90000047  }
0x2ec: {  	s0 =	stileid.u32;
	[bflag:$0x2] =	sbarrier.arrive $0xFFFF  }
0x2ed: {  	p0 =	sne.s32 s0, $0x0;
	s0 =	rddreg [dreg:$0x3]  }
0x2ee: {  	s0 =	sadd.s32 @!p0 $0x100000, s0  }
0x2ef: {  	[sflag:s0] =	ssyncadd.tile.s32 @!p0 $0x1;
	_ =	shalt  }
.Lfunc_end2:
_tile_overlayer_lowered:
.L_overlay_start_2:
0x2f0: {  	(tag) =	ssettag $0x2  }
0x2f1: {  	s0 =	rddreg [dreg:$0x0];
	s2 =	stileid.u32  }
0x2f2: {  	s1 =	rddreg [dreg:$0x1];
	p0 =	sne.s32 s2, $0x0  }
0x2f3: {  	s3 =	rddreg [dreg:$0x2];
	[bflag:$0x3] =	sbarrier.arrive $0xFFFF;
	s2 =	simm.s32 @!p0 $0x1C02  }
0x2f4: {  	[timem:s3], [sflag:s2] =	dma.local @!p0 [hbm:s0], s1  }
0x2f5: {  	s0 =	simm.s32 @!p0 $0x2  }
0x2f6: {  	_ =	swait.ge @!p0 [sflag:s0], s1  }
0x2f7: {  	s1 =	ssub.s32 @!p0 $0x0, s1;
	[sflag:s0] =	ssyncset.done @!p0 $0x0  }
0x2f8: {  	[sflag:s0] =	ssyncadd.s32 @!p0 s1  }
0x2f9: {  	[bflag:$0x3] =	sbarrier.arrive $0xFFFF  }
0x2fa: {  	_ =	shalt  }

</sc_bundles>
